<compile_context>
chip_gen: v7x
topology: tpu7x:2x2x1
jax: 0.10.2.dev20260603
libtpu: 0.0.44.dev20260713+nightly
codegen_flags: <defaults>
</compile_context>

<pallas_src>
import functools

import jax
import jax.numpy as jnp
from jax import lax
from jax.experimental import pallas as pl
from jax.experimental.pallas import tpu as pltpu
from jax.experimental.pallas import tpu_sc as plsc

N = 10000
E = 320000
D = 128
EPS = 1e-5
NC = 2
NS = 16
NW = NC * NS
CHUNK = 128
WCH = 80
PCH = 40
NCHT = NW * WCH
EPAD = NCHT * CHUNK
NDUMP = 16
N2 = N + NDUMP
FROWS = 640
LROWS = N - FROWS * (NS - 1)
FLUSH = 80
NPAD = 10240
DEGW = NPAD // NS

_f32 = jnp.float32
_i32 = jnp.int32


def _worker_id():
    return lax.axis_index("s") * NC + lax.axis_index("c")


def _load_my_chunks(hbm2d, buf, w):
    pltpu.sync_copy(hbm2d.at[pl.ds(WCH * w, WCH)], buf)


def _zero_vmem_2d(buf, nrows):
    zeros = jnp.zeros((16,), _f32)

    def body(r, _):
        for k in range(D // 16):
            buf[r, pl.ds(k * 16, 16)] = zeros
        return 0

    lax.fori_loop(0, nrows, body, 0)


def _sc_degree(e3):
    mesh = plsc.VectorSubcoreMesh(core_axis_name="c", subcore_axis_name="s")

    @functools.partial(
        pl.kernel,
        out_type=jax.ShapeDtypeStruct((NC * NPAD,), _f32),
        mesh=mesh,
        scratch_types=[
            pltpu.VMEM_SHARED((NPAD,), _f32),
            pltpu.VMEM((WCH, CHUNK), _i32),
            pltpu.VMEM((CHUNK,), _f32),
            pltpu.VMEM((DEGW,), _f32),
            pltpu.SemaphoreType.DMA,
        ],
    )
    def deg_kernel(e_hbm, out_hbm, deg_sh, didx, ones_v, stage, dsem):
        dst_hbm = e_hbm.at[1]
        c = lax.axis_index("c")
        s = lax.axis_index("s")
        w = _worker_id()

        one16 = jnp.ones((16,), _f32)
        zero16 = jnp.zeros((16,), _f32)
        for k in range(CHUNK // 16):
            ones_v[pl.ds(k * 16, 16)] = one16

        def zbody(i, _):
            stage[pl.ds(i * 16, 16)] = zero16
            return 0
        lax.fori_loop(0, DEGW // 16, zbody, 0)

        pltpu.sync_copy(stage, deg_sh.at[pl.ds(s * DEGW, DEGW)])
        plsc.subcore_barrier()

        _load_my_chunks(dst_hbm, didx, w)
        GRP = 8

        def body(g, _):
            for k in range(GRP):
                pltpu.async_copy(ones_v, deg_sh.at[didx.at[GRP * g + k]],
                                 dsem, add=True)
            for k in range(GRP):
                pltpu.make_async_copy(ones_v, deg_sh.at[didx.at[0]],
                                      dsem).wait()
            return 0
        lax.fori_loop(0, WCH // GRP, body, 0)
        plsc.subcore_barrier()

        pltpu.sync_copy(deg_sh.at[pl.ds(s * DEGW, DEGW)],
                        out_hbm.at[pl.ds(c * NPAD + s * DEGW, DEGW)])

    return deg_kernel(e3)


def _sc_aggregate(h, e3):
    mesh = plsc.VectorSubcoreMesh(core_axis_name="c", subcore_axis_name="s")

    @functools.partial(
        pl.kernel,
        out_type=jax.ShapeDtypeStruct((NC, N, D), _f32),
        mesh=mesh,
        scratch_types=[
            pltpu.VMEM_SHARED((N2, D), _f32),
            pltpu.VMEM((PCH, CHUNK), _i32),
            pltpu.VMEM((PCH, CHUNK), _i32),
            pltpu.VMEM((CHUNK, D), _f32),
            pltpu.VMEM((CHUNK, D), _f32),
            pltpu.SemaphoreType.DMA,
            pltpu.SemaphoreType.DMA,
            pltpu.SemaphoreType.DMA,
            pltpu.SemaphoreType.DMA,
        ],
    )
    def agg_kernel(h_hbm, e_hbm, out_hbm,
                   acc_sh, sidx, didx, rows0, rows1, sg0, sg1, ss0, ss1):
        src_hbm = e_hbm.at[0]
        dst_hbm = e_hbm.at[1]
        c = lax.axis_index("c")
        s = lax.axis_index("s")
        w = _worker_id()

        stage = rows1.at[pl.ds(0, FLUSH)]
        _zero_vmem_2d(rows1, FLUSH)
        nfl = jnp.where(s < NS - 1, FROWS // FLUSH, LROWS // FLUSH)

        def zcopy(f, _):
            pltpu.async_copy(stage, acc_sh.at[pl.ds(s * FROWS + f * FLUSH,
                                                    FLUSH)], sg0)
            return 0

        def zdrain(f, _):
            pltpu.make_async_copy(stage, acc_sh.at[pl.ds(0, FLUSH)],
                                  sg0).wait()
            return 0
        lax.fori_loop(0, nfl, zcopy, 0)
        lax.fori_loop(0, nfl, zdrain, 0)
        plsc.subcore_barrier()

        rows = (rows0, rows1)
        sg = (sg0, sg1)
        ss = (ss0, ss1)

        def gather(j, b):
            pltpu.async_copy(h_hbm.at[sidx.at[j]], rows[b], sg[b])

        def scatter(j, b):
            pltpu.async_copy(rows[b], acc_sh.at[didx.at[j]], ss[b], add=True)

        def gwait(b):
            pltpu.make_async_copy(h_hbm.at[pl.ds(0, CHUNK)], rows[b],
                                  sg[b]).wait()

        def swait(b):
            pltpu.make_async_copy(rows[b], acc_sh.at[didx.at[0]],
                                  ss[b]).wait()

        for ph in range(WCH // PCH):
            cb = WCH * w + ph * PCH
            pltpu.async_copy(src_hbm.at[pl.ds(cb, PCH)], sidx, sg0)
            pltpu.async_copy(dst_hbm.at[pl.ds(cb, PCH)], didx, sg1)
            pltpu.make_async_copy(src_hbm.at[pl.ds(0, PCH)], sidx,
                                  sg0).wait()
            pltpu.make_async_copy(dst_hbm.at[pl.ds(0, PCH)], didx,
                                  sg1).wait()

            gather(0, 0)
            gather(1, 1)
            gwait(0)
            scatter(0, 0)

            def body(g, _):
                for b, off in ((1, 1), (0, 2)):
                    j = 2 * g + off
                    gwait(b)
                    ob = 1 - b
                    swait(ob)
                    gather(jnp.minimum(j + 1, PCH - 1), ob)
                    scatter(j, b)
                return 0
            lax.fori_loop(0, (PCH - 2) // 2, body, 0)

            gwait(1)
            swait(0)
            scatter(PCH - 1, 1)
            swait(1)
        plsc.subcore_barrier()

        def fcopy(f, _):
            r0 = s * FROWS + f * FLUSH
            pltpu.async_copy(acc_sh.at[pl.ds(r0, FLUSH)],
                             out_hbm.at[c, pl.ds(r0, FLUSH)], sg0)
            return 0

        def fdrain(f, _):
            pltpu.make_async_copy(acc_sh.at[pl.ds(0, FLUSH)],
                                  out_hbm.at[c, pl.ds(0, FLUSH)],
                                  sg0).wait()
            return 0
        lax.fori_loop(0, nfl, fcopy, 0)
        lax.fori_loop(0, nfl, fdrain, 0)

    return agg_kernel(h, e3)


BR = 2000
GRID = N // BR


def _dinv_block(degp_ref):
    v = degp_ref[...]
    dg = v[:, 0:1] + v[:, 1:2] + jnp.float32(1.0)
    return lax.rsqrt(dg)


def _tc1(x, W1, degp):
    def body(x_ref, w_ref, degp_ref, o_ref):
        i = pl.program_id(0)
        dinv = _dinv_block(degp_ref)
        h = lax.dot_general(x_ref[...], w_ref[...],
                            (((1,), (1,)), ((), ())),
                            preferred_element_type=_f32)
        o_ref[...] = h * dinv

    return pl.pallas_call(
        body,
        grid=(GRID,),
        in_specs=[
            pl.BlockSpec((BR, D), lambda i: (i, 0)),
            pl.BlockSpec((D, D), lambda i: (0, 0)),
            pl.BlockSpec((BR, NC), lambda i: (i, 0)),
        ],
        out_specs=pl.BlockSpec((BR, D), lambda i: (i, 0)),
        out_shape=jax.ShapeDtypeStruct((N, D), _f32),
    )(x, W1, degp)


def _tc23(acc1, h1p, degp, b1, gamma, beta, W2):
    def body(acc_ref, h_ref, degp_ref, b_ref, g_ref, be_ref, w_ref,
             o_ref, a_scr, s_scr):
        p = pl.program_id(0)
        i = pl.program_id(1)
        dinv = _dinv_block(degp_ref)

        @pl.when(p == 0)
        def _():
            z = (acc_ref[0] + acc_ref[1] + h_ref[...]) * dinv + b_ref[...]
            a = jnp.maximum(z, jnp.float32(0.0))
            a_scr[pl.ds(i * BR, BR), :] = a
            part = jnp.concatenate(
                [jnp.sum(a, axis=0)[None, :],
                 jnp.sum(a * a, axis=0)[None, :]], 0)

            @pl.when(i == 0)
            def _():
                s_scr[...] = part

            @pl.when(i > 0)
            def _():
                s_scr[...] += part

        @pl.when(p == 1)
        def _():
            inv_n = jnp.float32(1.0 / N)
            mean = s_scr[0, :] * inv_n
            var = s_scr[1, :] * inv_n - mean * mean
            scale = lax.rsqrt(var + jnp.float32(EPS)) * g_ref[0, :]
            a = a_scr[pl.ds(i * BR, BR), :]
            h2 = (a - mean[None, :]) * scale[None, :] + be_ref[...]
            h = lax.dot_general(h2, w_ref[...], (((1,), (1,)), ((), ())),
                                preferred_element_type=_f32)
            o_ref[...] = h * dinv

    return pl.pallas_call(
        body,
        grid=(2, GRID),
        in_specs=[
            pl.BlockSpec((NC, BR, D), lambda p, i: (0, i * (1 - p), 0)),
            pl.BlockSpec((BR, D), lambda p, i: (i * (1 - p), 0)),
            pl.BlockSpec((BR, NC), lambda p, i: (i, 0)),
            pl.BlockSpec((1, D), lambda p, i: (0, 0)),
            pl.BlockSpec((1, D), lambda p, i: (0, 0)),
            pl.BlockSpec((1, D), lambda p, i: (0, 0)),
            pl.BlockSpec((D, D), lambda p, i: (0, 0)),
        ],
        out_specs=pl.BlockSpec((BR, D), lambda p, i: (i * p, 0)),
        out_shape=jax.ShapeDtypeStruct((N, D), _f32),
        scratch_shapes=[
            pltpu.VMEM((N, D), _f32),
            pltpu.VMEM((2, D), _f32),
        ],
    )(acc1, h1p, degp, b1, gamma, beta, W2)


def _tc4(acc2, h2p, degp, b2):
    def body(acc_ref, h_ref, degp_ref, b_ref, o_ref):
        i = pl.program_id(0)
        dinv = _dinv_block(degp_ref)
        o_ref[...] = ((acc_ref[0] + acc_ref[1] + h_ref[...]) * dinv
                      + b_ref[...])

    return pl.pallas_call(
        body,
        grid=(GRID,),
        in_specs=[
            pl.BlockSpec((NC, BR, D), lambda i: (0, i, 0)),
            pl.BlockSpec((BR, D), lambda i: (i, 0)),
            pl.BlockSpec((BR, NC), lambda i: (i, 0)),
            pl.BlockSpec((1, D), lambda i: (0, 0)),
        ],
        out_specs=pl.BlockSpec((BR, D), lambda i: (i, 0)),
        out_shape=jax.ShapeDtypeStruct((N, D), _f32),
    )(acc2, h2p, degp, b2)


def kernel(x, edge_index, W1, b1, gamma, beta, W2, b2):
    ei = edge_index.astype(_i32)
    pad = jnp.arange(EPAD - E, dtype=_i32)
    pad2 = jnp.stack([pad % N, N + pad % NDUMP])
    e3 = jnp.concatenate([ei, pad2], axis=1).reshape(2, NCHT, CHUNK)
    b1r = b1.reshape(1, D)
    b2r = b2.reshape(1, D)
    gr = gamma.reshape(1, D)
    br = beta.reshape(1, D)

    degp = _sc_degree(e3).reshape(NC, NPAD).T
    h1p = _tc1(x, W1, degp)
    acc1 = _sc_aggregate(h1p, e3)
    h2p = _tc23(acc1, h1p, degp, b1r, gr, br, W2)
    acc2 = _sc_aggregate(h2p, e3)
    return _tc4(acc2, h2p, degp, b2r)

# --- scband reference (transcript-rebuilt; emitter-appended) ---
"""Pipeline reference for scband-gcn-encoder-22179211117090 (READ-ONLY COPY).

The authoritative reference and input builder live on the scoring server;
editing this copy changes nothing except your own understanding.
"""

import jax, jax.numpy as jnp
import numpy as np

N_NODES = 10000
N_EDGES = 320000
D_IN = 128
D_HID = 128
EPS = 1e-5


def setup_inputs(seed: int = 0) -> dict:
    key = jax.random.key(seed)
    k0, k1, k2, k3 = jax.random.split(key, 4)
    x = jax.random.normal(k0, (N_NODES, D_IN), dtype=jnp.float32)
    edge_index = jax.random.randint(k1, (2, N_EDGES), 0, N_NODES, dtype=jnp.int64)
    # GCNConv layer 1 params (glorot-ish init)
    s1 = (6.0 / (D_IN + D_HID)) ** 0.5
    W1 = jax.random.uniform(k2, (D_HID, D_IN), dtype=jnp.float32, minval=-s1, maxval=s1)
    b1 = jnp.zeros((D_HID,), dtype=jnp.float32)
    # BatchNorm1d params
    gamma = jnp.ones((D_HID,), dtype=jnp.float32)
    beta = jnp.zeros((D_HID,), dtype=jnp.float32)
    # GCNConv layer 2 params
    s2 = (6.0 / (D_HID + D_HID)) ** 0.5
    W2 = jax.random.uniform(k3, (D_HID, D_HID), dtype=jnp.float32, minval=-s2, maxval=s2)
    b2 = jnp.zeros((D_HID,), dtype=jnp.float32)
    return {"x": x, "edge_index": edge_index, "W1": W1, "b1": b1,
            "gamma": gamma, "beta": beta, "W2": W2, "b2": b2}


def _gcn_conv(x, src, dst, W, b, n_nodes):
    # PyG GCNConv: linear transform, then propagate with sym-normalized adj + self loops
    h = x @ W.T
    loop = jnp.arange(n_nodes, dtype=src.dtype)
    src2 = jnp.concatenate([src, loop])
    dst2 = jnp.concatenate([dst, loop])
    ew = jnp.ones(src2.shape[0], dtype=x.dtype)
    deg = jax.ops.segment_sum(ew, dst2, num_segments=n_nodes)
    dinv = jnp.where(deg > 0, deg ** -0.5, 0.0)
    norm = dinv[src2] * ew * dinv[dst2]
    msg = h[src2] * norm[:, None]
    out = jax.ops.segment_sum(msg, dst2, num_segments=n_nodes)
    return out + b


def reference(x, edge_index, W1, b1, gamma, beta, W2, b2):
    src, dst = edge_index[0], edge_index[1]
    n = x.shape[0]
    h = _gcn_conv(x, src, dst, W1, b1, n)
    # transition: ReLU -> BatchNorm1d (training-mode batch stats) -> Dropout(identity)
    h = jax.nn.relu(h)
    mean = jnp.mean(h, axis=0)
    var = jnp.var(h, axis=0)
    h = (h - mean) / jnp.sqrt(var + EPS) * gamma + beta
    out = _gcn_conv(h, src, dst, W2, b2, n)
    return out

if __name__ == "__main__":
    import jax
    _d = setup_inputs()
    print(jax.jit(kernel)(*tuple(_d.values())))

</pallas_src>

<mosaic_0001>
#map = affine_map<(d0, d1) -> (0, 0)>
#map1 = affine_map<(d0, d1) -> (0, 0, 0)>
module attributes {stable_mosaic.version = 14 : i64} {
  func.func @agg_kernel(%arg0: i32, %arg1: i32, %arg2: memref<10000x128xf32, #tpu.memory_space<hbm>>, %arg3: memref<2x2560x128xi32, #tpu.memory_space<hbm>>, %arg4: memref<2x10000x128xf32, #tpu.memory_space<hbm>>, %arg5: memref<10016x128xf32, #tpu.memory_space<vmem_shared>>, %arg6: memref<40x128xi32, #tpu.memory_space<vmem>>, %arg7: memref<40x128xi32, #tpu.memory_space<vmem>>, %arg8: memref<128x128xf32, #tpu.memory_space<vmem>>, %arg9: memref<128x128xf32, #tpu.memory_space<vmem>>, %arg10: memref<!tpu.dma_semaphore, #tpu.memory_space<semaphore_mem>>, %arg11: memref<!tpu.dma_semaphore, #tpu.memory_space<semaphore_mem>>, %arg12: memref<!tpu.dma_semaphore, #tpu.memory_space<semaphore_mem>>, %arg13: memref<!tpu.dma_semaphore, #tpu.memory_space<semaphore_mem>>) attributes {dimension_semantics = [#tpu.dimension_semantics<core_parallel>, #tpu.dimension_semantics<subcore_parallel>], iteration_bounds = array<i64: 2, 16>, scalar_prefetch = 0 : i64, scratch_operands = 9 : i64, tpu.core_type = #tpu.core_type<sc_vector_subcore>, window_params = [{transform_indices = #map}, {transform_indices = #map1}, {transform_indices = #map1}]} {
    %mul3A = arith.constant 2 : i32
    %mul3A_0 = arith.muli %arg1, %mul3A : i32
    %add3A = arith.addi %mul3A_0, %arg0 : i32
    %broadcast_in_dim3A = arith.constant 0.000000e+00 : f32
    %broadcast_in_dim3A_1 = vector.broadcast %broadcast_in_dim3A : f32 to vector<16xf32>
    %scan3A = arith.constant 0 : i32
    %scan3A_2 = arith.constant 0 : i32
    %scan3A_3 = arith.constant 80 : i32
    %scan3A_4 = arith.addi %scan3A_2, %scan3A_3 : i32
    %scan3A_5 = arith.constant 1 : i32
    %scan3A_6 = scf.for %scan3A_298 = %scan3A_2 to %scan3A_4 step %scan3A_5 iter_args(%scan3A_299 = %scan3A) -> (i32)  : i32 {
      %swap3A = arith.index_cast %scan3A_298 : i32 to index
      %swap3A_300 = arith.constant 0 : index
      %swap3A_301 = tpu.vector_load %arg9[%swap3A, %swap3A_300] {strides = array<i32>} : memref<128x128xf32, #tpu.memory_space<vmem>>, vector<1x16xf32>,
      %swap3A_302 = vector.shape_cast %swap3A_301 : vector<1x16xf32> to vector<16xf32>
      %swap3A_303 = vector.shape_cast %broadcast_in_dim3A_1 : vector<16xf32> to vector<1x16xf32>
      tpu.vector_store %arg9[%swap3A, %swap3A_300], %swap3A_303 {strides = array<i32>} : memref<128x128xf32, #tpu.memory_space<vmem>>, vector<1x16xf32>,
      %swap3A_304 = arith.index_cast %scan3A_298 : i32 to index
      %swap3A_305 = arith.constant 16 : index
      %swap3A_306 = tpu.vector_load %arg9[%swap3A_304, %swap3A_305] {strides = array<i32>} : memref<128x128xf32, #tpu.memory_space<vmem>>, vector<1x16xf32>,
      %swap3A_307 = vector.shape_cast %swap3A_306 : vector<1x16xf32> to vector<16xf32>
      %swap3A_308 = vector.shape_cast %broadcast_in_dim3A_1 : vector<16xf32> to vector<1x16xf32>
      tpu.vector_store %arg9[%swap3A_304, %swap3A_305], %swap3A_308 {strides = array<i32>} : memref<128x128xf32, #tpu.memory_space<vmem>>, vector<1x16xf32>,
      %swap3A_309 = arith.index_cast %scan3A_298 : i32 to index
      %swap3A_310 = arith.constant 32 : index
      %swap3A_311 = tpu.vector_load %arg9[%swap3A_309, %swap3A_310] {strides = array<i32>} : memref<128x128xf32, #tpu.memory_space<vmem>>, vector<1x16xf32>,
      %swap3A_312 = vector.shape_cast %swap3A_311 : vector<1x16xf32> to vector<16xf32>
      %swap3A_313 = vector.shape_cast %broadcast_in_dim3A_1 : vector<16xf32> to vector<1x16xf32>
      tpu.vector_store %arg9[%swap3A_309, %swap3A_310], %swap3A_313 {strides = array<i32>} : memref<128x128xf32, #tpu.memory_space<vmem>>, vector<1x16xf32>,
      %swap3A_314 = arith.index_cast %scan3A_298 : i32 to index
      %swap3A_315 = arith.constant 48 : index
      %swap3A_316 = tpu.vector_load %arg9[%swap3A_314, %swap3A_315] {strides = array<i32>} : memref<128x128xf32, #tpu.memory_space<vmem>>, vector<1x16xf32>,
      %swap3A_317 = vector.shape_cast %swap3A_316 : vector<1x16xf32> to vector<16xf32>
      %swap3A_318 = vector.shape_cast %broadcast_in_dim3A_1 : vector<16xf32> to vector<1x16xf32>
      tpu.vector_store %arg9[%swap3A_314, %swap3A_315], %swap3A_318 {strides = array<i32>} : memref<128x128xf32, #tpu.memory_space<vmem>>, vector<1x16xf32>,
      %swap3A_319 = arith.index_cast %scan3A_298 : i32 to index
      %swap3A_320 = arith.constant 64 : index
      %swap3A_321 = tpu.vector_load %arg9[%swap3A_319, %swap3A_320] {strides = array<i32>} : memref<128x128xf32, #tpu.memory_space<vmem>>, vector<1x16xf32>,
      %swap3A_322 = vector.shape_cast %swap3A_321 : vector<1x16xf32> to vector<16xf32>
      %swap3A_323 = vector.shape_cast %broadcast_in_dim3A_1 : vector<16xf32> to vector<1x16xf32>
      tpu.vector_store %arg9[%swap3A_319, %swap3A_320], %swap3A_323 {strides = array<i32>} : memref<128x128xf32, #tpu.memory_space<vmem>>, vector<1x16xf32>,
      %swap3A_324 = arith.index_cast %scan3A_298 : i32 to index
      %swap3A_325 = arith.constant 80 : index
      %swap3A_326 = tpu.vector_load %arg9[%swap3A_324, %swap3A_325] {strides = array<i32>} : memref<128x128xf32, #tpu.memory_space<vmem>>, vector<1x16xf32>,
      %swap3A_327 = vector.shape_cast %swap3A_326 : vector<1x16xf32> to vector<16xf32>
      %swap3A_328 = vector.shape_cast %broadcast_in_dim3A_1 : vector<16xf32> to vector<1x16xf32>
      tpu.vector_store %arg9[%swap3A_324, %swap3A_325], %swap3A_328 {strides = array<i32>} : memref<128x128xf32, #tpu.memory_space<vmem>>, vector<1x16xf32>,
      %swap3A_329 = arith.index_cast %scan3A_298 : i32 to index
      %swap3A_330 = arith.constant 96 : index
      %swap3A_331 = tpu.vector_load %arg9[%swap3A_329, %swap3A_330] {strides = array<i32>} : memref<128x128xf32, #tpu.memory_space<vmem>>, vector<1x16xf32>,
      %swap3A_332 = vector.shape_cast %swap3A_331 : vector<1x16xf32> to vector<16xf32>
      %swap3A_333 = vector.shape_cast %broadcast_in_dim3A_1 : vector<16xf32> to vector<1x16xf32>
      tpu.vector_store %arg9[%swap3A_329, %swap3A_330], %swap3A_333 {strides = array<i32>} : memref<128x128xf32, #tpu.memory_space<vmem>>, vector<1x16xf32>,
      %swap3A_334 = arith.index_cast %scan3A_298 : i32 to index
      %swap3A_335 = arith.constant 112 : index
      %swap3A_336 = tpu.vector_load %arg9[%swap3A_334, %swap3A_335] {strides = array<i32>} : memref<128x128xf32, #tpu.memory_space<vmem>>, vector<1x16xf32>,
      %swap3A_337 = vector.shape_cast %swap3A_336 : vector<1x16xf32> to vector<16xf32>
      %swap3A_338 = vector.shape_cast %broadcast_in_dim3A_1 : vector<16xf32> to vector<1x16xf32>
      tpu.vector_store %arg9[%swap3A_334, %swap3A_335], %swap3A_338 {strides = array<i32>} : memref<128x128xf32, #tpu.memory_space<vmem>>, vector<1x16xf32>,
      %scan3A_339 = arith.constant 0 : i32
      scf.yield %scan3A_339 : i32
    }
    %scan3A_7 = arith.constant 80 : i32
    %lt3A = arith.constant 15 : i32
    %lt3A_8 = arith.cmpi slt, %arg1, %lt3A : i32
    %jit3A = arith.constant 8 : i32
    %jit3A_9 = arith.constant 5 : i32
    %select_n3A = arith.select %lt3A_8, %jit3A, %jit3A_9 : i32
    %while3A = arith.constant 0 : i32
    %while3A_10 = arith.constant 0 : i32
    %while3A_11 = arith.subi %select_n3A, %while3A : i32
    %while3A_12 = arith.addi %while3A, %while3A_11 : i32
    %while3A_13 = arith.constant 1 : i32
    %while3A_14 = arith.divsi %while3A_11, %while3A_13 : i32
    %while3A_15 = arith.muli %while3A_14, %while3A_13 : i32
    %while3A_16 = arith.addi %while3A, %while3A_15 : i32
    %while3A_17 = arith.constant 1 : i32
    %while3A_18 = scf.for %while3A_298 = %while3A to %while3A_16 step %while3A_17 iter_args(%while3A_299 = %while3A_10) -> (i32)  : i32 {
      %mul3A_300 = arith.constant 640 : i32
      %mul3A_301 = arith.muli %arg1, %mul3A_300 : i32
      %mul3A_302 = arith.constant 80 : i32
      %mul3A_303 = arith.muli %while3A_298, %mul3A_302 : i32
      %add3A_304 = arith.addi %mul3A_301, %mul3A_303 : i32
      %dma_start3A_305 = arith.constant 0 : i32
      %dma_start3A_306 = arith.constant 0 : i32
      %dma_start3A_307 = tpu.memref_slice %arg9[%dma_start3A_305, %dma_start3A_306] : memref<128x128xf32, #tpu.memory_space<vmem>> -> memref<80x128xf32, #tpu.memory_space<vmem>>
      %dma_start3A_308 = arith.constant 0 : i32
      %dma_start3A_309 = tpu.memref_slice %arg5[%add3A_304, %dma_start3A_308] : memref<10016x128xf32, #tpu.memory_space<vmem_shared>> -> memref<80x128xf32, #tpu.memory_space<vmem_shared>>
      %dma_start3A_310 = arith.constant 0 : i32
      %dma_start3A_311 = tpu.memref_slice %arg5[%add3A_304, %dma_start3A_310] : memref<10016x128xf32, #tpu.memory_space<vmem_shared>> -> memref<80x128xf32, #tpu.memory_space<vmem_shared>>
      %dma_start3A_312 = arith.constant 0 : i32
      %dma_start3A_313 = arith.constant 0 : i32
      %dma_start3A_314 = tpu.memref_slice %arg9[%dma_start3A_312, %dma_start3A_313] : memref<128x128xf32, #tpu.memory_space<vmem>> -> memref<80x128xf32, #tpu.memory_space<vmem>>
      tpu.enqueue_dma source(%dma_start3A_314 : memref<80x128xf32, #tpu.memory_space<vmem>>) target(%dma_start3A_311 : memref<80x128xf32, #tpu.memory_space<vmem_shared>>) target_semaphore(%arg10 : memref<!tpu.dma_semaphore, #tpu.memory_space<semaphore_mem>>)
      %while3A_315 = arith.constant 0 : i32
      scf.yield %while3A_315 : i32
    }
    %while3A_19 = arith.constant 1 : i32
    %while3A_20 = scf.for %while3A_298 = %while3A_16 to %while3A_12 step %while3A_19 iter_args(%while3A_299 = %while3A_18) -> (i32)  : i32 {
      %mul3A_300 = arith.constant 640 : i32
      %mul3A_301 = arith.muli %arg1, %mul3A_300 : i32
      %mul3A_302 = arith.constant 80 : i32
      %mul3A_303 = arith.muli %while3A_298, %mul3A_302 : i32
      %add3A_304 = arith.addi %mul3A_301, %mul3A_303 : i32
      %dma_start3A_305 = arith.constant 0 : i32
      %dma_start3A_306 = arith.constant 0 : i32
      %dma_start3A_307 = tpu.memref_slice %arg9[%dma_start3A_305, %dma_start3A_306] : memref<128x128xf32, #tpu.memory_space<vmem>> -> memref<80x128xf32, #tpu.memory_space<vmem>>
      %dma_start3A_308 = arith.constant 0 : i32
      %dma_start3A_309 = tpu.memref_slice %arg5[%add3A_304, %dma_start3A_308] : memref<10016x128xf32, #tpu.memory_space<vmem_shared>> -> memref<80x128xf32, #tpu.memory_space<vmem_shared>>
      %dma_start3A_310 = arith.constant 0 : i32
      %dma_start3A_311 = tpu.memref_slice %arg5[%add3A_304, %dma_start3A_310] : memref<10016x128xf32, #tpu.memory_space<vmem_shared>> -> memref<80x128xf32, #tpu.memory_space<vmem_shared>>
      %dma_start3A_312 = arith.constant 0 : i32
      %dma_start3A_313 = arith.constant 0 : i32
      %dma_start3A_314 = tpu.memref_slice %arg9[%dma_start3A_312, %dma_start3A_313] : memref<128x128xf32, #tpu.memory_space<vmem>> -> memref<80x128xf32, #tpu.memory_space<vmem>>
      tpu.enqueue_dma source(%dma_start3A_314 : memref<80x128xf32, #tpu.memory_space<vmem>>) target(%dma_start3A_311 : memref<80x128xf32, #tpu.memory_space<vmem_shared>>) target_semaphore(%arg10 : memref<!tpu.dma_semaphore, #tpu.memory_space<semaphore_mem>>)
      %while3A_315 = arith.constant 0 : i32
      scf.yield %while3A_315 : i32
    }
    %while3A_21 = arith.constant 0 : i32
    %while3A_22 = arith.constant 0 : i32
    %while3A_23 = arith.subi %select_n3A, %while3A_21 : i32
    %while3A_24 = arith.addi %while3A_21, %while3A_23 : i32
    %while3A_25 = arith.constant 1 : i32
    %while3A_26 = arith.divsi %while3A_23, %while3A_25 : i32
    %while3A_27 = arith.muli %while3A_26, %while3A_25 : i32
    %while3A_28 = arith.addi %while3A_21, %while3A_27 : i32
    %while3A_29 = arith.constant 1 : i32
    %while3A_30 = scf.for %while3A_298 = %while3A_21 to %while3A_28 step %while3A_29 iter_args(%while3A_299 = %while3A_22) -> (i32)  : i32 {
      %dma_wait3A_300 = arith.constant 0 : i32
      %dma_wait3A_301 = arith.constant 0 : i32
      %dma_wait3A_302 = tpu.memref_slice %arg9[%dma_wait3A_300, %dma_wait3A_301] : memref<128x128xf32, #tpu.memory_space<vmem>> -> memref<80x128xf32, #tpu.memory_space<vmem>>
      %dma_wait3A_303 = arith.constant 0 : i32
      %dma_wait3A_304 = arith.constant 0 : i32
      %dma_wait3A_305 = tpu.memref_slice %arg5[%dma_wait3A_303, %dma_wait3A_304] : memref<10016x128xf32, #tpu.memory_space<vmem_shared>> -> memref<80x128xf32, #tpu.memory_space<vmem_shared>>
      %dma_wait3A_306 = arith.constant 0 : i32
      %dma_wait3A_307 = arith.constant 0 : i32
      %dma_wait3A_308 = tpu.memref_slice %arg5[%dma_wait3A_306, %dma_wait3A_307] : memref<10016x128xf32, #tpu.memory_space<vmem_shared>> -> memref<80x128xf32, #tpu.memory_space<vmem_shared>>
      %dma_wait3A_309 = arith.constant 0 : i32
      %dma_wait3A_310 = arith.constant 0 : i32
      %dma_wait3A_311 = tpu.memref_slice %arg9[%dma_wait3A_309, %dma_wait3A_310] : memref<128x128xf32, #tpu.memory_space<vmem>> -> memref<80x128xf32, #tpu.memory_space<vmem>>
      tpu.wait_dma2 semaphore(%arg10 : memref<!tpu.dma_semaphore, #tpu.memory_space<semaphore_mem>>) src(%dma_wait3A_311 : memref<80x128xf32, #tpu.memory_space<vmem>>) dst(%dma_wait3A_308 : memref<80x128xf32, #tpu.memory_space<vmem_shared>>)
      %while3A_312 = arith.constant 0 : i32
      scf.yield %while3A_312 : i32
    }
    %while3A_31 = arith.constant 1 : i32
    %while3A_32 = scf.for %while3A_298 = %while3A_28 to %while3A_24 step %while3A_31 iter_args(%while3A_299 = %while3A_30) -> (i32)  : i32 {
      %dma_wait3A_300 = arith.constant 0 : i32
      %dma_wait3A_301 = arith.constant 0 : i32
      %dma_wait3A_302 = tpu.memref_slice %arg9[%dma_wait3A_300, %dma_wait3A_301] : memref<128x128xf32, #tpu.memory_space<vmem>> -> memref<80x128xf32, #tpu.memory_space<vmem>>
      %dma_wait3A_303 = arith.constant 0 : i32
      %dma_wait3A_304 = arith.constant 0 : i32
      %dma_wait3A_305 = tpu.memref_slice %arg5[%dma_wait3A_303, %dma_wait3A_304] : memref<10016x128xf32, #tpu.memory_space<vmem_shared>> -> memref<80x128xf32, #tpu.memory_space<vmem_shared>>
      %dma_wait3A_306 = arith.constant 0 : i32
      %dma_wait3A_307 = arith.constant 0 : i32
      %dma_wait3A_308 = tpu.memref_slice %arg5[%dma_wait3A_306, %dma_wait3A_307] : memref<10016x128xf32, #tpu.memory_space<vmem_shared>> -> memref<80x128xf32, #tpu.memory_space<vmem_shared>>
      %dma_wait3A_309 = arith.constant 0 : i32
      %dma_wait3A_310 = arith.constant 0 : i32
      %dma_wait3A_311 = tpu.memref_slice %arg9[%dma_wait3A_309, %dma_wait3A_310] : memref<128x128xf32, #tpu.memory_space<vmem>> -> memref<80x128xf32, #tpu.memory_space<vmem>>
      tpu.wait_dma2 semaphore(%arg10 : memref<!tpu.dma_semaphore, #tpu.memory_space<semaphore_mem>>) src(%dma_wait3A_311 : memref<80x128xf32, #tpu.memory_space<vmem>>) dst(%dma_wait3A_308 : memref<80x128xf32, #tpu.memory_space<vmem_shared>>)
      %while3A_312 = arith.constant 0 : i32
      scf.yield %while3A_312 : i32
    }
    %barrier3A = arith.constant 0 : index
    tpu.barrier barrier_id(%barrier3A)
    %mul3A_33 = arith.constant 80 : i32
    %mul3A_34 = arith.muli %mul3A_33, %add3A : i32
    %add3A_35 = arith.constant 0 : i32
    %add3A_36 = arith.addi %mul3A_34, %add3A_35 : i32
    %dma_start3A = arith.constant 0 : i32
    %dma_start3A_37 = arith.constant 0 : i32
    %dma_start3A_38 = arith.constant 0 : i32
    %dma_start3A_39 = tpu.memref_slice %arg3[%dma_start3A, %dma_start3A_37, %dma_start3A_38] : memref<2x2560x128xi32, #tpu.memory_space<hbm>> -> memref<1x2560x128xi32, #tpu.memory_space<hbm>>
    %dma_start3A_40 = tpu.memref_squeeze %dma_start3A_39 : memref<1x2560x128xi32, #tpu.memory_space<hbm>> -> memref<2560x128xi32, #tpu.memory_space<hbm>>
    %dma_start3A_41 = arith.constant 0 : i32
    %dma_start3A_42 = tpu.memref_slice %dma_start3A_40[%add3A_36, %dma_start3A_41] : memref<2560x128xi32, #tpu.memory_space<hbm>> -> memref<40x128xi32, #tpu.memory_space<hbm>>
    %dma_start3A_43 = arith.constant 0 : i32
    %dma_start3A_44 = arith.constant 0 : i32
    %dma_start3A_45 = tpu.memref_slice %arg3[%dma_start3A, %dma_start3A_43, %dma_start3A_44] : memref<2x2560x128xi32, #tpu.memory_space<hbm>> -> memref<1x2560x128xi32, #tpu.memory_space<hbm>>
    %dma_start3A_46 = tpu.memref_squeeze %dma_start3A_45 : memref<1x2560x128xi32, #tpu.memory_space<hbm>> -> memref<2560x128xi32, #tpu.memory_space<hbm>>
    %dma_start3A_47 = arith.constant 0 : i32
    %dma_start3A_48 = tpu.memref_slice %dma_start3A_46[%add3A_36, %dma_start3A_47] : memref<2560x128xi32, #tpu.memory_space<hbm>> -> memref<40x128xi32, #tpu.memory_space<hbm>>
    tpu.enqueue_dma source(%dma_start3A_48 : memref<40x128xi32, #tpu.memory_space<hbm>>) target(%arg6 : memref<40x128xi32, #tpu.memory_space<vmem>>) target_semaphore(%arg10 : memref<!tpu.dma_semaphore, #tpu.memory_space<semaphore_mem>>)
    %dma_start3A_49 = arith.constant 1 : i32
    %dma_start3A_50 = arith.constant 0 : i32
    %dma_start3A_51 = arith.constant 0 : i32
    %dma_start3A_52 = tpu.memref_slice %arg3[%dma_start3A_49, %dma_start3A_50, %dma_start3A_51] : memref<2x2560x128xi32, #tpu.memory_space<hbm>> -> memref<1x2560x128xi32, #tpu.memory_space<hbm>>
    %dma_start3A_53 = tpu.memref_squeeze %dma_start3A_52 : memref<1x2560x128xi32, #tpu.memory_space<hbm>> -> memref<2560x128xi32, #tpu.memory_space<hbm>>
    %dma_start3A_54 = arith.constant 0 : i32
    %dma_start3A_55 = tpu.memref_slice %dma_start3A_53[%add3A_36, %dma_start3A_54] : memref<2560x128xi32, #tpu.memory_space<hbm>> -> memref<40x128xi32, #tpu.memory_space<hbm>>
    %dma_start3A_56 = arith.constant 0 : i32
    %dma_start3A_57 = arith.constant 0 : i32
    %dma_start3A_58 = tpu.memref_slice %arg3[%dma_start3A_49, %dma_start3A_56, %dma_start3A_57] : memref<2x2560x128xi32, #tpu.memory_space<hbm>> -> memref<1x2560x128xi32, #tpu.memory_space<hbm>>
    %dma_start3A_59 = tpu.memref_squeeze %dma_start3A_58 : memref<1x2560x128xi32, #tpu.memory_space<hbm>> -> memref<2560x128xi32, #tpu.memory_space<hbm>>
    %dma_start3A_60 = arith.constant 0 : i32
    %dma_start3A_61 = tpu.memref_slice %dma_start3A_59[%add3A_36, %dma_start3A_60] : memref<2560x128xi32, #tpu.memory_space<hbm>> -> memref<40x128xi32, #tpu.memory_space<hbm>>
    tpu.enqueue_dma source(%dma_start3A_61 : memref<40x128xi32, #tpu.memory_space<hbm>>) target(%arg7 : memref<40x128xi32, #tpu.memory_space<vmem>>) target_semaphore(%arg11 : memref<!tpu.dma_semaphore, #tpu.memory_space<semaphore_mem>>)
    %dma_wait3A = arith.constant 0 : i32
    %dma_wait3A_62 = arith.constant 0 : i32
    %dma_wait3A_63 = arith.constant 0 : i32
    %dma_wait3A_64 = tpu.memref_slice %arg3[%dma_wait3A, %dma_wait3A_62, %dma_wait3A_63] : memref<2x2560x128xi32, #tpu.memory_space<hbm>> -> memref<1x2560x128xi32, #tpu.memory_space<hbm>>
    %dma_wait3A_65 = tpu.memref_squeeze %dma_wait3A_64 : memref<1x2560x128xi32, #tpu.memory_space<hbm>> -> memref<2560x128xi32, #tpu.memory_space<hbm>>
    %dma_wait3A_66 = arith.constant 0 : i32
    %dma_wait3A_67 = arith.constant 0 : i32
    %dma_wait3A_68 = tpu.memref_slice %dma_wait3A_65[%dma_wait3A_66, %dma_wait3A_67] : memref<2560x128xi32, #tpu.memory_space<hbm>> -> memref<40x128xi32, #tpu.memory_space<hbm>>
    %dma_wait3A_69 = arith.constant 0 : i32
    %dma_wait3A_70 = arith.constant 0 : i32
    %dma_wait3A_71 = tpu.memref_slice %arg3[%dma_wait3A, %dma_wait3A_69, %dma_wait3A_70] : memref<2x2560x128xi32, #tpu.memory_space<hbm>> -> memref<1x2560x128xi32, #tpu.memory_space<hbm>>
    %dma_wait3A_72 = tpu.memref_squeeze %dma_wait3A_71 : memref<1x2560x128xi32, #tpu.memory_space<hbm>> -> memref<2560x128xi32, #tpu.memory_space<hbm>>
    %dma_wait3A_73 = arith.constant 0 : i32
    %dma_wait3A_74 = arith.constant 0 : i32
    %dma_wait3A_75 = tpu.memref_slice %dma_wait3A_72[%dma_wait3A_73, %dma_wait3A_74] : memref<2560x128xi32, #tpu.memory_space<hbm>> -> memref<40x128xi32, #tpu.memory_space<hbm>>
    tpu.wait_dma2 semaphore(%arg10 : memref<!tpu.dma_semaphore, #tpu.memory_space<semaphore_mem>>) src(%dma_wait3A_75 : memref<40x128xi32, #tpu.memory_space<hbm>>) dst(%arg6 : memref<40x128xi32, #tpu.memory_space<vmem>>)
    %dma_wait3A_76 = arith.constant 1 : i32
    %dma_wait3A_77 = arith.constant 0 : i32
    %dma_wait3A_78 = arith.constant 0 : i32
    %dma_wait3A_79 = tpu.memref_slice %arg3[%dma_wait3A_76, %dma_wait3A_77, %dma_wait3A_78] : memref<2x2560x128xi32, #tpu.memory_space<hbm>> -> memref<1x2560x128xi32, #tpu.memory_space<hbm>>
    %dma_wait3A_80 = tpu.memref_squeeze %dma_wait3A_79 : memref<1x2560x128xi32, #tpu.memory_space<hbm>> -> memref<2560x128xi32, #tpu.memory_space<hbm>>
    %dma_wait3A_81 = arith.constant 0 : i32
    %dma_wait3A_82 = arith.constant 0 : i32
    %dma_wait3A_83 = tpu.memref_slice %dma_wait3A_80[%dma_wait3A_81, %dma_wait3A_82] : memref<2560x128xi32, #tpu.memory_space<hbm>> -> memref<40x128xi32, #tpu.memory_space<hbm>>
    %dma_wait3A_84 = arith.constant 0 : i32
    %dma_wait3A_85 = arith.constant 0 : i32
    %dma_wait3A_86 = tpu.memref_slice %arg3[%dma_wait3A_76, %dma_wait3A_84, %dma_wait3A_85] : memref<2x2560x128xi32, #tpu.memory_space<hbm>> -> memref<1x2560x128xi32, #tpu.memory_space<hbm>>
    %dma_wait3A_87 = tpu.memref_squeeze %dma_wait3A_86 : memref<1x2560x128xi32, #tpu.memory_space<hbm>> -> memref<2560x128xi32, #tpu.memory_space<hbm>>
    %dma_wait3A_88 = arith.constant 0 : i32
    %dma_wait3A_89 = arith.constant 0 : i32
    %dma_wait3A_90 = tpu.memref_slice %dma_wait3A_87[%dma_wait3A_88, %dma_wait3A_89] : memref<2560x128xi32, #tpu.memory_space<hbm>> -> memref<40x128xi32, #tpu.memory_space<hbm>>
    tpu.wait_dma2 semaphore(%arg11 : memref<!tpu.dma_semaphore, #tpu.memory_space<semaphore_mem>>) src(%dma_wait3A_90 : memref<40x128xi32, #tpu.memory_space<hbm>>) dst(%arg7 : memref<40x128xi32, #tpu.memory_space<vmem>>)
    %dma_start3A_91 = arith.constant 0 : i32
    %dma_start3A_92 = arith.constant 0 : i32
    %dma_start3A_93 = tpu.memref_slice %arg6[%dma_start3A_91, %dma_start3A_92] : memref<40x128xi32, #tpu.memory_space<vmem>> -> memref<1x128xi32, #tpu.memory_space<vmem>>
    %dma_start3A_94 = tpu.memref_squeeze %dma_start3A_93 : memref<1x128xi32, #tpu.memory_space<vmem>> -> memref<128xi32, #tpu.memory_space<vmem>>
    %dma_start3A_95 = arith.constant 0 : i32
    %dma_start3A_96 = arith.constant 0 : i32
    %dma_start3A_97 = tpu.memref_slice %arg2[%dma_start3A_95, %dma_start3A_96] : memref<10000x128xf32, #tpu.memory_space<hbm>> -> memref<10000x128xf32, #tpu.memory_space<hbm>>
    tpu.enqueue_indirect_dma source(%dma_start3A_97 : memref<10000x128xf32, #tpu.memory_space<hbm>>) target(%arg8 : memref<128x128xf32, #tpu.memory_space<vmem>>) offsets(%dma_start3A_94 : memref<128xi32, #tpu.memory_space<vmem>>) semaphore(%arg10 : memref<!tpu.dma_semaphore, #tpu.memory_space<semaphore_mem>>)
    %dma_start3A_98 = arith.constant 1 : i32
    %dma_start3A_99 = arith.constant 0 : i32
    %dma_start3A_100 = tpu.memref_slice %arg6[%dma_start3A_98, %dma_start3A_99] : memref<40x128xi32, #tpu.memory_space<vmem>> -> memref<1x128xi32, #tpu.memory_space<vmem>>
    %dma_start3A_101 = tpu.memref_squeeze %dma_start3A_100 : memref<1x128xi32, #tpu.memory_space<vmem>> -> memref<128xi32, #tpu.memory_space<vmem>>
    %dma_start3A_102 = arith.constant 0 : i32
    %dma_start3A_103 = arith.constant 0 : i32
    %dma_start3A_104 = tpu.memref_slice %arg2[%dma_start3A_102, %dma_start3A_103] : memref<10000x128xf32, #tpu.memory_space<hbm>> -> memref<10000x128xf32, #tpu.memory_space<hbm>>
    tpu.enqueue_indirect_dma source(%dma_start3A_104 : memref<10000x128xf32, #tpu.memory_space<hbm>>) target(%arg9 : memref<128x128xf32, #tpu.memory_space<vmem>>) offsets(%dma_start3A_101 : memref<128xi32, #tpu.memory_space<vmem>>) semaphore(%arg11 : memref<!tpu.dma_semaphore, #tpu.memory_space<semaphore_mem>>)
    %dma_wait3A_105 = arith.constant 0 : i32
    %dma_wait3A_106 = arith.constant 0 : i32
    %dma_wait3A_107 = tpu.memref_slice %arg2[%dma_wait3A_105, %dma_wait3A_106] : memref<10000x128xf32, #tpu.memory_space<hbm>> -> memref<128x128xf32, #tpu.memory_space<hbm>>
    %dma_wait3A_108 = arith.constant 0 : i32
    %dma_wait3A_109 = arith.constant 0 : i32
    %dma_wait3A_110 = tpu.memref_slice %arg2[%dma_wait3A_108, %dma_wait3A_109] : memref<10000x128xf32, #tpu.memory_space<hbm>> -> memref<128x128xf32, #tpu.memory_space<hbm>>
    tpu.wait_dma2 semaphore(%arg10 : memref<!tpu.dma_semaphore, #tpu.memory_space<semaphore_mem>>) src(%dma_wait3A_110 : memref<128x128xf32, #tpu.memory_space<hbm>>) dst(%arg8 : memref<128x128xf32, #tpu.memory_space<vmem>>)
    %dma_start3A_111 = arith.constant 0 : i32
    %dma_start3A_112 = arith.constant 0 : i32
    %dma_start3A_113 = tpu.memref_slice %arg7[%dma_start3A_111, %dma_start3A_112] : memref<40x128xi32, #tpu.memory_space<vmem>> -> memref<1x128xi32, #tpu.memory_space<vmem>>
    %dma_start3A_114 = tpu.memref_squeeze %dma_start3A_113 : memref<1x128xi32, #tpu.memory_space<vmem>> -> memref<128xi32, #tpu.memory_space<vmem>>
    %dma_start3A_115 = arith.constant 0 : i32
    %dma_start3A_116 = arith.constant 0 : i32
    %dma_start3A_117 = tpu.memref_slice %arg5[%dma_start3A_115, %dma_start3A_116] : memref<10016x128xf32, #tpu.memory_space<vmem_shared>> -> memref<10016x128xf32, #tpu.memory_space<vmem_shared>>
    tpu.enqueue_indirect_dma source(%arg8 : memref<128x128xf32, #tpu.memory_space<vmem>>) target(%dma_start3A_117 : memref<10016x128xf32, #tpu.memory_space<vmem_shared>>) offsets(%dma_start3A_114 : memref<128xi32, #tpu.memory_space<vmem>>) semaphore(%arg12 : memref<!tpu.dma_semaphore, #tpu.memory_space<semaphore_mem>>) {add = true}
    %scan3A_118 = arith.constant 0 : i32
    %scan3A_119 = arith.constant 0 : i32
    %scan3A_120 = arith.constant 19 : i32
    %scan3A_121 = arith.addi %scan3A_119, %scan3A_120 : i32
    %scan3A_122 = arith.constant 1 : i32
    %scan3A_123 = scf.for %scan3A_298 = %scan3A_119 to %scan3A_121 step %scan3A_122 iter_args(%scan3A_299 = %scan3A_118) -> (i32)  : i32 {
      %mul3A_300 = arith.constant 2 : i32
      %mul3A_301 = arith.muli %mul3A_300, %scan3A_298 : i32
      %add3A_302 = arith.constant 1 : i32
      %add3A_303 = arith.addi %mul3A_301, %add3A_302 : i32
      %dma_wait3A_304 = arith.constant 0 : i32
      %dma_wait3A_305 = arith.constant 0 : i32
      %dma_wait3A_306 = tpu.memref_slice %arg2[%dma_wait3A_304, %dma_wait3A_305] : memref<10000x128xf32, #tpu.memory_space<hbm>> -> memref<128x128xf32, #tpu.memory_space<hbm>>
      %dma_wait3A_307 = arith.constant 0 : i32
      %dma_wait3A_308 = arith.constant 0 : i32
      %dma_wait3A_309 = tpu.memref_slice %arg2[%dma_wait3A_307, %dma_wait3A_308] : memref<10000x128xf32, #tpu.memory_space<hbm>> -> memref<128x128xf32, #tpu.memory_space<hbm>>
      tpu.wait_dma2 semaphore(%arg11 : memref<!tpu.dma_semaphore, #tpu.memory_space<semaphore_mem>>) src(%dma_wait3A_309 : memref<128x128xf32, #tpu.memory_space<hbm>>) dst(%arg9 : memref<128x128xf32, #tpu.memory_space<vmem>>)
      %dma_wait3A_310 = arith.constant 0 : i32
      %dma_wait3A_311 = arith.constant 0 : i32
      %dma_wait3A_312 = tpu.memref_slice %arg7[%dma_wait3A_310, %dma_wait3A_311] : memref<40x128xi32, #tpu.memory_space<vmem>> -> memref<1x128xi32, #tpu.memory_space<vmem>>
      %dma_wait3A_313 = tpu.memref_squeeze %dma_wait3A_312 : memref<1x128xi32, #tpu.memory_space<vmem>> -> memref<128xi32, #tpu.memory_space<vmem>>
      %dma_wait3A_314 = arith.constant 0 : i32
      %dma_wait3A_315 = arith.constant 0 : i32
      %dma_wait3A_316 = tpu.memref_slice %arg5[%dma_wait3A_314, %dma_wait3A_315] : memref<10016x128xf32, #tpu.memory_space<vmem_shared>> -> memref<10016x128xf32, #tpu.memory_space<vmem_shared>>
      tpu.wait_indirect_dma semaphore(%arg12 : memref<!tpu.dma_semaphore, #tpu.memory_space<semaphore_mem>>) src(%arg8 : memref<128x128xf32, #tpu.memory_space<vmem>>) dst(%dma_wait3A_316 : memref<10016x128xf32, #tpu.memory_space<vmem_shared>>)
      %add3A_317 = arith.constant 1 : i32
      %add3A_318 = arith.addi %add3A_303, %add3A_317 : i32
      %min3A = arith.constant 39 : i32
      %min3A_319 = arith.minsi %add3A_318, %min3A : i32
      %dma_start3A_320 = arith.constant 0 : i32
      %dma_start3A_321 = tpu.memref_slice %arg6[%min3A_319, %dma_start3A_320] : memref<40x128xi32, #tpu.memory_space<vmem>> -> memref<1x128xi32, #tpu.memory_space<vmem>>
      %dma_start3A_322 = tpu.memref_squeeze %dma_start3A_321 : memref<1x128xi32, #tpu.memory_space<vmem>> -> memref<128xi32, #tpu.memory_space<vmem>>
      %dma_start3A_323 = arith.constant 0 : i32
      %dma_start3A_324 = arith.constant 0 : i32
      %dma_start3A_325 = tpu.memref_slice %arg2[%dma_start3A_323, %dma_start3A_324] : memref<10000x128xf32, #tpu.memory_space<hbm>> -> memref<10000x128xf32, #tpu.memory_space<hbm>>
      tpu.enqueue_indirect_dma source(%dma_start3A_325 : memref<10000x128xf32, #tpu.memory_space<hbm>>) target(%arg8 : memref<128x128xf32, #tpu.memory_space<vmem>>) offsets(%dma_start3A_322 : memref<128xi32, #tpu.memory_space<vmem>>) semaphore(%arg10 : memref<!tpu.dma_semaphore, #tpu.memory_space<semaphore_mem>>)
      %dma_start3A_326 = arith.constant 0 : i32
      %dma_start3A_327 = tpu.memref_slice %arg7[%add3A_303, %dma_start3A_326] : memref<40x128xi32, #tpu.memory_space<vmem>> -> memref<1x128xi32, #tpu.memory_space<vmem>>
      %dma_start3A_328 = tpu.memref_squeeze %dma_start3A_327 : memref<1x128xi32, #tpu.memory_space<vmem>> -> memref<128xi32, #tpu.memory_space<vmem>>
      %dma_start3A_329 = arith.constant 0 : i32
      %dma_start3A_330 = arith.constant 0 : i32
      %dma_start3A_331 = tpu.memref_slice %arg5[%dma_start3A_329, %dma_start3A_330] : memref<10016x128xf32, #tpu.memory_space<vmem_shared>> -> memref<10016x128xf32, #tpu.memory_space<vmem_shared>>
      tpu.enqueue_indirect_dma source(%arg9 : memref<128x128xf32, #tpu.memory_space<vmem>>) target(%dma_start3A_331 : memref<10016x128xf32, #tpu.memory_space<vmem_shared>>) offsets(%dma_start3A_328 : memref<128xi32, #tpu.memory_space<vmem>>) semaphore(%arg13 : memref<!tpu.dma_semaphore, #tpu.memory_space<semaphore_mem>>) {add = true}
      %mul3A_332 = arith.constant 2 : i32
      %mul3A_333 = arith.muli %mul3A_332, %scan3A_298 : i32
      %add3A_334 = arith.constant 2 : i32
      %add3A_335 = arith.addi %mul3A_333, %add3A_334 : i32
      %dma_wait3A_336 = arith.constant 0 : i32
      %dma_wait3A_337 = arith.constant 0 : i32
      %dma_wait3A_338 = tpu.memref_slice %arg2[%dma_wait3A_336, %dma_wait3A_337] : memref<10000x128xf32, #tpu.memory_space<hbm>> -> memref<128x128xf32, #tpu.memory_space<hbm>>
      %dma_wait3A_339 = arith.constant 0 : i32
      %dma_wait3A_340 = arith.constant 0 : i32
      %dma_wait3A_341 = tpu.memref_slice %arg2[%dma_wait3A_339, %dma_wait3A_340] : memref<10000x128xf32, #tpu.memory_space<hbm>> -> memref<128x128xf32, #tpu.memory_space<hbm>>
      tpu.wait_dma2 semaphore(%arg10 : memref<!tpu.dma_semaphore, #tpu.memory_space<semaphore_mem>>) src(%dma_wait3A_341 : memref<128x128xf32, #tpu.memory_space<hbm>>) dst(%arg8 : memref<128x128xf32, #tpu.memory_space<vmem>>)
      %dma_wait3A_342 = arith.constant 0 : i32
      %dma_wait3A_343 = arith.constant 0 : i32
      %dma_wait3A_344 = tpu.memref_slice %arg7[%dma_wait3A_342, %dma_wait3A_343] : memref<40x128xi32, #tpu.memory_space<vmem>> -> memref<1x128xi32, #tpu.memory_space<vmem>>
      %dma_wait3A_345 = tpu.memref_squeeze %dma_wait3A_344 : memref<1x128xi32, #tpu.memory_space<vmem>> -> memref<128xi32, #tpu.memory_space<vmem>>
      %dma_wait3A_346 = arith.constant 0 : i32
      %dma_wait3A_347 = arith.constant 0 : i32
      %dma_wait3A_348 = tpu.memref_slice %arg5[%dma_wait3A_346, %dma_wait3A_347] : memref<10016x128xf32, #tpu.memory_space<vmem_shared>> -> memref<10016x128xf32, #tpu.memory_space<vmem_shared>>
      tpu.wait_indirect_dma semaphore(%arg13 : memref<!tpu.dma_semaphore, #tpu.memory_space<semaphore_mem>>) src(%arg9 : memref<128x128xf32, #tpu.memory_space<vmem>>) dst(%dma_wait3A_348 : memref<10016x128xf32, #tpu.memory_space<vmem_shared>>)
      %add3A_349 = arith.constant 1 : i32
      %add3A_350 = arith.addi %add3A_335, %add3A_349 : i32
      %min3A_351 = arith.constant 39 : i32
      %min3A_352 = arith.minsi %add3A_350, %min3A_351 : i32
      %dma_start3A_353 = arith.constant 0 : i32
      %dma_start3A_354 = tpu.memref_slice %arg6[%min3A_352, %dma_start3A_353] : memref<40x128xi32, #tpu.memory_space<vmem>> -> memref<1x128xi32, #tpu.memory_space<vmem>>
      %dma_start3A_355 = tpu.memref_squeeze %dma_start3A_354 : memref<1x128xi32, #tpu.memory_space<vmem>> -> memref<128xi32, #tpu.memory_space<vmem>>
      %dma_start3A_356 = arith.constant 0 : i32
      %dma_start3A_357 = arith.constant 0 : i32
      %dma_start3A_358 = tpu.memref_slice %arg2[%dma_start3A_356, %dma_start3A_357] : memref<10000x128xf32, #tpu.memory_space<hbm>> -> memref<10000x128xf32, #tpu.memory_space<hbm>>
      tpu.enqueue_indirect_dma source(%dma_start3A_358 : memref<10000x128xf32, #tpu.memory_space<hbm>>) target(%arg9 : memref<128x128xf32, #tpu.memory_space<vmem>>) offsets(%dma_start3A_355 : memref<128xi32, #tpu.memory_space<vmem>>) semaphore(%arg11 : memref<!tpu.dma_semaphore, #tpu.memory_space<semaphore_mem>>)
      %dma_start3A_359 = arith.constant 0 : i32
      %dma_start3A_360 = tpu.memref_slice %arg7[%add3A_335, %dma_start3A_359] : memref<40x128xi32, #tpu.memory_space<vmem>> -> memref<1x128xi32, #tpu.memory_space<vmem>>
      %dma_start3A_361 = tpu.memref_squeeze %dma_start3A_360 : memref<1x128xi32, #tpu.memory_space<vmem>> -> memref<128xi32, #tpu.memory_space<vmem>>
      %dma_start3A_362 = arith.constant 0 : i32
      %dma_start3A_363 = arith.constant 0 : i32
      %dma_start3A_364 = tpu.memref_slice %arg5[%dma_start3A_362, %dma_start3A_363] : memref<10016x128xf32, #tpu.memory_space<vmem_shared>> -> memref<10016x128xf32, #tpu.memory_space<vmem_shared>>
      tpu.enqueue_indirect_dma source(%arg8 : memref<128x128xf32, #tpu.memory_space<vmem>>) target(%dma_start3A_364 : memref<10016x128xf32, #tpu.memory_space<vmem_shared>>) offsets(%dma_start3A_361 : memref<128xi32, #tpu.memory_space<vmem>>) semaphore(%arg12 : memref<!tpu.dma_semaphore, #tpu.memory_space<semaphore_mem>>) {add = true}
      %scan3A_365 = arith.constant 0 : i32
      scf.yield %scan3A_365 : i32
    }
    %scan3A_124 = arith.constant 19 : i32
    %dma_wait3A_125 = arith.constant 0 : i32
    %dma_wait3A_126 = arith.constant 0 : i32
    %dma_wait3A_127 = tpu.memref_slice %arg2[%dma_wait3A_125, %dma_wait3A_126] : memref<10000x128xf32, #tpu.memory_space<hbm>> -> memref<128x128xf32, #tpu.memory_space<hbm>>
    %dma_wait3A_128 = arith.constant 0 : i32
    %dma_wait3A_129 = arith.constant 0 : i32
    %dma_wait3A_130 = tpu.memref_slice %arg2[%dma_wait3A_128, %dma_wait3A_129] : memref<10000x128xf32, #tpu.memory_space<hbm>> -> memref<128x128xf32, #tpu.memory_space<hbm>>
    tpu.wait_dma2 semaphore(%arg11 : memref<!tpu.dma_semaphore, #tpu.memory_space<semaphore_mem>>) src(%dma_wait3A_130 : memref<128x128xf32, #tpu.memory_space<hbm>>) dst(%arg9 : memref<128x128xf32, #tpu.memory_space<vmem>>)
    %dma_wait3A_131 = arith.constant 0 : i32
    %dma_wait3A_132 = arith.constant 0 : i32
    %dma_wait3A_133 = tpu.memref_slice %arg7[%dma_wait3A_131, %dma_wait3A_132] : memref<40x128xi32, #tpu.memory_space<vmem>> -> memref<1x128xi32, #tpu.memory_space<vmem>>
    %dma_wait3A_134 = tpu.memref_squeeze %dma_wait3A_133 : memref<1x128xi32, #tpu.memory_space<vmem>> -> memref<128xi32, #tpu.memory_space<vmem>>
    %dma_wait3A_135 = arith.constant 0 : i32
    %dma_wait3A_136 = arith.constant 0 : i32
    %dma_wait3A_137 = tpu.memref_slice %arg5[%dma_wait3A_135, %dma_wait3A_136] : memref<10016x128xf32, #tpu.memory_space<vmem_shared>> -> memref<10016x128xf32, #tpu.memory_space<vmem_shared>>
    tpu.wait_indirect_dma semaphore(%arg12 : memref<!tpu.dma_semaphore, #tpu.memory_space<semaphore_mem>>) src(%arg8 : memref<128x128xf32, #tpu.memory_space<vmem>>) dst(%dma_wait3A_137 : memref<10016x128xf32, #tpu.memory_space<vmem_shared>>)
    %dma_start3A_138 = arith.constant 39 : i32
    %dma_start3A_139 = arith.constant 0 : i32
    %dma_start3A_140 = tpu.memref_slice %arg7[%dma_start3A_138, %dma_start3A_139] : memref<40x128xi32, #tpu.memory_space<vmem>> -> memref<1x128xi32, #tpu.memory_space<vmem>>
    %dma_start3A_141 = tpu.memref_squeeze %dma_start3A_140 : memref<1x128xi32, #tpu.memory_space<vmem>> -> memref<128xi32, #tpu.memory_space<vmem>>
    %dma_start3A_142 = arith.constant 0 : i32
    %dma_start3A_143 = arith.constant 0 : i32
    %dma_start3A_144 = tpu.memref_slice %arg5[%dma_start3A_142, %dma_start3A_143] : memref<10016x128xf32, #tpu.memory_space<vmem_shared>> -> memref<10016x128xf32, #tpu.memory_space<vmem_shared>>
    tpu.enqueue_indirect_dma source(%arg9 : memref<128x128xf32, #tpu.memory_space<vmem>>) target(%dma_start3A_144 : memref<10016x128xf32, #tpu.memory_space<vmem_shared>>) offsets(%dma_start3A_141 : memref<128xi32, #tpu.memory_space<vmem>>) semaphore(%arg13 : memref<!tpu.dma_semaphore, #tpu.memory_space<semaphore_mem>>) {add = true}
    %dma_wait3A_145 = arith.constant 0 : i32
    %dma_wait3A_146 = arith.constant 0 : i32
    %dma_wait3A_147 = tpu.memref_slice %arg7[%dma_wait3A_145, %dma_wait3A_146] : memref<40x128xi32, #tpu.memory_space<vmem>> -> memref<1x128xi32, #tpu.memory_space<vmem>>
    %dma_wait3A_148 = tpu.memref_squeeze %dma_wait3A_147 : memref<1x128xi32, #tpu.memory_space<vmem>> -> memref<128xi32, #tpu.memory_space<vmem>>
    %dma_wait3A_149 = arith.constant 0 : i32
    %dma_wait3A_150 = arith.constant 0 : i32
    %dma_wait3A_151 = tpu.memref_slice %arg5[%dma_wait3A_149, %dma_wait3A_150] : memref<10016x128xf32, #tpu.memory_space<vmem_shared>> -> memref<10016x128xf32, #tpu.memory_space<vmem_shared>>
    tpu.wait_indirect_dma semaphore(%arg13 : memref<!tpu.dma_semaphore, #tpu.memory_space<semaphore_mem>>) src(%arg9 : memref<128x128xf32, #tpu.memory_space<vmem>>) dst(%dma_wait3A_151 : memref<10016x128xf32, #tpu.memory_space<vmem_shared>>)
    %mul3A_152 = arith.constant 80 : i32
    %mul3A_153 = arith.muli %mul3A_152, %add3A : i32
    %add3A_154 = arith.constant 40 : i32
    %add3A_155 = arith.addi %mul3A_153, %add3A_154 : i32
    %dma_start3A_156 = arith.constant 0 : i32
    %dma_start3A_157 = arith.constant 0 : i32
    %dma_start3A_158 = arith.constant 0 : i32
    %dma_start3A_159 = tpu.memref_slice %arg3[%dma_start3A_156, %dma_start3A_157, %dma_start3A_158] : memref<2x2560x128xi32, #tpu.memory_space<hbm>> -> memref<1x2560x128xi32, #tpu.memory_space<hbm>>
    %dma_start3A_160 = tpu.memref_squeeze %dma_start3A_159 : memref<1x2560x128xi32, #tpu.memory_space<hbm>> -> memref<2560x128xi32, #tpu.memory_space<hbm>>
    %dma_start3A_161 = arith.constant 0 : i32
    %dma_start3A_162 = tpu.memref_slice %dma_start3A_160[%add3A_155, %dma_start3A_161] : memref<2560x128xi32, #tpu.memory_space<hbm>> -> memref<40x128xi32, #tpu.memory_space<hbm>>
    %dma_start3A_163 = arith.constant 0 : i32
    %dma_start3A_164 = arith.constant 0 : i32
    %dma_start3A_165 = tpu.memref_slice %arg3[%dma_start3A_156, %dma_start3A_163, %dma_start3A_164] : memref<2x2560x128xi32, #tpu.memory_space<hbm>> -> memref<1x2560x128xi32, #tpu.memory_space<hbm>>
    %dma_start3A_166 = tpu.memref_squeeze %dma_start3A_165 : memref<1x2560x128xi32, #tpu.memory_space<hbm>> -> memref<2560x128xi32, #tpu.memory_space<hbm>>
    %dma_start3A_167 = arith.constant 0 : i32
    %dma_start3A_168 = tpu.memref_slice %dma_start3A_166[%add3A_155, %dma_start3A_167] : memref<2560x128xi32, #tpu.memory_space<hbm>> -> memref<40x128xi32, #tpu.memory_space<hbm>>
    tpu.enqueue_dma source(%dma_start3A_168 : memref<40x128xi32, #tpu.memory_space<hbm>>) target(%arg6 : memref<40x128xi32, #tpu.memory_space<vmem>>) target_semaphore(%arg10 : memref<!tpu.dma_semaphore, #tpu.memory_space<semaphore_mem>>)
    %dma_start3A_169 = arith.constant 1 : i32
    %dma_start3A_170 = arith.constant 0 : i32
    %dma_start3A_171 = arith.constant 0 : i32
    %dma_start3A_172 = tpu.memref_slice %arg3[%dma_start3A_169, %dma_start3A_170, %dma_start3A_171] : memref<2x2560x128xi32, #tpu.memory_space<hbm>> -> memref<1x2560x128xi32, #tpu.memory_space<hbm>>
    %dma_start3A_173 = tpu.memref_squeeze %dma_start3A_172 : memref<1x2560x128xi32, #tpu.memory_space<hbm>> -> memref<2560x128xi32, #tpu.memory_space<hbm>>
    %dma_start3A_174 = arith.constant 0 : i32
    %dma_start3A_175 = tpu.memref_slice %dma_start3A_173[%add3A_155, %dma_start3A_174] : memref<2560x128xi32, #tpu.memory_space<hbm>> -> memref<40x128xi32, #tpu.memory_space<hbm>>
    %dma_start3A_176 = arith.constant 0 : i32
    %dma_start3A_177 = arith.constant 0 : i32
    %dma_start3A_178 = tpu.memref_slice %arg3[%dma_start3A_169, %dma_start3A_176, %dma_start3A_177] : memref<2x2560x128xi32, #tpu.memory_space<hbm>> -> memref<1x2560x128xi32, #tpu.memory_space<hbm>>
    %dma_start3A_179 = tpu.memref_squeeze %dma_start3A_178 : memref<1x2560x128xi32, #tpu.memory_space<hbm>> -> memref<2560x128xi32, #tpu.memory_space<hbm>>
    %dma_start3A_180 = arith.constant 0 : i32
    %dma_start3A_181 = tpu.memref_slice %dma_start3A_179[%add3A_155, %dma_start3A_180] : memref<2560x128xi32, #tpu.memory_space<hbm>> -> memref<40x128xi32, #tpu.memory_space<hbm>>
    tpu.enqueue_dma source(%dma_start3A_181 : memref<40x128xi32, #tpu.memory_space<hbm>>) target(%arg7 : memref<40x128xi32, #tpu.memory_space<vmem>>) target_semaphore(%arg11 : memref<!tpu.dma_semaphore, #tpu.memory_space<semaphore_mem>>)
    %dma_wait3A_182 = arith.constant 0 : i32
    %dma_wait3A_183 = arith.constant 0 : i32
    %dma_wait3A_184 = arith.constant 0 : i32
    %dma_wait3A_185 = tpu.memref_slice %arg3[%dma_wait3A_182, %dma_wait3A_183, %dma_wait3A_184] : memref<2x2560x128xi32, #tpu.memory_space<hbm>> -> memref<1x2560x128xi32, #tpu.memory_space<hbm>>
    %dma_wait3A_186 = tpu.memref_squeeze %dma_wait3A_185 : memref<1x2560x128xi32, #tpu.memory_space<hbm>> -> memref<2560x128xi32, #tpu.memory_space<hbm>>
    %dma_wait3A_187 = arith.constant 0 : i32
    %dma_wait3A_188 = arith.constant 0 : i32
    %dma_wait3A_189 = tpu.memref_slice %dma_wait3A_186[%dma_wait3A_187, %dma_wait3A_188] : memref<2560x128xi32, #tpu.memory_space<hbm>> -> memref<40x128xi32, #tpu.memory_space<hbm>>
    %dma_wait3A_190 = arith.constant 0 : i32
    %dma_wait3A_191 = arith.constant 0 : i32
    %dma_wait3A_192 = tpu.memref_slice %arg3[%dma_wait3A_182, %dma_wait3A_190, %dma_wait3A_191] : memref<2x2560x128xi32, #tpu.memory_space<hbm>> -> memref<1x2560x128xi32, #tpu.memory_space<hbm>>
    %dma_wait3A_193 = tpu.memref_squeeze %dma_wait3A_192 : memref<1x2560x128xi32, #tpu.memory_space<hbm>> -> memref<2560x128xi32, #tpu.memory_space<hbm>>
    %dma_wait3A_194 = arith.constant 0 : i32
    %dma_wait3A_195 = arith.constant 0 : i32
    %dma_wait3A_196 = tpu.memref_slice %dma_wait3A_193[%dma_wait3A_194, %dma_wait3A_195] : memref<2560x128xi32, #tpu.memory_space<hbm>> -> memref<40x128xi32, #tpu.memory_space<hbm>>
    tpu.wait_dma2 semaphore(%arg10 : memref<!tpu.dma_semaphore, #tpu.memory_space<semaphore_mem>>) src(%dma_wait3A_196 : memref<40x128xi32, #tpu.memory_space<hbm>>) dst(%arg6 : memref<40x128xi32, #tpu.memory_space<vmem>>)
    %dma_wait3A_197 = arith.constant 1 : i32
    %dma_wait3A_198 = arith.constant 0 : i32
    %dma_wait3A_199 = arith.constant 0 : i32
    %dma_wait3A_200 = tpu.memref_slice %arg3[%dma_wait3A_197, %dma_wait3A_198, %dma_wait3A_199] : memref<2x2560x128xi32, #tpu.memory_space<hbm>> -> memref<1x2560x128xi32, #tpu.memory_space<hbm>>
    %dma_wait3A_201 = tpu.memref_squeeze %dma_wait3A_200 : memref<1x2560x128xi32, #tpu.memory_space<hbm>> -> memref<2560x128xi32, #tpu.memory_space<hbm>>
    %dma_wait3A_202 = arith.constant 0 : i32
    %dma_wait3A_203 = arith.constant 0 : i32
    %dma_wait3A_204 = tpu.memref_slice %dma_wait3A_201[%dma_wait3A_202, %dma_wait3A_203] : memref<2560x128xi32, #tpu.memory_space<hbm>> -> memref<40x128xi32, #tpu.memory_space<hbm>>
    %dma_wait3A_205 = arith.constant 0 : i32
    %dma_wait3A_206 = arith.constant 0 : i32
    %dma_wait3A_207 = tpu.memref_slice %arg3[%dma_wait3A_197, %dma_wait3A_205, %dma_wait3A_206] : memref<2x2560x128xi32, #tpu.memory_space<hbm>> -> memref<1x2560x128xi32, #tpu.memory_space<hbm>>
    %dma_wait3A_208 = tpu.memref_squeeze %dma_wait3A_207 : memref<1x2560x128xi32, #tpu.memory_space<hbm>> -> memref<2560x128xi32, #tpu.memory_space<hbm>>
    %dma_wait3A_209 = arith.constant 0 : i32
    %dma_wait3A_210 = arith.constant 0 : i32
    %dma_wait3A_211 = tpu.memref_slice %dma_wait3A_208[%dma_wait3A_209, %dma_wait3A_210] : memref<2560x128xi32, #tpu.memory_space<hbm>> -> memref<40x128xi32, #tpu.memory_space<hbm>>
    tpu.wait_dma2 semaphore(%arg11 : memref<!tpu.dma_semaphore, #tpu.memory_space<semaphore_mem>>) src(%dma_wait3A_211 : memref<40x128xi32, #tpu.memory_space<hbm>>) dst(%arg7 : memref<40x128xi32, #tpu.memory_space<vmem>>)
    %dma_start3A_212 = arith.constant 0 : i32
    %dma_start3A_213 = arith.constant 0 : i32
    %dma_start3A_214 = tpu.memref_slice %arg6[%dma_start3A_212, %dma_start3A_213] : memref<40x128xi32, #tpu.memory_space<vmem>> -> memref<1x128xi32, #tpu.memory_space<vmem>>
    %dma_start3A_215 = tpu.memref_squeeze %dma_start3A_214 : memref<1x128xi32, #tpu.memory_space<vmem>> -> memref<128xi32, #tpu.memory_space<vmem>>
    %dma_start3A_216 = arith.constant 0 : i32
    %dma_start3A_217 = arith.constant 0 : i32
    %dma_start3A_218 = tpu.memref_slice %arg2[%dma_start3A_216, %dma_start3A_217] : memref<10000x128xf32, #tpu.memory_space<hbm>> -> memref<10000x128xf32, #tpu.memory_space<hbm>>
    tpu.enqueue_indirect_dma source(%dma_start3A_218 : memref<10000x128xf32, #tpu.memory_space<hbm>>) target(%arg8 : memref<128x128xf32, #tpu.memory_space<vmem>>) offsets(%dma_start3A_215 : memref<128xi32, #tpu.memory_space<vmem>>) semaphore(%arg10 : memref<!tpu.dma_semaphore, #tpu.memory_space<semaphore_mem>>)
    %dma_start3A_219 = arith.constant 1 : i32
    %dma_start3A_220 = arith.constant 0 : i32
    %dma_start3A_221 = tpu.memref_slice %arg6[%dma_start3A_219, %dma_start3A_220] : memref<40x128xi32, #tpu.memory_space<vmem>> -> memref<1x128xi32, #tpu.memory_space<vmem>>
    %dma_start3A_222 = tpu.memref_squeeze %dma_start3A_221 : memref<1x128xi32, #tpu.memory_space<vmem>> -> memref<128xi32, #tpu.memory_space<vmem>>
    %dma_start3A_223 = arith.constant 0 : i32
    %dma_start3A_224 = arith.constant 0 : i32
    %dma_start3A_225 = tpu.memref_slice %arg2[%dma_start3A_223, %dma_start3A_224] : memref<10000x128xf32, #tpu.memory_space<hbm>> -> memref<10000x128xf32, #tpu.memory_space<hbm>>
    tpu.enqueue_indirect_dma source(%dma_start3A_225 : memref<10000x128xf32, #tpu.memory_space<hbm>>) target(%arg9 : memref<128x128xf32, #tpu.memory_space<vmem>>) offsets(%dma_start3A_222 : memref<128xi32, #tpu.memory_space<vmem>>) semaphore(%arg11 : memref<!tpu.dma_semaphore, #tpu.memory_space<semaphore_mem>>)
    %dma_wait3A_226 = arith.constant 0 : i32
    %dma_wait3A_227 = arith.constant 0 : i32
    %dma_wait3A_228 = tpu.memref_slice %arg2[%dma_wait3A_226, %dma_wait3A_227] : memref<10000x128xf32, #tpu.memory_space<hbm>> -> memref<128x128xf32, #tpu.memory_space<hbm>>
    %dma_wait3A_229 = arith.constant 0 : i32
    %dma_wait3A_230 = arith.constant 0 : i32
    %dma_wait3A_231 = tpu.memref_slice %arg2[%dma_wait3A_229, %dma_wait3A_230] : memref<10000x128xf32, #tpu.memory_space<hbm>> -> memref<128x128xf32, #tpu.memory_space<hbm>>
    tpu.wait_dma2 semaphore(%arg10 : memref<!tpu.dma_semaphore, #tpu.memory_space<semaphore_mem>>) src(%dma_wait3A_231 : memref<128x128xf32, #tpu.memory_space<hbm>>) dst(%arg8 : memref<128x128xf32, #tpu.memory_space<vmem>>)
    %dma_start3A_232 = arith.constant 0 : i32
    %dma_start3A_233 = arith.constant 0 : i32
    %dma_start3A_234 = tpu.memref_slice %arg7[%dma_start3A_232, %dma_start3A_233] : memref<40x128xi32, #tpu.memory_space<vmem>> -> memref<1x128xi32, #tpu.memory_space<vmem>>
    %dma_start3A_235 = tpu.memref_squeeze %dma_start3A_234 : memref<1x128xi32, #tpu.memory_space<vmem>> -> memref<128xi32, #tpu.memory_space<vmem>>
    %dma_start3A_236 = arith.constant 0 : i32
    %dma_start3A_237 = arith.constant 0 : i32
    %dma_start3A_238 = tpu.memref_slice %arg5[%dma_start3A_236, %dma_start3A_237] : memref<10016x128xf32, #tpu.memory_space<vmem_shared>> -> memref<10016x128xf32, #tpu.memory_space<vmem_shared>>
    tpu.enqueue_indirect_dma source(%arg8 : memref<128x128xf32, #tpu.memory_space<vmem>>) target(%dma_start3A_238 : memref<10016x128xf32, #tpu.memory_space<vmem_shared>>) offsets(%dma_start3A_235 : memref<128xi32, #tpu.memory_space<vmem>>) semaphore(%arg12 : memref<!tpu.dma_semaphore, #tpu.memory_space<semaphore_mem>>) {add = true}
    %scan3A_239 = arith.constant 0 : i32
    %scan3A_240 = arith.constant 0 : i32
    %scan3A_241 = arith.constant 19 : i32
    %scan3A_242 = arith.addi %scan3A_240, %scan3A_241 : i32
    %scan3A_243 = arith.constant 1 : i32
    %scan3A_244 = scf.for %scan3A_298 = %scan3A_240 to %scan3A_242 step %scan3A_243 iter_args(%scan3A_299 = %scan3A_239) -> (i32)  : i32 {
      %mul3A_300 = arith.constant 2 : i32
      %mul3A_301 = arith.muli %mul3A_300, %scan3A_298 : i32
      %add3A_302 = arith.constant 1 : i32
      %add3A_303 = arith.addi %mul3A_301, %add3A_302 : i32
      %dma_wait3A_304 = arith.constant 0 : i32
      %dma_wait3A_305 = arith.constant 0 : i32
      %dma_wait3A_306 = tpu.memref_slice %arg2[%dma_wait3A_304, %dma_wait3A_305] : memref<10000x128xf32, #tpu.memory_space<hbm>> -> memref<128x128xf32, #tpu.memory_space<hbm>>
      %dma_wait3A_307 = arith.constant 0 : i32
      %dma_wait3A_308 = arith.constant 0 : i32
      %dma_wait3A_309 = tpu.memref_slice %arg2[%dma_wait3A_307, %dma_wait3A_308] : memref<10000x128xf32, #tpu.memory_space<hbm>> -> memref<128x128xf32, #tpu.memory_space<hbm>>
      tpu.wait_dma2 semaphore(%arg11 : memref<!tpu.dma_semaphore, #tpu.memory_space<semaphore_mem>>) src(%dma_wait3A_309 : memref<128x128xf32, #tpu.memory_space<hbm>>) dst(%arg9 : memref<128x128xf32, #tpu.memory_space<vmem>>)
      %dma_wait3A_310 = arith.constant 0 : i32
      %dma_wait3A_311 = arith.constant 0 : i32
      %dma_wait3A_312 = tpu.memref_slice %arg7[%dma_wait3A_310, %dma_wait3A_311] : memref<40x128xi32, #tpu.memory_space<vmem>> -> memref<1x128xi32, #tpu.memory_space<vmem>>
      %dma_wait3A_313 = tpu.memref_squeeze %dma_wait3A_312 : memref<1x128xi32, #tpu.memory_space<vmem>> -> memref<128xi32, #tpu.memory_space<vmem>>
      %dma_wait3A_314 = arith.constant 0 : i32
      %dma_wait3A_315 = arith.constant 0 : i32
      %dma_wait3A_316 = tpu.memref_slice %arg5[%dma_wait3A_314, %dma_wait3A_315] : memref<10016x128xf32, #tpu.memory_space<vmem_shared>> -> memref<10016x128xf32, #tpu.memory_space<vmem_shared>>
      tpu.wait_indirect_dma semaphore(%arg12 : memref<!tpu.dma_semaphore, #tpu.memory_space<semaphore_mem>>) src(%arg8 : memref<128x128xf32, #tpu.memory_space<vmem>>) dst(%dma_wait3A_316 : memref<10016x128xf32, #tpu.memory_space<vmem_shared>>)
      %add3A_317 = arith.constant 1 : i32
      %add3A_318 = arith.addi %add3A_303, %add3A_317 : i32
      %min3A = arith.constant 39 : i32
      %min3A_319 = arith.minsi %add3A_318, %min3A : i32
      %dma_start3A_320 = arith.constant 0 : i32
      %dma_start3A_321 = tpu.memref_slice %arg6[%min3A_319, %dma_start3A_320] : memref<40x128xi32, #tpu.memory_space<vmem>> -> memref<1x128xi32, #tpu.memory_space<vmem>>
      %dma_start3A_322 = tpu.memref_squeeze %dma_start3A_321 : memref<1x128xi32, #tpu.memory_space<vmem>> -> memref<128xi32, #tpu.memory_space<vmem>>
      %dma_start3A_323 = arith.constant 0 : i32
      %dma_start3A_324 = arith.constant 0 : i32
      %dma_start3A_325 = tpu.memref_slice %arg2[%dma_start3A_323, %dma_start3A_324] : memref<10000x128xf32, #tpu.memory_space<hbm>> -> memref<10000x128xf32, #tpu.memory_space<hbm>>
      tpu.enqueue_indirect_dma source(%dma_start3A_325 : memref<10000x128xf32, #tpu.memory_space<hbm>>) target(%arg8 : memref<128x128xf32, #tpu.memory_space<vmem>>) offsets(%dma_start3A_322 : memref<128xi32, #tpu.memory_space<vmem>>) semaphore(%arg10 : memref<!tpu.dma_semaphore, #tpu.memory_space<semaphore_mem>>)
      %dma_start3A_326 = arith.constant 0 : i32
      %dma_start3A_327 = tpu.memref_slice %arg7[%add3A_303, %dma_start3A_326] : memref<40x128xi32, #tpu.memory_space<vmem>> -> memref<1x128xi32, #tpu.memory_space<vmem>>
      %dma_start3A_328 = tpu.memref_squeeze %dma_start3A_327 : memref<1x128xi32, #tpu.memory_space<vmem>> -> memref<128xi32, #tpu.memory_space<vmem>>
      %dma_start3A_329 = arith.constant 0 : i32
      %dma_start3A_330 = arith.constant 0 : i32
      %dma_start3A_331 = tpu.memref_slice %arg5[%dma_start3A_329, %dma_start3A_330] : memref<10016x128xf32, #tpu.memory_space<vmem_shared>> -> memref<10016x128xf32, #tpu.memory_space<vmem_shared>>
      tpu.enqueue_indirect_dma source(%arg9 : memref<128x128xf32, #tpu.memory_space<vmem>>) target(%dma_start3A_331 : memref<10016x128xf32, #tpu.memory_space<vmem_shared>>) offsets(%dma_start3A_328 : memref<128xi32, #tpu.memory_space<vmem>>) semaphore(%arg13 : memref<!tpu.dma_semaphore, #tpu.memory_space<semaphore_mem>>) {add = true}
      %mul3A_332 = arith.constant 2 : i32
      %mul3A_333 = arith.muli %mul3A_332, %scan3A_298 : i32
      %add3A_334 = arith.constant 2 : i32
      %add3A_335 = arith.addi %mul3A_333, %add3A_334 : i32
      %dma_wait3A_336 = arith.constant 0 : i32
      %dma_wait3A_337 = arith.constant 0 : i32
      %dma_wait3A_338 = tpu.memref_slice %arg2[%dma_wait3A_336, %dma_wait3A_337] : memref<10000x128xf32, #tpu.memory_space<hbm>> -> memref<128x128xf32, #tpu.memory_space<hbm>>
      %dma_wait3A_339 = arith.constant 0 : i32
      %dma_wait3A_340 = arith.constant 0 : i32
      %dma_wait3A_341 = tpu.memref_slice %arg2[%dma_wait3A_339, %dma_wait3A_340] : memref<10000x128xf32, #tpu.memory_space<hbm>> -> memref<128x128xf32, #tpu.memory_space<hbm>>
      tpu.wait_dma2 semaphore(%arg10 : memref<!tpu.dma_semaphore, #tpu.memory_space<semaphore_mem>>) src(%dma_wait3A_341 : memref<128x128xf32, #tpu.memory_space<hbm>>) dst(%arg8 : memref<128x128xf32, #tpu.memory_space<vmem>>)
      %dma_wait3A_342 = arith.constant 0 : i32
      %dma_wait3A_343 = arith.constant 0 : i32
      %dma_wait3A_344 = tpu.memref_slice %arg7[%dma_wait3A_342, %dma_wait3A_343] : memref<40x128xi32, #tpu.memory_space<vmem>> -> memref<1x128xi32, #tpu.memory_space<vmem>>
      %dma_wait3A_345 = tpu.memref_squeeze %dma_wait3A_344 : memref<1x128xi32, #tpu.memory_space<vmem>> -> memref<128xi32, #tpu.memory_space<vmem>>
      %dma_wait3A_346 = arith.constant 0 : i32
      %dma_wait3A_347 = arith.constant 0 : i32
      %dma_wait3A_348 = tpu.memref_slice %arg5[%dma_wait3A_346, %dma_wait3A_347] : memref<10016x128xf32, #tpu.memory_space<vmem_shared>> -> memref<10016x128xf32, #tpu.memory_space<vmem_shared>>
      tpu.wait_indirect_dma semaphore(%arg13 : memref<!tpu.dma_semaphore, #tpu.memory_space<semaphore_mem>>) src(%arg9 : memref<128x128xf32, #tpu.memory_space<vmem>>) dst(%dma_wait3A_348 : memref<10016x128xf32, #tpu.memory_space<vmem_shared>>)
      %add3A_349 = arith.constant 1 : i32
      %add3A_350 = arith.addi %add3A_335, %add3A_349 : i32
      %min3A_351 = arith.constant 39 : i32
      %min3A_352 = arith.minsi %add3A_350, %min3A_351 : i32
      %dma_start3A_353 = arith.constant 0 : i32
      %dma_start3A_354 = tpu.memref_slice %arg6[%min3A_352, %dma_start3A_353] : memref<40x128xi32, #tpu.memory_space<vmem>> -> memref<1x128xi32, #tpu.memory_space<vmem>>
      %dma_start3A_355 = tpu.memref_squeeze %dma_start3A_354 : memref<1x128xi32, #tpu.memory_space<vmem>> -> memref<128xi32, #tpu.memory_space<vmem>>
      %dma_start3A_356 = arith.constant 0 : i32
      %dma_start3A_357 = arith.constant 0 : i32
      %dma_start3A_358 = tpu.memref_slice %arg2[%dma_start3A_356, %dma_start3A_357] : memref<10000x128xf32, #tpu.memory_space<hbm>> -> memref<10000x128xf32, #tpu.memory_space<hbm>>
      tpu.enqueue_indirect_dma source(%dma_start3A_358 : memref<10000x128xf32, #tpu.memory_space<hbm>>) target(%arg9 : memref<128x128xf32, #tpu.memory_space<vmem>>) offsets(%dma_start3A_355 : memref<128xi32, #tpu.memory_space<vmem>>) semaphore(%arg11 : memref<!tpu.dma_semaphore, #tpu.memory_space<semaphore_mem>>)
      %dma_start3A_359 = arith.constant 0 : i32
      %dma_start3A_360 = tpu.memref_slice %arg7[%add3A_335, %dma_start3A_359] : memref<40x128xi32, #tpu.memory_space<vmem>> -> memref<1x128xi32, #tpu.memory_space<vmem>>
      %dma_start3A_361 = tpu.memref_squeeze %dma_start3A_360 : memref<1x128xi32, #tpu.memory_space<vmem>> -> memref<128xi32, #tpu.memory_space<vmem>>
      %dma_start3A_362 = arith.constant 0 : i32
      %dma_start3A_363 = arith.constant 0 : i32
      %dma_start3A_364 = tpu.memref_slice %arg5[%dma_start3A_362, %dma_start3A_363] : memref<10016x128xf32, #tpu.memory_space<vmem_shared>> -> memref<10016x128xf32, #tpu.memory_space<vmem_shared>>
      tpu.enqueue_indirect_dma source(%arg8 : memref<128x128xf32, #tpu.memory_space<vmem>>) target(%dma_start3A_364 : memref<10016x128xf32, #tpu.memory_space<vmem_shared>>) offsets(%dma_start3A_361 : memref<128xi32, #tpu.memory_space<vmem>>) semaphore(%arg12 : memref<!tpu.dma_semaphore, #tpu.memory_space<semaphore_mem>>) {add = true}
      %scan3A_365 = arith.constant 0 : i32
      scf.yield %scan3A_365 : i32
    }
    %scan3A_245 = arith.constant 19 : i32
    %dma_wait3A_246 = arith.constant 0 : i32
    %dma_wait3A_247 = arith.constant 0 : i32
    %dma_wait3A_248 = tpu.memref_slice %arg2[%dma_wait3A_246, %dma_wait3A_247] : memref<10000x128xf32, #tpu.memory_space<hbm>> -> memref<128x128xf32, #tpu.memory_space<hbm>>
    %dma_wait3A_249 = arith.constant 0 : i32
    %dma_wait3A_250 = arith.constant 0 : i32
    %dma_wait3A_251 = tpu.memref_slice %arg2[%dma_wait3A_249, %dma_wait3A_250] : memref<10000x128xf32, #tpu.memory_space<hbm>> -> memref<128x128xf32, #tpu.memory_space<hbm>>
    tpu.wait_dma2 semaphore(%arg11 : memref<!tpu.dma_semaphore, #tpu.memory_space<semaphore_mem>>) src(%dma_wait3A_251 : memref<128x128xf32, #tpu.memory_space<hbm>>) dst(%arg9 : memref<128x128xf32, #tpu.memory_space<vmem>>)
    %dma_wait3A_252 = arith.constant 0 : i32
    %dma_wait3A_253 = arith.constant 0 : i32
    %dma_wait3A_254 = tpu.memref_slice %arg7[%dma_wait3A_252, %dma_wait3A_253] : memref<40x128xi32, #tpu.memory_space<vmem>> -> memref<1x128xi32, #tpu.memory_space<vmem>>
    %dma_wait3A_255 = tpu.memref_squeeze %dma_wait3A_254 : memref<1x128xi32, #tpu.memory_space<vmem>> -> memref<128xi32, #tpu.memory_space<vmem>>
    %dma_wait3A_256 = arith.constant 0 : i32
    %dma_wait3A_257 = arith.constant 0 : i32
    %dma_wait3A_258 = tpu.memref_slice %arg5[%dma_wait3A_256, %dma_wait3A_257] : memref<10016x128xf32, #tpu.memory_space<vmem_shared>> -> memref<10016x128xf32, #tpu.memory_space<vmem_shared>>
    tpu.wait_indirect_dma semaphore(%arg12 : memref<!tpu.dma_semaphore, #tpu.memory_space<semaphore_mem>>) src(%arg8 : memref<128x128xf32, #tpu.memory_space<vmem>>) dst(%dma_wait3A_258 : memref<10016x128xf32, #tpu.memory_space<vmem_shared>>)
    %dma_start3A_259 = arith.constant 39 : i32
    %dma_start3A_260 = arith.constant 0 : i32
    %dma_start3A_261 = tpu.memref_slice %arg7[%dma_start3A_259, %dma_start3A_260] : memref<40x128xi32, #tpu.memory_space<vmem>> -> memref<1x128xi32, #tpu.memory_space<vmem>>
    %dma_start3A_262 = tpu.memref_squeeze %dma_start3A_261 : memref<1x128xi32, #tpu.memory_space<vmem>> -> memref<128xi32, #tpu.memory_space<vmem>>
    %dma_start3A_263 = arith.constant 0 : i32
    %dma_start3A_264 = arith.constant 0 : i32
    %dma_start3A_265 = tpu.memref_slice %arg5[%dma_start3A_263, %dma_start3A_264] : memref<10016x128xf32, #tpu.memory_space<vmem_shared>> -> memref<10016x128xf32, #tpu.memory_space<vmem_shared>>
    tpu.enqueue_indirect_dma source(%arg9 : memref<128x128xf32, #tpu.memory_space<vmem>>) target(%dma_start3A_265 : memref<10016x128xf32, #tpu.memory_space<vmem_shared>>) offsets(%dma_start3A_262 : memref<128xi32, #tpu.memory_space<vmem>>) semaphore(%arg13 : memref<!tpu.dma_semaphore, #tpu.memory_space<semaphore_mem>>) {add = true}
    %dma_wait3A_266 = arith.constant 0 : i32
    %dma_wait3A_267 = arith.constant 0 : i32
    %dma_wait3A_268 = tpu.memref_slice %arg7[%dma_wait3A_266, %dma_wait3A_267] : memref<40x128xi32, #tpu.memory_space<vmem>> -> memref<1x128xi32, #tpu.memory_space<vmem>>
    %dma_wait3A_269 = tpu.memref_squeeze %dma_wait3A_268 : memref<1x128xi32, #tpu.memory_space<vmem>> -> memref<128xi32, #tpu.memory_space<vmem>>
    %dma_wait3A_270 = arith.constant 0 : i32
    %dma_wait3A_271 = arith.constant 0 : i32
    %dma_wait3A_272 = tpu.memref_slice %arg5[%dma_wait3A_270, %dma_wait3A_271] : memref<10016x128xf32, #tpu.memory_space<vmem_shared>> -> memref<10016x128xf32, #tpu.memory_space<vmem_shared>>
    tpu.wait_indirect_dma semaphore(%arg13 : memref<!tpu.dma_semaphore, #tpu.memory_space<semaphore_mem>>) src(%arg9 : memref<128x128xf32, #tpu.memory_space<vmem>>) dst(%dma_wait3A_272 : memref<10016x128xf32, #tpu.memory_space<vmem_shared>>)
    %barrier3A_273 = arith.constant 0 : index
    tpu.barrier barrier_id(%barrier3A_273)
    %while3A_274 = arith.constant 0 : i32
    %while3A_275 = arith.constant 0 : i32
    %while3A_276 = arith.subi %select_n3A, %while3A_274 : i32
    %while3A_277 = arith.addi %while3A_274, %while3A_276 : i32
    %while3A_278 = arith.constant 1 : i32
    %while3A_279 = arith.divsi %while3A_276, %while3A_278 : i32
    %while3A_280 = arith.muli %while3A_279, %while3A_278 : i32
    %while3A_281 = arith.addi %while3A_274, %while3A_280 : i32
    %while3A_282 = arith.constant 1 : i32
    %while3A_283 = scf.for %while3A_298 = %while3A_274 to %while3A_281 step %while3A_282 iter_args(%while3A_299 = %while3A_275) -> (i32)  : i32 {
      %mul3A_300 = arith.constant 640 : i32
      %mul3A_301 = arith.muli %arg1, %mul3A_300 : i32
      %mul3A_302 = arith.constant 80 : i32
      %mul3A_303 = arith.muli %while3A_298, %mul3A_302 : i32
      %add3A_304 = arith.addi %mul3A_301, %mul3A_303 : i32
      %dma_start3A_305 = arith.constant 0 : i32
      %dma_start3A_306 = tpu.memref_slice %arg4[%arg0, %add3A_304, %dma_start3A_305] : memref<2x10000x128xf32, #tpu.memory_space<hbm>> -> memref<1x80x128xf32, #tpu.memory_space<hbm>>
      %dma_start3A_307 = tpu.memref_squeeze %dma_start3A_306 : memref<1x80x128xf32, #tpu.memory_space<hbm>> -> memref<80x128xf32, #tpu.memory_space<hbm>>
      %dma_start3A_308 = arith.constant 0 : i32
      %dma_start3A_309 = tpu.memref_slice %arg5[%add3A_304, %dma_start3A_308] : memref<10016x128xf32, #tpu.memory_space<vmem_shared>> -> memref<80x128xf32, #tpu.memory_space<vmem_shared>>
      tpu.enqueue_dma source(%dma_start3A_309 : memref<80x128xf32, #tpu.memory_space<vmem_shared>>) target(%dma_start3A_307 : memref<80x128xf32, #tpu.memory_space<hbm>>) target_semaphore(%arg10 : memref<!tpu.dma_semaphore, #tpu.memory_space<semaphore_mem>>)
      %while3A_310 = arith.constant 0 : i32
      scf.yield %while3A_310 : i32
    }
    %while3A_284 = arith.constant 1 : i32
    %while3A_285 = scf.for %while3A_298 = %while3A_281 to %while3A_277 step %while3A_284 iter_args(%while3A_299 = %while3A_283) -> (i32)  : i32 {
      %mul3A_300 = arith.constant 640 : i32
      %mul3A_301 = arith.muli %arg1, %mul3A_300 : i32
      %mul3A_302 = arith.constant 80 : i32
      %mul3A_303 = arith.muli %while3A_298, %mul3A_302 : i32
      %add3A_304 = arith.addi %mul3A_301, %mul3A_303 : i32
      %dma_start3A_305 = arith.constant 0 : i32
      %dma_start3A_306 = tpu.memref_slice %arg4[%arg0, %add3A_304, %dma_start3A_305] : memref<2x10000x128xf32, #tpu.memory_space<hbm>> -> memref<1x80x128xf32, #tpu.memory_space<hbm>>
      %dma_start3A_307 = tpu.memref_squeeze %dma_start3A_306 : memref<1x80x128xf32, #tpu.memory_space<hbm>> -> memref<80x128xf32, #tpu.memory_space<hbm>>
      %dma_start3A_308 = arith.constant 0 : i32
      %dma_start3A_309 = tpu.memref_slice %arg5[%add3A_304, %dma_start3A_308] : memref<10016x128xf32, #tpu.memory_space<vmem_shared>> -> memref<80x128xf32, #tpu.memory_space<vmem_shared>>
      tpu.enqueue_dma source(%dma_start3A_309 : memref<80x128xf32, #tpu.memory_space<vmem_shared>>) target(%dma_start3A_307 : memref<80x128xf32, #tpu.memory_space<hbm>>) target_semaphore(%arg10 : memref<!tpu.dma_semaphore, #tpu.memory_space<semaphore_mem>>)
      %while3A_310 = arith.constant 0 : i32
      scf.yield %while3A_310 : i32
    }
    %while3A_286 = arith.constant 0 : i32
    %while3A_287 = arith.constant 0 : i32
    %while3A_288 = arith.subi %select_n3A, %while3A_286 : i32
    %while3A_289 = arith.addi %while3A_286, %while3A_288 : i32
    %while3A_290 = arith.constant 1 : i32
    %while3A_291 = arith.divsi %while3A_288, %while3A_290 : i32
    %while3A_292 = arith.muli %while3A_291, %while3A_290 : i32
    %while3A_293 = arith.addi %while3A_286, %while3A_292 : i32
    %while3A_294 = arith.constant 1 : i32
    %while3A_295 = scf.for %while3A_298 = %while3A_286 to %while3A_293 step %while3A_294 iter_args(%while3A_299 = %while3A_287) -> (i32)  : i32 {
      %dma_wait3A_300 = arith.constant 0 : i32
      %dma_wait3A_301 = arith.constant 0 : i32
      %dma_wait3A_302 = tpu.memref_slice %arg4[%arg0, %dma_wait3A_300, %dma_wait3A_301] : memref<2x10000x128xf32, #tpu.memory_space<hbm>> -> memref<1x80x128xf32, #tpu.memory_space<hbm>>
      %dma_wait3A_303 = tpu.memref_squeeze %dma_wait3A_302 : memref<1x80x128xf32, #tpu.memory_space<hbm>> -> memref<80x128xf32, #tpu.memory_space<hbm>>
      %dma_wait3A_304 = arith.constant 0 : i32
      %dma_wait3A_305 = arith.constant 0 : i32
      %dma_wait3A_306 = tpu.memref_slice %arg5[%dma_wait3A_304, %dma_wait3A_305] : memref<10016x128xf32, #tpu.memory_space<vmem_shared>> -> memref<80x128xf32, #tpu.memory_space<vmem_shared>>
      tpu.wait_dma2 semaphore(%arg10 : memref<!tpu.dma_semaphore, #tpu.memory_space<semaphore_mem>>) src(%dma_wait3A_306 : memref<80x128xf32, #tpu.memory_space<vmem_shared>>) dst(%dma_wait3A_303 : memref<80x128xf32, #tpu.memory_space<hbm>>)
      %while3A_307 = arith.constant 0 : i32
      scf.yield %while3A_307 : i32
    }
    %while3A_296 = arith.constant 1 : i32
    %while3A_297 = scf.for %while3A_298 = %while3A_293 to %while3A_289 step %while3A_296 iter_args(%while3A_299 = %while3A_295) -> (i32)  : i32 {
      %dma_wait3A_300 = arith.constant 0 : i32
      %dma_wait3A_301 = arith.constant 0 : i32
      %dma_wait3A_302 = tpu.memref_slice %arg4[%arg0, %dma_wait3A_300, %dma_wait3A_301] : memref<2x10000x128xf32, #tpu.memory_space<hbm>> -> memref<1x80x128xf32, #tpu.memory_space<hbm>>
      %dma_wait3A_303 = tpu.memref_squeeze %dma_wait3A_302 : memref<1x80x128xf32, #tpu.memory_space<hbm>> -> memref<80x128xf32, #tpu.memory_space<hbm>>
      %dma_wait3A_304 = arith.constant 0 : i32
      %dma_wait3A_305 = arith.constant 0 : i32
      %dma_wait3A_306 = tpu.memref_slice %arg5[%dma_wait3A_304, %dma_wait3A_305] : memref<10016x128xf32, #tpu.memory_space<vmem_shared>> -> memref<80x128xf32, #tpu.memory_space<vmem_shared>>
      tpu.wait_dma2 semaphore(%arg10 : memref<!tpu.dma_semaphore, #tpu.memory_space<semaphore_mem>>) src(%dma_wait3A_306 : memref<80x128xf32, #tpu.memory_space<vmem_shared>>) dst(%dma_wait3A_303 : memref<80x128xf32, #tpu.memory_space<hbm>>)
      %while3A_307 = arith.constant 0 : i32
      scf.yield %while3A_307 : i32
    }
    return
  }
}

#map = affine_map<(d0, d1) -> (0, 0, 0)>
#map1 = affine_map<(d0, d1) -> (0)>
module attributes {stable_mosaic.version = 14 : i64} {
  func.func @deg_kernel(%arg0: i32, %arg1: i32, %arg2: memref<2x2560x128xi32, #tpu.memory_space<hbm>>, %arg3: memref<20480xf32, #tpu.memory_space<hbm>>, %arg4: memref<10240xf32, #tpu.memory_space<vmem_shared>>, %arg5: memref<80x128xi32, #tpu.memory_space<vmem>>, %arg6: memref<128xf32, #tpu.memory_space<vmem>>, %arg7: memref<640xf32, #tpu.memory_space<vmem>>, %arg8: memref<!tpu.dma_semaphore, #tpu.memory_space<semaphore_mem>>) attributes {dimension_semantics = [#tpu.dimension_semantics<core_parallel>, #tpu.dimension_semantics<subcore_parallel>], iteration_bounds = array<i64: 2, 16>, scalar_prefetch = 0 : i64, scratch_operands = 5 : i64, tpu.core_type = #tpu.core_type<sc_vector_subcore>, window_params = [{transform_indices = #map}, {transform_indices = #map1}]} {
    %mul3A = arith.constant 2 : i32
    %mul3A_0 = arith.muli %arg1, %mul3A : i32
    %add3A = arith.addi %mul3A_0, %arg0 : i32
    %broadcast_in_dim3A = arith.constant 1.000000e+00 : f32
    %broadcast_in_dim3A_1 = vector.broadcast %broadcast_in_dim3A : f32 to vector<16xf32>
    %broadcast_in_dim3A_2 = arith.constant 0.000000e+00 : f32
    %broadcast_in_dim3A_3 = vector.broadcast %broadcast_in_dim3A_2 : f32 to vector<16xf32>
    %swap3A = arith.constant 0 : index
    %swap3A_4 = tpu.vector_load %arg6[%swap3A] {strides = array<i32>} : memref<128xf32, #tpu.memory_space<vmem>>, vector<16xf32>,
    %swap3A_5 = vector.shape_cast %swap3A_4 : vector<16xf32> to vector<16xf32>
    %swap3A_6 = vector.shape_cast %broadcast_in_dim3A_1 : vector<16xf32> to vector<16xf32>
    tpu.vector_store %arg6[%swap3A], %swap3A_6 {strides = array<i32>} : memref<128xf32, #tpu.memory_space<vmem>>, vector<16xf32>,
    %swap3A_7 = arith.constant 16 : index
    %swap3A_8 = tpu.vector_load %arg6[%swap3A_7] {strides = array<i32>} : memref<128xf32, #tpu.memory_space<vmem>>, vector<16xf32>,
    %swap3A_9 = vector.shape_cast %swap3A_8 : vector<16xf32> to vector<16xf32>
    %swap3A_10 = vector.shape_cast %broadcast_in_dim3A_1 : vector<16xf32> to vector<16xf32>
    tpu.vector_store %arg6[%swap3A_7], %swap3A_10 {strides = array<i32>} : memref<128xf32, #tpu.memory_space<vmem>>, vector<16xf32>,
    %swap3A_11 = arith.constant 32 : index
    %swap3A_12 = tpu.vector_load %arg6[%swap3A_11] {strides = array<i32>} : memref<128xf32, #tpu.memory_space<vmem>>, vector<16xf32>,
    %swap3A_13 = vector.shape_cast %swap3A_12 : vector<16xf32> to vector<16xf32>
    %swap3A_14 = vector.shape_cast %broadcast_in_dim3A_1 : vector<16xf32> to vector<16xf32>
    tpu.vector_store %arg6[%swap3A_11], %swap3A_14 {strides = array<i32>} : memref<128xf32, #tpu.memory_space<vmem>>, vector<16xf32>,
    %swap3A_15 = arith.constant 48 : index
    %swap3A_16 = tpu.vector_load %arg6[%swap3A_15] {strides = array<i32>} : memref<128xf32, #tpu.memory_space<vmem>>, vector<16xf32>,
    %swap3A_17 = vector.shape_cast %swap3A_16 : vector<16xf32> to vector<16xf32>
    %swap3A_18 = vector.shape_cast %broadcast_in_dim3A_1 : vector<16xf32> to vector<16xf32>
    tpu.vector_store %arg6[%swap3A_15], %swap3A_18 {strides = array<i32>} : memref<128xf32, #tpu.memory_space<vmem>>, vector<16xf32>,
    %swap3A_19 = arith.constant 64 : index
    %swap3A_20 = tpu.vector_load %arg6[%swap3A_19] {strides = array<i32>} : memref<128xf32, #tpu.memory_space<vmem>>, vector<16xf32>,
    %swap3A_21 = vector.shape_cast %swap3A_20 : vector<16xf32> to vector<16xf32>
    %swap3A_22 = vector.shape_cast %broadcast_in_dim3A_1 : vector<16xf32> to vector<16xf32>
    tpu.vector_store %arg6[%swap3A_19], %swap3A_22 {strides = array<i32>} : memref<128xf32, #tpu.memory_space<vmem>>, vector<16xf32>,
    %swap3A_23 = arith.constant 80 : index
    %swap3A_24 = tpu.vector_load %arg6[%swap3A_23] {strides = array<i32>} : memref<128xf32, #tpu.memory_space<vmem>>, vector<16xf32>,
    %swap3A_25 = vector.shape_cast %swap3A_24 : vector<16xf32> to vector<16xf32>
    %swap3A_26 = vector.shape_cast %broadcast_in_dim3A_1 : vector<16xf32> to vector<16xf32>
    tpu.vector_store %arg6[%swap3A_23], %swap3A_26 {strides = array<i32>} : memref<128xf32, #tpu.memory_space<vmem>>, vector<16xf32>,
    %swap3A_27 = arith.constant 96 : index
    %swap3A_28 = tpu.vector_load %arg6[%swap3A_27] {strides = array<i32>} : memref<128xf32, #tpu.memory_space<vmem>>, vector<16xf32>,
    %swap3A_29 = vector.shape_cast %swap3A_28 : vector<16xf32> to vector<16xf32>
    %swap3A_30 = vector.shape_cast %broadcast_in_dim3A_1 : vector<16xf32> to vector<16xf32>
    tpu.vector_store %arg6[%swap3A_27], %swap3A_30 {strides = array<i32>} : memref<128xf32, #tpu.memory_space<vmem>>, vector<16xf32>,
    %swap3A_31 = arith.constant 112 : index
    %swap3A_32 = tpu.vector_load %arg6[%swap3A_31] {strides = array<i32>} : memref<128xf32, #tpu.memory_space<vmem>>, vector<16xf32>,
    %swap3A_33 = vector.shape_cast %swap3A_32 : vector<16xf32> to vector<16xf32>
    %swap3A_34 = vector.shape_cast %broadcast_in_dim3A_1 : vector<16xf32> to vector<16xf32>
    tpu.vector_store %arg6[%swap3A_31], %swap3A_34 {strides = array<i32>} : memref<128xf32, #tpu.memory_space<vmem>>, vector<16xf32>,
    %scan3A = arith.constant 0 : i32
    %scan3A_35 = arith.constant 0 : i32
    %scan3A_36 = arith.constant 40 : i32
    %scan3A_37 = arith.addi %scan3A_35, %scan3A_36 : i32
    %scan3A_38 = arith.constant 1 : i32
    %scan3A_39 = scf.for %scan3A_60 = %scan3A_35 to %scan3A_37 step %scan3A_38 iter_args(%scan3A_61 = %scan3A) -> (i32)  : i32 {
      %mul3A_62 = arith.constant 16 : i32
      %mul3A_63 = arith.muli %scan3A_60, %mul3A_62 : i32
      %swap3A_64 = arith.index_cast %mul3A_63 : i32 to index
      %swap3A_65 = tpu.vector_load %arg7[%swap3A_64] {strides = array<i32>} : memref<640xf32, #tpu.memory_space<vmem>>, vector<16xf32>,
      %swap3A_66 = vector.shape_cast %swap3A_65 : vector<16xf32> to vector<16xf32>
      %swap3A_67 = vector.shape_cast %broadcast_in_dim3A_3 : vector<16xf32> to vector<16xf32>
      tpu.vector_store %arg7[%swap3A_64], %swap3A_67 {strides = array<i32>} : memref<640xf32, #tpu.memory_space<vmem>>, vector<16xf32>,
      %scan3A_68 = arith.constant 0 : i32
      scf.yield %scan3A_68 : i32
    }
    %scan3A_40 = arith.constant 40 : i32
    %mul3A_41 = arith.constant 640 : i32
    %mul3A_42 = arith.muli %arg1, %mul3A_41 : i32
    "tpu.region"() ({
      %run_scoped3A_60 = tpu.sem_alloc : memref<!tpu.dma_semaphore, #tpu.memory_space<semaphore_mem>>
      %dma_start3A = tpu.memref_slice %arg4[%mul3A_42] : memref<10240xf32, #tpu.memory_space<vmem_shared>> -> memref<640xf32, #tpu.memory_space<vmem_shared>>
      %dma_start3A_61 = tpu.memref_slice %arg4[%mul3A_42] : memref<10240xf32, #tpu.memory_space<vmem_shared>> -> memref<640xf32, #tpu.memory_space<vmem_shared>>
      tpu.enqueue_dma source(%arg7 : memref<640xf32, #tpu.memory_space<vmem>>) target(%dma_start3A_61 : memref<640xf32, #tpu.memory_space<vmem_shared>>) target_semaphore(%run_scoped3A_60 : memref<!tpu.dma_semaphore, #tpu.memory_space<semaphore_mem>>)
      %dma_wait3A = tpu.memref_slice %arg4[%mul3A_42] : memref<10240xf32, #tpu.memory_space<vmem_shared>> -> memref<640xf32, #tpu.memory_space<vmem_shared>>
      %dma_wait3A_62 = tpu.memref_slice %arg4[%mul3A_42] : memref<10240xf32, #tpu.memory_space<vmem_shared>> -> memref<640xf32, #tpu.memory_space<vmem_shared>>
      tpu.wait_dma2 semaphore(%run_scoped3A_60 : memref<!tpu.dma_semaphore, #tpu.memory_space<semaphore_mem>>) src(%arg7 : memref<640xf32, #tpu.memory_space<vmem>>) dst(%dma_wait3A_62 : memref<640xf32, #tpu.memory_space<vmem_shared>>)
      tpu.yield
    }) : () -> ()
    %barrier3A = arith.constant 0 : index
    tpu.barrier barrier_id(%barrier3A)
    %mul3A_43 = arith.constant 80 : i32
    %mul3A_44 = arith.muli %mul3A_43, %add3A : i32
    %run_scoped3A = arith.constant 1 : i32
    "tpu.region"() ({
      %run_scoped3A_60 = tpu.sem_alloc : memref<!tpu.dma_semaphore, #tpu.memory_space<semaphore_mem>>
      %dma_start3A = arith.constant 0 : i32
      %dma_start3A_61 = arith.constant 0 : i32
      %dma_start3A_62 = tpu.memref_slice %arg2[%run_scoped3A, %dma_start3A, %dma_start3A_61] : memref<2x2560x128xi32, #tpu.memory_space<hbm>> -> memref<1x2560x128xi32, #tpu.memory_space<hbm>>
      %dma_start3A_63 = tpu.memref_squeeze %dma_start3A_62 : memref<1x2560x128xi32, #tpu.memory_space<hbm>> -> memref<2560x128xi32, #tpu.memory_space<hbm>>
      %dma_start3A_64 = arith.constant 0 : i32
      %dma_start3A_65 = tpu.memref_slice %dma_start3A_63[%mul3A_44, %dma_start3A_64] : memref<2560x128xi32, #tpu.memory_space<hbm>> -> memref<80x128xi32, #tpu.memory_space<hbm>>
      %dma_start3A_66 = arith.constant 0 : i32
      %dma_start3A_67 = arith.constant 0 : i32
      %dma_start3A_68 = tpu.memref_slice %arg2[%run_scoped3A, %dma_start3A_66, %dma_start3A_67] : memref<2x2560x128xi32, #tpu.memory_space<hbm>> -> memref<1x2560x128xi32, #tpu.memory_space<hbm>>
      %dma_start3A_69 = tpu.memref_squeeze %dma_start3A_68 : memref<1x2560x128xi32, #tpu.memory_space<hbm>> -> memref<2560x128xi32, #tpu.memory_space<hbm>>
      %dma_start3A_70 = arith.constant 0 : i32
      %dma_start3A_71 = tpu.memref_slice %dma_start3A_69[%mul3A_44, %dma_start3A_70] : memref<2560x128xi32, #tpu.memory_space<hbm>> -> memref<80x128xi32, #tpu.memory_space<hbm>>
      tpu.enqueue_dma source(%dma_start3A_71 : memref<80x128xi32, #tpu.memory_space<hbm>>) target(%arg5 : memref<80x128xi32, #tpu.memory_space<vmem>>) target_semaphore(%run_scoped3A_60 : memref<!tpu.dma_semaphore, #tpu.memory_space<semaphore_mem>>)
      %dma_wait3A = arith.constant 0 : i32
      %dma_wait3A_72 = arith.constant 0 : i32
      %dma_wait3A_73 = tpu.memref_slice %arg2[%run_scoped3A, %dma_wait3A, %dma_wait3A_72] : memref<2x2560x128xi32, #tpu.memory_space<hbm>> -> memref<1x2560x128xi32, #tpu.memory_space<hbm>>
      %dma_wait3A_74 = tpu.memref_squeeze %dma_wait3A_73 : memref<1x2560x128xi32, #tpu.memory_space<hbm>> -> memref<2560x128xi32, #tpu.memory_space<hbm>>
      %dma_wait3A_75 = arith.constant 0 : i32
      %dma_wait3A_76 = tpu.memref_slice %dma_wait3A_74[%mul3A_44, %dma_wait3A_75] : memref<2560x128xi32, #tpu.memory_space<hbm>> -> memref<80x128xi32, #tpu.memory_space<hbm>>
      %dma_wait3A_77 = arith.constant 0 : i32
      %dma_wait3A_78 = arith.constant 0 : i32
      %dma_wait3A_79 = tpu.memref_slice %arg2[%run_scoped3A, %dma_wait3A_77, %dma_wait3A_78] : memref<2x2560x128xi32, #tpu.memory_space<hbm>> -> memref<1x2560x128xi32, #tpu.memory_space<hbm>>
      %dma_wait3A_80 = tpu.memref_squeeze %dma_wait3A_79 : memref<1x2560x128xi32, #tpu.memory_space<hbm>> -> memref<2560x128xi32, #tpu.memory_space<hbm>>
      %dma_wait3A_81 = arith.constant 0 : i32
      %dma_wait3A_82 = tpu.memref_slice %dma_wait3A_80[%mul3A_44, %dma_wait3A_81] : memref<2560x128xi32, #tpu.memory_space<hbm>> -> memref<80x128xi32, #tpu.memory_space<hbm>>
      tpu.wait_dma2 semaphore(%run_scoped3A_60 : memref<!tpu.dma_semaphore, #tpu.memory_space<semaphore_mem>>) src(%dma_wait3A_82 : memref<80x128xi32, #tpu.memory_space<hbm>>) dst(%arg5 : memref<80x128xi32, #tpu.memory_space<vmem>>)
      tpu.yield
    }) : () -> ()
    %scan3A_45 = arith.constant 0 : i32
    %scan3A_46 = arith.constant 0 : i32
    %scan3A_47 = arith.constant 10 : i32
    %scan3A_48 = arith.addi %scan3A_46, %scan3A_47 : i32
    %scan3A_49 = arith.constant 1 : i32
    %scan3A_50 = scf.for %scan3A_60 = %scan3A_46 to %scan3A_48 step %scan3A_49 iter_args(%scan3A_61 = %scan3A_45) -> (i32)  : i32 {
      %mul3A_62 = arith.constant 8 : i32
      %mul3A_63 = arith.muli %mul3A_62, %scan3A_60 : i32
      %add3A_64 = arith.constant 0 : i32
      %add3A_65 = arith.addi %mul3A_63, %add3A_64 : i32
      %dma_start3A = arith.constant 0 : i32
      %dma_start3A_66 = tpu.memref_slice %arg5[%add3A_65, %dma_start3A] : memref<80x128xi32, #tpu.memory_space<vmem>> -> memref<1x128xi32, #tpu.memory_space<vmem>>
      %dma_start3A_67 = tpu.memref_squeeze %dma_start3A_66 : memref<1x128xi32, #tpu.memory_space<vmem>> -> memref<128xi32, #tpu.memory_space<vmem>>
      %dma_start3A_68 = arith.constant 0 : i32
      %dma_start3A_69 = tpu.memref_slice %arg4[%dma_start3A_68] : memref<10240xf32, #tpu.memory_space<vmem_shared>> -> memref<10240xf32, #tpu.memory_space<vmem_shared>>
      tpu.enqueue_indirect_dma source(%arg6 : memref<128xf32, #tpu.memory_space<vmem>>) target(%dma_start3A_69 : memref<10240xf32, #tpu.memory_space<vmem_shared>>) offsets(%dma_start3A_67 : memref<128xi32, #tpu.memory_space<vmem>>) semaphore(%arg8 : memref<!tpu.dma_semaphore, #tpu.memory_space<semaphore_mem>>) {add = true}
      %mul3A_70 = arith.constant 8 : i32
      %mul3A_71 = arith.muli %mul3A_70, %scan3A_60 : i32
      %add3A_72 = arith.constant 1 : i32
      %add3A_73 = arith.addi %mul3A_71, %add3A_72 : i32
      %dma_start3A_74 = arith.constant 0 : i32
      %dma_start3A_75 = tpu.memref_slice %arg5[%add3A_73, %dma_start3A_74] : memref<80x128xi32, #tpu.memory_space<vmem>> -> memref<1x128xi32, #tpu.memory_space<vmem>>
      %dma_start3A_76 = tpu.memref_squeeze %dma_start3A_75 : memref<1x128xi32, #tpu.memory_space<vmem>> -> memref<128xi32, #tpu.memory_space<vmem>>
      %dma_start3A_77 = arith.constant 0 : i32
      %dma_start3A_78 = tpu.memref_slice %arg4[%dma_start3A_77] : memref<10240xf32, #tpu.memory_space<vmem_shared>> -> memref<10240xf32, #tpu.memory_space<vmem_shared>>
      tpu.enqueue_indirect_dma source(%arg6 : memref<128xf32, #tpu.memory_space<vmem>>) target(%dma_start3A_78 : memref<10240xf32, #tpu.memory_space<vmem_shared>>) offsets(%dma_start3A_76 : memref<128xi32, #tpu.memory_space<vmem>>) semaphore(%arg8 : memref<!tpu.dma_semaphore, #tpu.memory_space<semaphore_mem>>) {add = true}
      %mul3A_79 = arith.constant 8 : i32
      %mul3A_80 = arith.muli %mul3A_79, %scan3A_60 : i32
      %add3A_81 = arith.constant 2 : i32
      %add3A_82 = arith.addi %mul3A_80, %add3A_81 : i32
      %dma_start3A_83 = arith.constant 0 : i32
      %dma_start3A_84 = tpu.memref_slice %arg5[%add3A_82, %dma_start3A_83] : memref<80x128xi32, #tpu.memory_space<vmem>> -> memref<1x128xi32, #tpu.memory_space<vmem>>
      %dma_start3A_85 = tpu.memref_squeeze %dma_start3A_84 : memref<1x128xi32, #tpu.memory_space<vmem>> -> memref<128xi32, #tpu.memory_space<vmem>>
      %dma_start3A_86 = arith.constant 0 : i32
      %dma_start3A_87 = tpu.memref_slice %arg4[%dma_start3A_86] : memref<10240xf32, #tpu.memory_space<vmem_shared>> -> memref<10240xf32, #tpu.memory_space<vmem_shared>>
      tpu.enqueue_indirect_dma source(%arg6 : memref<128xf32, #tpu.memory_space<vmem>>) target(%dma_start3A_87 : memref<10240xf32, #tpu.memory_space<vmem_shared>>) offsets(%dma_start3A_85 : memref<128xi32, #tpu.memory_space<vmem>>) semaphore(%arg8 : memref<!tpu.dma_semaphore, #tpu.memory_space<semaphore_mem>>) {add = true}
      %mul3A_88 = arith.constant 8 : i32
      %mul3A_89 = arith.muli %mul3A_88, %scan3A_60 : i32
      %add3A_90 = arith.constant 3 : i32
      %add3A_91 = arith.addi %mul3A_89, %add3A_90 : i32
      %dma_start3A_92 = arith.constant 0 : i32
      %dma_start3A_93 = tpu.memref_slice %arg5[%add3A_91, %dma_start3A_92] : memref<80x128xi32, #tpu.memory_space<vmem>> -> memref<1x128xi32, #tpu.memory_space<vmem>>
      %dma_start3A_94 = tpu.memref_squeeze %dma_start3A_93 : memref<1x128xi32, #tpu.memory_space<vmem>> -> memref<128xi32, #tpu.memory_space<vmem>>
      %dma_start3A_95 = arith.constant 0 : i32
      %dma_start3A_96 = tpu.memref_slice %arg4[%dma_start3A_95] : memref<10240xf32, #tpu.memory_space<vmem_shared>> -> memref<10240xf32, #tpu.memory_space<vmem_shared>>
      tpu.enqueue_indirect_dma source(%arg6 : memref<128xf32, #tpu.memory_space<vmem>>) target(%dma_start3A_96 : memref<10240xf32, #tpu.memory_space<vmem_shared>>) offsets(%dma_start3A_94 : memref<128xi32, #tpu.memory_space<vmem>>) semaphore(%arg8 : memref<!tpu.dma_semaphore, #tpu.memory_space<semaphore_mem>>) {add = true}
      %mul3A_97 = arith.constant 8 : i32
      %mul3A_98 = arith.muli %mul3A_97, %scan3A_60 : i32
      %add3A_99 = arith.constant 4 : i32
      %add3A_100 = arith.addi %mul3A_98, %add3A_99 : i32
      %dma_start3A_101 = arith.constant 0 : i32
      %dma_start3A_102 = tpu.memref_slice %arg5[%add3A_100, %dma_start3A_101] : memref<80x128xi32, #tpu.memory_space<vmem>> -> memref<1x128xi32, #tpu.memory_space<vmem>>
      %dma_start3A_103 = tpu.memref_squeeze %dma_start3A_102 : memref<1x128xi32, #tpu.memory_space<vmem>> -> memref<128xi32, #tpu.memory_space<vmem>>
      %dma_start3A_104 = arith.constant 0 : i32
      %dma_start3A_105 = tpu.memref_slice %arg4[%dma_start3A_104] : memref<10240xf32, #tpu.memory_space<vmem_shared>> -> memref<10240xf32, #tpu.memory_space<vmem_shared>>
      tpu.enqueue_indirect_dma source(%arg6 : memref<128xf32, #tpu.memory_space<vmem>>) target(%dma_start3A_105 : memref<10240xf32, #tpu.memory_space<vmem_shared>>) offsets(%dma_start3A_103 : memref<128xi32, #tpu.memory_space<vmem>>) semaphore(%arg8 : memref<!tpu.dma_semaphore, #tpu.memory_space<semaphore_mem>>) {add = true}
      %mul3A_106 = arith.constant 8 : i32
      %mul3A_107 = arith.muli %mul3A_106, %scan3A_60 : i32
      %add3A_108 = arith.constant 5 : i32
      %add3A_109 = arith.addi %mul3A_107, %add3A_108 : i32
      %dma_start3A_110 = arith.constant 0 : i32
      %dma_start3A_111 = tpu.memref_slice %arg5[%add3A_109, %dma_start3A_110] : memref<80x128xi32, #tpu.memory_space<vmem>> -> memref<1x128xi32, #tpu.memory_space<vmem>>
      %dma_start3A_112 = tpu.memref_squeeze %dma_start3A_111 : memref<1x128xi32, #tpu.memory_space<vmem>> -> memref<128xi32, #tpu.memory_space<vmem>>
      %dma_start3A_113 = arith.constant 0 : i32
      %dma_start3A_114 = tpu.memref_slice %arg4[%dma_start3A_113] : memref<10240xf32, #tpu.memory_space<vmem_shared>> -> memref<10240xf32, #tpu.memory_space<vmem_shared>>
      tpu.enqueue_indirect_dma source(%arg6 : memref<128xf32, #tpu.memory_space<vmem>>) target(%dma_start3A_114 : memref<10240xf32, #tpu.memory_space<vmem_shared>>) offsets(%dma_start3A_112 : memref<128xi32, #tpu.memory_space<vmem>>) semaphore(%arg8 : memref<!tpu.dma_semaphore, #tpu.memory_space<semaphore_mem>>) {add = true}
      %mul3A_115 = arith.constant 8 : i32
      %mul3A_116 = arith.muli %mul3A_115, %scan3A_60 : i32
      %add3A_117 = arith.constant 6 : i32
      %add3A_118 = arith.addi %mul3A_116, %add3A_117 : i32
      %dma_start3A_119 = arith.constant 0 : i32
      %dma_start3A_120 = tpu.memref_slice %arg5[%add3A_118, %dma_start3A_119] : memref<80x128xi32, #tpu.memory_space<vmem>> -> memref<1x128xi32, #tpu.memory_space<vmem>>
      %dma_start3A_121 = tpu.memref_squeeze %dma_start3A_120 : memref<1x128xi32, #tpu.memory_space<vmem>> -> memref<128xi32, #tpu.memory_space<vmem>>
      %dma_start3A_122 = arith.constant 0 : i32
      %dma_start3A_123 = tpu.memref_slice %arg4[%dma_start3A_122] : memref<10240xf32, #tpu.memory_space<vmem_shared>> -> memref<10240xf32, #tpu.memory_space<vmem_shared>>
      tpu.enqueue_indirect_dma source(%arg6 : memref<128xf32, #tpu.memory_space<vmem>>) target(%dma_start3A_123 : memref<10240xf32, #tpu.memory_space<vmem_shared>>) offsets(%dma_start3A_121 : memref<128xi32, #tpu.memory_space<vmem>>) semaphore(%arg8 : memref<!tpu.dma_semaphore, #tpu.memory_space<semaphore_mem>>) {add = true}
      %mul3A_124 = arith.constant 8 : i32
      %mul3A_125 = arith.muli %mul3A_124, %scan3A_60 : i32
      %add3A_126 = arith.constant 7 : i32
      %add3A_127 = arith.addi %mul3A_125, %add3A_126 : i32
      %dma_start3A_128 = arith.constant 0 : i32
      %dma_start3A_129 = tpu.memref_slice %arg5[%add3A_127, %dma_start3A_128] : memref<80x128xi32, #tpu.memory_space<vmem>> -> memref<1x128xi32, #tpu.memory_space<vmem>>
      %dma_start3A_130 = tpu.memref_squeeze %dma_start3A_129 : memref<1x128xi32, #tpu.memory_space<vmem>> -> memref<128xi32, #tpu.memory_space<vmem>>
      %dma_start3A_131 = arith.constant 0 : i32
      %dma_start3A_132 = tpu.memref_slice %arg4[%dma_start3A_131] : memref<10240xf32, #tpu.memory_space<vmem_shared>> -> memref<10240xf32, #tpu.memory_space<vmem_shared>>
      tpu.enqueue_indirect_dma source(%arg6 : memref<128xf32, #tpu.memory_space<vmem>>) target(%dma_start3A_132 : memref<10240xf32, #tpu.memory_space<vmem_shared>>) offsets(%dma_start3A_130 : memref<128xi32, #tpu.memory_space<vmem>>) semaphore(%arg8 : memref<!tpu.dma_semaphore, #tpu.memory_space<semaphore_mem>>) {add = true}
      %dma_wait3A = arith.constant 0 : i32
      %dma_wait3A_133 = arith.constant 0 : i32
      %dma_wait3A_134 = tpu.memref_slice %arg5[%dma_wait3A, %dma_wait3A_133] : memref<80x128xi32, #tpu.memory_space<vmem>> -> memref<1x128xi32, #tpu.memory_space<vmem>>
      %dma_wait3A_135 = tpu.memref_squeeze %dma_wait3A_134 : memref<1x128xi32, #tpu.memory_space<vmem>> -> memref<128xi32, #tpu.memory_space<vmem>>
      %dma_wait3A_136 = arith.constant 0 : i32
      %dma_wait3A_137 = tpu.memref_slice %arg4[%dma_wait3A_136] : memref<10240xf32, #tpu.memory_space<vmem_shared>> -> memref<10240xf32, #tpu.memory_space<vmem_shared>>
      tpu.wait_indirect_dma semaphore(%arg8 : memref<!tpu.dma_semaphore, #tpu.memory_space<semaphore_mem>>) src(%arg6 : memref<128xf32, #tpu.memory_space<vmem>>) dst(%dma_wait3A_137 : memref<10240xf32, #tpu.memory_space<vmem_shared>>)
      %dma_wait3A_138 = arith.constant 0 : i32
      %dma_wait3A_139 = arith.constant 0 : i32
      %dma_wait3A_140 = tpu.memref_slice %arg5[%dma_wait3A_138, %dma_wait3A_139] : memref<80x128xi32, #tpu.memory_space<vmem>> -> memref<1x128xi32, #tpu.memory_space<vmem>>
      %dma_wait3A_141 = tpu.memref_squeeze %dma_wait3A_140 : memref<1x128xi32, #tpu.memory_space<vmem>> -> memref<128xi32, #tpu.memory_space<vmem>>
      %dma_wait3A_142 = arith.constant 0 : i32
      %dma_wait3A_143 = tpu.memref_slice %arg4[%dma_wait3A_142] : memref<10240xf32, #tpu.memory_space<vmem_shared>> -> memref<10240xf32, #tpu.memory_space<vmem_shared>>
      tpu.wait_indirect_dma semaphore(%arg8 : memref<!tpu.dma_semaphore, #tpu.memory_space<semaphore_mem>>) src(%arg6 : memref<128xf32, #tpu.memory_space<vmem>>) dst(%dma_wait3A_143 : memref<10240xf32, #tpu.memory_space<vmem_shared>>)
      %dma_wait3A_144 = arith.constant 0 : i32
      %dma_wait3A_145 = arith.constant 0 : i32
      %dma_wait3A_146 = tpu.memref_slice %arg5[%dma_wait3A_144, %dma_wait3A_145] : memref<80x128xi32, #tpu.memory_space<vmem>> -> memref<1x128xi32, #tpu.memory_space<vmem>>
      %dma_wait3A_147 = tpu.memref_squeeze %dma_wait3A_146 : memref<1x128xi32, #tpu.memory_space<vmem>> -> memref<128xi32, #tpu.memory_space<vmem>>
      %dma_wait3A_148 = arith.constant 0 : i32
      %dma_wait3A_149 = tpu.memref_slice %arg4[%dma_wait3A_148] : memref<10240xf32, #tpu.memory_space<vmem_shared>> -> memref<10240xf32, #tpu.memory_space<vmem_shared>>
      tpu.wait_indirect_dma semaphore(%arg8 : memref<!tpu.dma_semaphore, #tpu.memory_space<semaphore_mem>>) src(%arg6 : memref<128xf32, #tpu.memory_space<vmem>>) dst(%dma_wait3A_149 : memref<10240xf32, #tpu.memory_space<vmem_shared>>)
      %dma_wait3A_150 = arith.constant 0 : i32
      %dma_wait3A_151 = arith.constant 0 : i32
      %dma_wait3A_152 = tpu.memref_slice %arg5[%dma_wait3A_150, %dma_wait3A_151] : memref<80x128xi32, #tpu.memory_space<vmem>> -> memref<1x128xi32, #tpu.memory_space<vmem>>
      %dma_wait3A_153 = tpu.memref_squeeze %dma_wait3A_152 : memref<1x128xi32, #tpu.memory_space<vmem>> -> memref<128xi32, #tpu.memory_space<vmem>>
      %dma_wait3A_154 = arith.constant 0 : i32
      %dma_wait3A_155 = tpu.memref_slice %arg4[%dma_wait3A_154] : memref<10240xf32, #tpu.memory_space<vmem_shared>> -> memref<10240xf32, #tpu.memory_space<vmem_shared>>
      tpu.wait_indirect_dma semaphore(%arg8 : memref<!tpu.dma_semaphore, #tpu.memory_space<semaphore_mem>>) src(%arg6 : memref<128xf32, #tpu.memory_space<vmem>>) dst(%dma_wait3A_155 : memref<10240xf32, #tpu.memory_space<vmem_shared>>)
      %dma_wait3A_156 = arith.constant 0 : i32
      %dma_wait3A_157 = arith.constant 0 : i32
      %dma_wait3A_158 = tpu.memref_slice %arg5[%dma_wait3A_156, %dma_wait3A_157] : memref<80x128xi32, #tpu.memory_space<vmem>> -> memref<1x128xi32, #tpu.memory_space<vmem>>
      %dma_wait3A_159 = tpu.memref_squeeze %dma_wait3A_158 : memref<1x128xi32, #tpu.memory_space<vmem>> -> memref<128xi32, #tpu.memory_space<vmem>>
      %dma_wait3A_160 = arith.constant 0 : i32
      %dma_wait3A_161 = tpu.memref_slice %arg4[%dma_wait3A_160] : memref<10240xf32, #tpu.memory_space<vmem_shared>> -> memref<10240xf32, #tpu.memory_space<vmem_shared>>
      tpu.wait_indirect_dma semaphore(%arg8 : memref<!tpu.dma_semaphore, #tpu.memory_space<semaphore_mem>>) src(%arg6 : memref<128xf32, #tpu.memory_space<vmem>>) dst(%dma_wait3A_161 : memref<10240xf32, #tpu.memory_space<vmem_shared>>)
      %dma_wait3A_162 = arith.constant 0 : i32
      %dma_wait3A_163 = arith.constant 0 : i32
      %dma_wait3A_164 = tpu.memref_slice %arg5[%dma_wait3A_162, %dma_wait3A_163] : memref<80x128xi32, #tpu.memory_space<vmem>> -> memref<1x128xi32, #tpu.memory_space<vmem>>
      %dma_wait3A_165 = tpu.memref_squeeze %dma_wait3A_164 : memref<1x128xi32, #tpu.memory_space<vmem>> -> memref<128xi32, #tpu.memory_space<vmem>>
      %dma_wait3A_166 = arith.constant 0 : i32
      %dma_wait3A_167 = tpu.memref_slice %arg4[%dma_wait3A_166] : memref<10240xf32, #tpu.memory_space<vmem_shared>> -> memref<10240xf32, #tpu.memory_space<vmem_shared>>
      tpu.wait_indirect_dma semaphore(%arg8 : memref<!tpu.dma_semaphore, #tpu.memory_space<semaphore_mem>>) src(%arg6 : memref<128xf32, #tpu.memory_space<vmem>>) dst(%dma_wait3A_167 : memref<10240xf32, #tpu.memory_space<vmem_shared>>)
      %dma_wait3A_168 = arith.constant 0 : i32
      %dma_wait3A_169 = arith.constant 0 : i32
      %dma_wait3A_170 = tpu.memref_slice %arg5[%dma_wait3A_168, %dma_wait3A_169] : memref<80x128xi32, #tpu.memory_space<vmem>> -> memref<1x128xi32, #tpu.memory_space<vmem>>
      %dma_wait3A_171 = tpu.memref_squeeze %dma_wait3A_170 : memref<1x128xi32, #tpu.memory_space<vmem>> -> memref<128xi32, #tpu.memory_space<vmem>>
      %dma_wait3A_172 = arith.constant 0 : i32
      %dma_wait3A_173 = tpu.memref_slice %arg4[%dma_wait3A_172] : memref<10240xf32, #tpu.memory_space<vmem_shared>> -> memref<10240xf32, #tpu.memory_space<vmem_shared>>
      tpu.wait_indirect_dma semaphore(%arg8 : memref<!tpu.dma_semaphore, #tpu.memory_space<semaphore_mem>>) src(%arg6 : memref<128xf32, #tpu.memory_space<vmem>>) dst(%dma_wait3A_173 : memref<10240xf32, #tpu.memory_space<vmem_shared>>)
      %dma_wait3A_174 = arith.constant 0 : i32
      %dma_wait3A_175 = arith.constant 0 : i32
      %dma_wait3A_176 = tpu.memref_slice %arg5[%dma_wait3A_174, %dma_wait3A_175] : memref<80x128xi32, #tpu.memory_space<vmem>> -> memref<1x128xi32, #tpu.memory_space<vmem>>
      %dma_wait3A_177 = tpu.memref_squeeze %dma_wait3A_176 : memref<1x128xi32, #tpu.memory_space<vmem>> -> memref<128xi32, #tpu.memory_space<vmem>>
      %dma_wait3A_178 = arith.constant 0 : i32
      %dma_wait3A_179 = tpu.memref_slice %arg4[%dma_wait3A_178] : memref<10240xf32, #tpu.memory_space<vmem_shared>> -> memref<10240xf32, #tpu.memory_space<vmem_shared>>
      tpu.wait_indirect_dma semaphore(%arg8 : memref<!tpu.dma_semaphore, #tpu.memory_space<semaphore_mem>>) src(%arg6 : memref<128xf32, #tpu.memory_space<vmem>>) dst(%dma_wait3A_179 : memref<10240xf32, #tpu.memory_space<vmem_shared>>)
      %scan3A_180 = arith.constant 0 : i32
      scf.yield %scan3A_180 : i32
    }
    %scan3A_51 = arith.constant 10 : i32
    %barrier3A_52 = arith.constant 0 : index
    tpu.barrier barrier_id(%barrier3A_52)
    %mul3A_53 = arith.constant 640 : i32
    %mul3A_54 = arith.muli %arg1, %mul3A_53 : i32
    %mul3A_55 = arith.constant 10240 : i32
    %mul3A_56 = arith.muli %arg0, %mul3A_55 : i32
    %mul3A_57 = arith.constant 640 : i32
    %mul3A_58 = arith.muli %arg1, %mul3A_57 : i32
    %add3A_59 = arith.addi %mul3A_56, %mul3A_58 : i32
    "tpu.region"() ({
      %run_scoped3A_60 = tpu.sem_alloc : memref<!tpu.dma_semaphore, #tpu.memory_space<semaphore_mem>>
      %dma_start3A = tpu.memref_slice %arg3[%add3A_59] : memref<20480xf32, #tpu.memory_space<hbm>> -> memref<640xf32, #tpu.memory_space<hbm>>
      %dma_start3A_61 = tpu.memref_slice %arg4[%mul3A_54] : memref<10240xf32, #tpu.memory_space<vmem_shared>> -> memref<640xf32, #tpu.memory_space<vmem_shared>>
      tpu.enqueue_dma source(%dma_start3A_61 : memref<640xf32, #tpu.memory_space<vmem_shared>>) target(%dma_start3A : memref<640xf32, #tpu.memory_space<hbm>>) target_semaphore(%run_scoped3A_60 : memref<!tpu.dma_semaphore, #tpu.memory_space<semaphore_mem>>)
      %dma_wait3A = tpu.memref_slice %arg3[%add3A_59] : memref<20480xf32, #tpu.memory_space<hbm>> -> memref<640xf32, #tpu.memory_space<hbm>>
      %dma_wait3A_62 = tpu.memref_slice %arg4[%mul3A_54] : memref<10240xf32, #tpu.memory_space<vmem_shared>> -> memref<640xf32, #tpu.memory_space<vmem_shared>>
      tpu.wait_dma2 semaphore(%run_scoped3A_60 : memref<!tpu.dma_semaphore, #tpu.memory_space<semaphore_mem>>) src(%dma_wait3A_62 : memref<640xf32, #tpu.memory_space<vmem_shared>>) dst(%dma_wait3A : memref<640xf32, #tpu.memory_space<hbm>>)
      tpu.yield
    }) : () -> ()
    return
  }
}

#map = affine_map<(d0, d1) -> (0, 0)>
#map1 = affine_map<(d0, d1) -> (0, 0, 0)>
module attributes {stable_mosaic.version = 14 : i64} {
  func.func @agg_kernel(%arg0: i32, %arg1: i32, %arg2: memref<10000x128xf32, #tpu.memory_space<hbm>>, %arg3: memref<2x2560x128xi32, #tpu.memory_space<hbm>>, %arg4: memref<2x10000x128xf32, #tpu.memory_space<hbm>>, %arg5: memref<10016x128xf32, #tpu.memory_space<vmem_shared>>, %arg6: memref<40x128xi32, #tpu.memory_space<vmem>>, %arg7: memref<40x128xi32, #tpu.memory_space<vmem>>, %arg8: memref<128x128xf32, #tpu.memory_space<vmem>>, %arg9: memref<128x128xf32, #tpu.memory_space<vmem>>, %arg10: memref<!tpu.dma_semaphore, #tpu.memory_space<semaphore_mem>>, %arg11: memref<!tpu.dma_semaphore, #tpu.memory_space<semaphore_mem>>, %arg12: memref<!tpu.dma_semaphore, #tpu.memory_space<semaphore_mem>>, %arg13: memref<!tpu.dma_semaphore, #tpu.memory_space<semaphore_mem>>) attributes {dimension_semantics = [#tpu.dimension_semantics<core_parallel>, #tpu.dimension_semantics<subcore_parallel>], iteration_bounds = array<i64: 2, 16>, scalar_prefetch = 0 : i64, scratch_operands = 9 : i64, tpu.core_type = #tpu.core_type<sc_vector_subcore>, window_params = [{transform_indices = #map}, {transform_indices = #map1}, {transform_indices = #map1}]} {
    %mul3A = arith.constant 2 : i32
    %mul3A_0 = arith.muli %arg1, %mul3A : i32
    %add3A = arith.addi %mul3A_0, %arg0 : i32
    %broadcast_in_dim3A = arith.constant 0.000000e+00 : f32
    %broadcast_in_dim3A_1 = vector.broadcast %broadcast_in_dim3A : f32 to vector<16xf32>
    %scan3A = arith.constant 0 : i32
    %scan3A_2 = arith.constant 0 : i32
    %scan3A_3 = arith.constant 80 : i32
    %scan3A_4 = arith.addi %scan3A_2, %scan3A_3 : i32
    %scan3A_5 = arith.constant 1 : i32
    %scan3A_6 = scf.for %scan3A_298 = %scan3A_2 to %scan3A_4 step %scan3A_5 iter_args(%scan3A_299 = %scan3A) -> (i32)  : i32 {
      %swap3A = arith.index_cast %scan3A_298 : i32 to index
      %swap3A_300 = arith.constant 0 : index
      %swap3A_301 = tpu.vector_load %arg9[%swap3A, %swap3A_300] {strides = array<i32>} : memref<128x128xf32, #tpu.memory_space<vmem>>, vector<1x16xf32>,
      %swap3A_302 = vector.shape_cast %swap3A_301 : vector<1x16xf32> to vector<16xf32>
      %swap3A_303 = vector.shape_cast %broadcast_in_dim3A_1 : vector<16xf32> to vector<1x16xf32>
      tpu.vector_store %arg9[%swap3A, %swap3A_300], %swap3A_303 {strides = array<i32>} : memref<128x128xf32, #tpu.memory_space<vmem>>, vector<1x16xf32>,
      %swap3A_304 = arith.index_cast %scan3A_298 : i32 to index
      %swap3A_305 = arith.constant 16 : index
      %swap3A_306 = tpu.vector_load %arg9[%swap3A_304, %swap3A_305] {strides = array<i32>} : memref<128x128xf32, #tpu.memory_space<vmem>>, vector<1x16xf32>,
      %swap3A_307 = vector.shape_cast %swap3A_306 : vector<1x16xf32> to vector<16xf32>
      %swap3A_308 = vector.shape_cast %broadcast_in_dim3A_1 : vector<16xf32> to vector<1x16xf32>
      tpu.vector_store %arg9[%swap3A_304, %swap3A_305], %swap3A_308 {strides = array<i32>} : memref<128x128xf32, #tpu.memory_space<vmem>>, vector<1x16xf32>,
      %swap3A_309 = arith.index_cast %scan3A_298 : i32 to index
      %swap3A_310 = arith.constant 32 : index
      %swap3A_311 = tpu.vector_load %arg9[%swap3A_309, %swap3A_310] {strides = array<i32>} : memref<128x128xf32, #tpu.memory_space<vmem>>, vector<1x16xf32>,
      %swap3A_312 = vector.shape_cast %swap3A_311 : vector<1x16xf32> to vector<16xf32>
      %swap3A_313 = vector.shape_cast %broadcast_in_dim3A_1 : vector<16xf32> to vector<1x16xf32>
      tpu.vector_store %arg9[%swap3A_309, %swap3A_310], %swap3A_313 {strides = array<i32>} : memref<128x128xf32, #tpu.memory_space<vmem>>, vector<1x16xf32>,
      %swap3A_314 = arith.index_cast %scan3A_298 : i32 to index
      %swap3A_315 = arith.constant 48 : index
      %swap3A_316 = tpu.vector_load %arg9[%swap3A_314, %swap3A_315] {strides = array<i32>} : memref<128x128xf32, #tpu.memory_space<vmem>>, vector<1x16xf32>,
      %swap3A_317 = vector.shape_cast %swap3A_316 : vector<1x16xf32> to vector<16xf32>
      %swap3A_318 = vector.shape_cast %broadcast_in_dim3A_1 : vector<16xf32> to vector<1x16xf32>
      tpu.vector_store %arg9[%swap3A_314, %swap3A_315], %swap3A_318 {strides = array<i32>} : memref<128x128xf32, #tpu.memory_space<vmem>>, vector<1x16xf32>,
      %swap3A_319 = arith.index_cast %scan3A_298 : i32 to index
      %swap3A_320 = arith.constant 64 : index
      %swap3A_321 = tpu.vector_load %arg9[%swap3A_319, %swap3A_320] {strides = array<i32>} : memref<128x128xf32, #tpu.memory_space<vmem>>, vector<1x16xf32>,
      %swap3A_322 = vector.shape_cast %swap3A_321 : vector<1x16xf32> to vector<16xf32>
      %swap3A_323 = vector.shape_cast %broadcast_in_dim3A_1 : vector<16xf32> to vector<1x16xf32>
      tpu.vector_store %arg9[%swap3A_319, %swap3A_320], %swap3A_323 {strides = array<i32>} : memref<128x128xf32, #tpu.memory_space<vmem>>, vector<1x16xf32>,
      %swap3A_324 = arith.index_cast %scan3A_298 : i32 to index
      %swap3A_325 = arith.constant 80 : index
      %swap3A_326 = tpu.vector_load %arg9[%swap3A_324, %swap3A_325] {strides = array<i32>} : memref<128x128xf32, #tpu.memory_space<vmem>>, vector<1x16xf32>,
      %swap3A_327 = vector.shape_cast %swap3A_326 : vector<1x16xf32> to vector<16xf32>
      %swap3A_328 = vector.shape_cast %broadcast_in_dim3A_1 : vector<16xf32> to vector<1x16xf32>
      tpu.vector_store %arg9[%swap3A_324, %swap3A_325], %swap3A_328 {strides = array<i32>} : memref<128x128xf32, #tpu.memory_space<vmem>>, vector<1x16xf32>,
      %swap3A_329 = arith.index_cast %scan3A_298 : i32 to index
      %swap3A_330 = arith.constant 96 : index
      %swap3A_331 = tpu.vector_load %arg9[%swap3A_329, %swap3A_330] {strides = array<i32>} : memref<128x128xf32, #tpu.memory_space<vmem>>, vector<1x16xf32>,
      %swap3A_332 = vector.shape_cast %swap3A_331 : vector<1x16xf32> to vector<16xf32>
      %swap3A_333 = vector.shape_cast %broadcast_in_dim3A_1 : vector<16xf32> to vector<1x16xf32>
      tpu.vector_store %arg9[%swap3A_329, %swap3A_330], %swap3A_333 {strides = array<i32>} : memref<128x128xf32, #tpu.memory_space<vmem>>, vector<1x16xf32>,
      %swap3A_334 = arith.index_cast %scan3A_298 : i32 to index
      %swap3A_335 = arith.constant 112 : index
      %swap3A_336 = tpu.vector_load %arg9[%swap3A_334, %swap3A_335] {strides = array<i32>} : memref<128x128xf32, #tpu.memory_space<vmem>>, vector<1x16xf32>,
      %swap3A_337 = vector.shape_cast %swap3A_336 : vector<1x16xf32> to vector<16xf32>
      %swap3A_338 = vector.shape_cast %broadcast_in_dim3A_1 : vector<16xf32> to vector<1x16xf32>
      tpu.vector_store %arg9[%swap3A_334, %swap3A_335], %swap3A_338 {strides = array<i32>} : memref<128x128xf32, #tpu.memory_space<vmem>>, vector<1x16xf32>,
      %scan3A_339 = arith.constant 0 : i32
      scf.yield %scan3A_339 : i32
    }
    %scan3A_7 = arith.constant 80 : i32
    %lt3A = arith.constant 15 : i32
    %lt3A_8 = arith.cmpi slt, %arg1, %lt3A : i32
    %jit3A = arith.constant 8 : i32
    %jit3A_9 = arith.constant 5 : i32
    %select_n3A = arith.select %lt3A_8, %jit3A, %jit3A_9 : i32
    %while3A = arith.constant 0 : i32
    %while3A_10 = arith.constant 0 : i32
    %while3A_11 = arith.subi %select_n3A, %while3A : i32
    %while3A_12 = arith.addi %while3A, %while3A_11 : i32
    %while3A_13 = arith.constant 1 : i32
    %while3A_14 = arith.divsi %while3A_11, %while3A_13 : i32
    %while3A_15 = arith.muli %while3A_14, %while3A_13 : i32
    %while3A_16 = arith.addi %while3A, %while3A_15 : i32
    %while3A_17 = arith.constant 1 : i32
    %while3A_18 = scf.for %while3A_298 = %while3A to %while3A_16 step %while3A_17 iter_args(%while3A_299 = %while3A_10) -> (i32)  : i32 {
      %mul3A_300 = arith.constant 640 : i32
      %mul3A_301 = arith.muli %arg1, %mul3A_300 : i32
      %mul3A_302 = arith.constant 80 : i32
      %mul3A_303 = arith.muli %while3A_298, %mul3A_302 : i32
      %add3A_304 = arith.addi %mul3A_301, %mul3A_303 : i32
      %dma_start3A_305 = arith.constant 0 : i32
      %dma_start3A_306 = arith.constant 0 : i32
      %dma_start3A_307 = tpu.memref_slice %arg9[%dma_start3A_305, %dma_start3A_306] : memref<128x128xf32, #tpu.memory_space<vmem>> -> memref<80x128xf32, #tpu.memory_space<vmem>>
      %dma_start3A_308 = arith.constant 0 : i32
      %dma_start3A_309 = tpu.memref_slice %arg5[%add3A_304, %dma_start3A_308] : memref<10016x128xf32, #tpu.memory_space<vmem_shared>> -> memref<80x128xf32, #tpu.memory_space<vmem_shared>>
      %dma_start3A_310 = arith.constant 0 : i32
      %dma_start3A_311 = tpu.memref_slice %arg5[%add3A_304, %dma_start3A_310] : memref<10016x128xf32, #tpu.memory_space<vmem_shared>> -> memref<80x128xf32, #tpu.memory_space<vmem_shared>>
      %dma_start3A_312 = arith.constant 0 : i32
      %dma_start3A_313 = arith.constant 0 : i32
      %dma_start3A_314 = tpu.memref_slice %arg9[%dma_start3A_312, %dma_start3A_313] : memref<128x128xf32, #tpu.memory_space<vmem>> -> memref<80x128xf32, #tpu.memory_space<vmem>>
      tpu.enqueue_dma source(%dma_start3A_314 : memref<80x128xf32, #tpu.memory_space<vmem>>) target(%dma_start3A_311 : memref<80x128xf32, #tpu.memory_space<vmem_shared>>) target_semaphore(%arg10 : memref<!tpu.dma_semaphore, #tpu.memory_space<semaphore_mem>>)
      %while3A_315 = arith.constant 0 : i32
      scf.yield %while3A_315 : i32
    }
    %while3A_19 = arith.constant 1 : i32
    %while3A_20 = scf.for %while3A_298 = %while3A_16 to %while3A_12 step %while3A_19 iter_args(%while3A_299 = %while3A_18) -> (i32)  : i32 {
      %mul3A_300 = arith.constant 640 : i32
      %mul3A_301 = arith.muli %arg1, %mul3A_300 : i32
      %mul3A_302 = arith.constant 80 : i32
      %mul3A_303 = arith.muli %while3A_298, %mul3A_302 : i32
      %add3A_304 = arith.addi %mul3A_301, %mul3A_303 : i32
      %dma_start3A_305 = arith.constant 0 : i32
      %dma_start3A_306 = arith.constant 0 : i32
      %dma_start3A_307 = tpu.memref_slice %arg9[%dma_start3A_305, %dma_start3A_306] : memref<128x128xf32, #tpu.memory_space<vmem>> -> memref<80x128xf32, #tpu.memory_space<vmem>>
      %dma_start3A_308 = arith.constant 0 : i32
      %dma_start3A_309 = tpu.memref_slice %arg5[%add3A_304, %dma_start3A_308] : memref<10016x128xf32, #tpu.memory_space<vmem_shared>> -> memref<80x128xf32, #tpu.memory_space<vmem_shared>>
      %dma_start3A_310 = arith.constant 0 : i32
      %dma_start3A_311 = tpu.memref_slice %arg5[%add3A_304, %dma_start3A_310] : memref<10016x128xf32, #tpu.memory_space<vmem_shared>> -> memref<80x128xf32, #tpu.memory_space<vmem_shared>>
      %dma_start3A_312 = arith.constant 0 : i32
      %dma_start3A_313 = arith.constant 0 : i32
      %dma_start3A_314 = tpu.memref_slice %arg9[%dma_start3A_312, %dma_start3A_313] : memref<128x128xf32, #tpu.memory_space<vmem>> -> memref<80x128xf32, #tpu.memory_space<vmem>>
      tpu.enqueue_dma source(%dma_start3A_314 : memref<80x128xf32, #tpu.memory_space<vmem>>) target(%dma_start3A_311 : memref<80x128xf32, #tpu.memory_space<vmem_shared>>) target_semaphore(%arg10 : memref<!tpu.dma_semaphore, #tpu.memory_space<semaphore_mem>>)
      %while3A_315 = arith.constant 0 : i32
      scf.yield %while3A_315 : i32
    }
    %while3A_21 = arith.constant 0 : i32
    %while3A_22 = arith.constant 0 : i32
    %while3A_23 = arith.subi %select_n3A, %while3A_21 : i32
    %while3A_24 = arith.addi %while3A_21, %while3A_23 : i32
    %while3A_25 = arith.constant 1 : i32
    %while3A_26 = arith.divsi %while3A_23, %while3A_25 : i32
    %while3A_27 = arith.muli %while3A_26, %while3A_25 : i32
    %while3A_28 = arith.addi %while3A_21, %while3A_27 : i32
    %while3A_29 = arith.constant 1 : i32
    %while3A_30 = scf.for %while3A_298 = %while3A_21 to %while3A_28 step %while3A_29 iter_args(%while3A_299 = %while3A_22) -> (i32)  : i32 {
      %dma_wait3A_300 = arith.constant 0 : i32
      %dma_wait3A_301 = arith.constant 0 : i32
      %dma_wait3A_302 = tpu.memref_slice %arg9[%dma_wait3A_300, %dma_wait3A_301] : memref<128x128xf32, #tpu.memory_space<vmem>> -> memref<80x128xf32, #tpu.memory_space<vmem>>
      %dma_wait3A_303 = arith.constant 0 : i32
      %dma_wait3A_304 = arith.constant 0 : i32
      %dma_wait3A_305 = tpu.memref_slice %arg5[%dma_wait3A_303, %dma_wait3A_304] : memref<10016x128xf32, #tpu.memory_space<vmem_shared>> -> memref<80x128xf32, #tpu.memory_space<vmem_shared>>
      %dma_wait3A_306 = arith.constant 0 : i32
      %dma_wait3A_307 = arith.constant 0 : i32
      %dma_wait3A_308 = tpu.memref_slice %arg5[%dma_wait3A_306, %dma_wait3A_307] : memref<10016x128xf32, #tpu.memory_space<vmem_shared>> -> memref<80x128xf32, #tpu.memory_space<vmem_shared>>
      %dma_wait3A_309 = arith.constant 0 : i32
      %dma_wait3A_310 = arith.constant 0 : i32
      %dma_wait3A_311 = tpu.memref_slice %arg9[%dma_wait3A_309, %dma_wait3A_310] : memref<128x128xf32, #tpu.memory_space<vmem>> -> memref<80x128xf32, #tpu.memory_space<vmem>>
      tpu.wait_dma2 semaphore(%arg10 : memref<!tpu.dma_semaphore, #tpu.memory_space<semaphore_mem>>) src(%dma_wait3A_311 : memref<80x128xf32, #tpu.memory_space<vmem>>) dst(%dma_wait3A_308 : memref<80x128xf32, #tpu.memory_space<vmem_shared>>)
      %while3A_312 = arith.constant 0 : i32
      scf.yield %while3A_312 : i32
    }
    %while3A_31 = arith.constant 1 : i32
    %while3A_32 = scf.for %while3A_298 = %while3A_28 to %while3A_24 step %while3A_31 iter_args(%while3A_299 = %while3A_30) -> (i32)  : i32 {
      %dma_wait3A_300 = arith.constant 0 : i32
      %dma_wait3A_301 = arith.constant 0 : i32
      %dma_wait3A_302 = tpu.memref_slice %arg9[%dma_wait3A_300, %dma_wait3A_301] : memref<128x128xf32, #tpu.memory_space<vmem>> -> memref<80x128xf32, #tpu.memory_space<vmem>>
      %dma_wait3A_303 = arith.constant 0 : i32
      %dma_wait3A_304 = arith.constant 0 : i32
      %dma_wait3A_305 = tpu.memref_slice %arg5[%dma_wait3A_303, %dma_wait3A_304] : memref<10016x128xf32, #tpu.memory_space<vmem_shared>> -> memref<80x128xf32, #tpu.memory_space<vmem_shared>>
      %dma_wait3A_306 = arith.constant 0 : i32
      %dma_wait3A_307 = arith.constant 0 : i32
      %dma_wait3A_308 = tpu.memref_slice %arg5[%dma_wait3A_306, %dma_wait3A_307] : memref<10016x128xf32, #tpu.memory_space<vmem_shared>> -> memref<80x128xf32, #tpu.memory_space<vmem_shared>>
      %dma_wait3A_309 = arith.constant 0 : i32
      %dma_wait3A_310 = arith.constant 0 : i32
      %dma_wait3A_311 = tpu.memref_slice %arg9[%dma_wait3A_309, %dma_wait3A_310] : memref<128x128xf32, #tpu.memory_space<vmem>> -> memref<80x128xf32, #tpu.memory_space<vmem>>
      tpu.wait_dma2 semaphore(%arg10 : memref<!tpu.dma_semaphore, #tpu.memory_space<semaphore_mem>>) src(%dma_wait3A_311 : memref<80x128xf32, #tpu.memory_space<vmem>>) dst(%dma_wait3A_308 : memref<80x128xf32, #tpu.memory_space<vmem_shared>>)
      %while3A_312 = arith.constant 0 : i32
      scf.yield %while3A_312 : i32
    }
    %barrier3A = arith.constant 0 : index
    tpu.barrier barrier_id(%barrier3A)
    %mul3A_33 = arith.constant 80 : i32
    %mul3A_34 = arith.muli %mul3A_33, %add3A : i32
    %add3A_35 = arith.constant 0 : i32
    %add3A_36 = arith.addi %mul3A_34, %add3A_35 : i32
    %dma_start3A = arith.constant 0 : i32
    %dma_start3A_37 = arith.constant 0 : i32
    %dma_start3A_38 = arith.constant 0 : i32
    %dma_start3A_39 = tpu.memref_slice %arg3[%dma_start3A, %dma_start3A_37, %dma_start3A_38] : memref<2x2560x128xi32, #tpu.memory_space<hbm>> -> memref<1x2560x128xi32, #tpu.memory_space<hbm>>
    %dma_start3A_40 = tpu.memref_squeeze %dma_start3A_39 : memref<1x2560x128xi32, #tpu.memory_space<hbm>> -> memref<2560x128xi32, #tpu.memory_space<hbm>>
    %dma_start3A_41 = arith.constant 0 : i32
    %dma_start3A_42 = tpu.memref_slice %dma_start3A_40[%add3A_36, %dma_start3A_41] : memref<2560x128xi32, #tpu.memory_space<hbm>> -> memref<40x128xi32, #tpu.memory_space<hbm>>
    %dma_start3A_43 = arith.constant 0 : i32
    %dma_start3A_44 = arith.constant 0 : i32
    %dma_start3A_45 = tpu.memref_slice %arg3[%dma_start3A, %dma_start3A_43, %dma_start3A_44] : memref<2x2560x128xi32, #tpu.memory_space<hbm>> -> memref<1x2560x128xi32, #tpu.memory_space<hbm>>
    %dma_start3A_46 = tpu.memref_squeeze %dma_start3A_45 : memref<1x2560x128xi32, #tpu.memory_space<hbm>> -> memref<2560x128xi32, #tpu.memory_space<hbm>>
    %dma_start3A_47 = arith.constant 0 : i32
    %dma_start3A_48 = tpu.memref_slice %dma_start3A_46[%add3A_36, %dma_start3A_47] : memref<2560x128xi32, #tpu.memory_space<hbm>> -> memref<40x128xi32, #tpu.memory_space<hbm>>
    tpu.enqueue_dma source(%dma_start3A_48 : memref<40x128xi32, #tpu.memory_space<hbm>>) target(%arg6 : memref<40x128xi32, #tpu.memory_space<vmem>>) target_semaphore(%arg10 : memref<!tpu.dma_semaphore, #tpu.memory_space<semaphore_mem>>)
    %dma_start3A_49 = arith.constant 1 : i32
    %dma_start3A_50 = arith.constant 0 : i32
    %dma_start3A_51 = arith.constant 0 : i32
    %dma_start3A_52 = tpu.memref_slice %arg3[%dma_start3A_49, %dma_start3A_50, %dma_start3A_51] : memref<2x2560x128xi32, #tpu.memory_space<hbm>> -> memref<1x2560x128xi32, #tpu.memory_space<hbm>>
    %dma_start3A_53 = tpu.memref_squeeze %dma_start3A_52 : memref<1x2560x128xi32, #tpu.memory_space<hbm>> -> memref<2560x128xi32, #tpu.memory_space<hbm>>
    %dma_start3A_54 = arith.constant 0 : i32
    %dma_start3A_55 = tpu.memref_slice %dma_start3A_53[%add3A_36, %dma_start3A_54] : memref<2560x128xi32, #tpu.memory_space<hbm>> -> memref<40x128xi32, #tpu.memory_space<hbm>>
    %dma_start3A_56 = arith.constant 0 : i32
    %dma_start3A_57 = arith.constant 0 : i32
    %dma_start3A_58 = tpu.memref_slice %arg3[%dma_start3A_49, %dma_start3A_56, %dma_start3A_57] : memref<2x2560x128xi32, #tpu.memory_space<hbm>> -> memref<1x2560x128xi32, #tpu.memory_space<hbm>>
    %dma_start3A_59 = tpu.memref_squeeze %dma_start3A_58 : memref<1x2560x128xi32, #tpu.memory_space<hbm>> -> memref<2560x128xi32, #tpu.memory_space<hbm>>
    %dma_start3A_60 = arith.constant 0 : i32
    %dma_start3A_61 = tpu.memref_slice %dma_start3A_59[%add3A_36, %dma_start3A_60] : memref<2560x128xi32, #tpu.memory_space<hbm>> -> memref<40x128xi32, #tpu.memory_space<hbm>>
    tpu.enqueue_dma source(%dma_start3A_61 : memref<40x128xi32, #tpu.memory_space<hbm>>) target(%arg7 : memref<40x128xi32, #tpu.memory_space<vmem>>) target_semaphore(%arg11 : memref<!tpu.dma_semaphore, #tpu.memory_space<semaphore_mem>>)
    %dma_wait3A = arith.constant 0 : i32
    %dma_wait3A_62 = arith.constant 0 : i32
    %dma_wait3A_63 = arith.constant 0 : i32
    %dma_wait3A_64 = tpu.memref_slice %arg3[%dma_wait3A, %dma_wait3A_62, %dma_wait3A_63] : memref<2x2560x128xi32, #tpu.memory_space<hbm>> -> memref<1x2560x128xi32, #tpu.memory_space<hbm>>
    %dma_wait3A_65 = tpu.memref_squeeze %dma_wait3A_64 : memref<1x2560x128xi32, #tpu.memory_space<hbm>> -> memref<2560x128xi32, #tpu.memory_space<hbm>>
    %dma_wait3A_66 = arith.constant 0 : i32
    %dma_wait3A_67 = arith.constant 0 : i32
    %dma_wait3A_68 = tpu.memref_slice %dma_wait3A_65[%dma_wait3A_66, %dma_wait3A_67] : memref<2560x128xi32, #tpu.memory_space<hbm>> -> memref<40x128xi32, #tpu.memory_space<hbm>>
    %dma_wait3A_69 = arith.constant 0 : i32
    %dma_wait3A_70 = arith.constant 0 : i32
    %dma_wait3A_71 = tpu.memref_slice %arg3[%dma_wait3A, %dma_wait3A_69, %dma_wait3A_70] : memref<2x2560x128xi32, #tpu.memory_space<hbm>> -> memref<1x2560x128xi32, #tpu.memory_space<hbm>>
    %dma_wait3A_72 = tpu.memref_squeeze %dma_wait3A_71 : memref<1x2560x128xi32, #tpu.memory_space<hbm>> -> memref<2560x128xi32, #tpu.memory_space<hbm>>
    %dma_wait3A_73 = arith.constant 0 : i32
    %dma_wait3A_74 = arith.constant 0 : i32
    %dma_wait3A_75 = tpu.memref_slice %dma_wait3A_72[%dma_wait3A_73, %dma_wait3A_74] : memref<2560x128xi32, #tpu.memory_space<hbm>> -> memref<40x128xi32, #tpu.memory_space<hbm>>
    tpu.wait_dma2 semaphore(%arg10 : memref<!tpu.dma_semaphore, #tpu.memory_space<semaphore_mem>>) src(%dma_wait3A_75 : memref<40x128xi32, #tpu.memory_space<hbm>>) dst(%arg6 : memref<40x128xi32, #tpu.memory_space<vmem>>)
    %dma_wait3A_76 = arith.constant 1 : i32
    %dma_wait3A_77 = arith.constant 0 : i32
    %dma_wait3A_78 = arith.constant 0 : i32
    %dma_wait3A_79 = tpu.memref_slice %arg3[%dma_wait3A_76, %dma_wait3A_77, %dma_wait3A_78] : memref<2x2560x128xi32, #tpu.memory_space<hbm>> -> memref<1x2560x128xi32, #tpu.memory_space<hbm>>
    %dma_wait3A_80 = tpu.memref_squeeze %dma_wait3A_79 : memref<1x2560x128xi32, #tpu.memory_space<hbm>> -> memref<2560x128xi32, #tpu.memory_space<hbm>>
    %dma_wait3A_81 = arith.constant 0 : i32
    %dma_wait3A_82 = arith.constant 0 : i32
    %dma_wait3A_83 = tpu.memref_slice %dma_wait3A_80[%dma_wait3A_81, %dma_wait3A_82] : memref<2560x128xi32, #tpu.memory_space<hbm>> -> memref<40x128xi32, #tpu.memory_space<hbm>>
    %dma_wait3A_84 = arith.constant 0 : i32
    %dma_wait3A_85 = arith.constant 0 : i32
    %dma_wait3A_86 = tpu.memref_slice %arg3[%dma_wait3A_76, %dma_wait3A_84, %dma_wait3A_85] : memref<2x2560x128xi32, #tpu.memory_space<hbm>> -> memref<1x2560x128xi32, #tpu.memory_space<hbm>>
    %dma_wait3A_87 = tpu.memref_squeeze %dma_wait3A_86 : memref<1x2560x128xi32, #tpu.memory_space<hbm>> -> memref<2560x128xi32, #tpu.memory_space<hbm>>
    %dma_wait3A_88 = arith.constant 0 : i32
    %dma_wait3A_89 = arith.constant 0 : i32
    %dma_wait3A_90 = tpu.memref_slice %dma_wait3A_87[%dma_wait3A_88, %dma_wait3A_89] : memref<2560x128xi32, #tpu.memory_space<hbm>> -> memref<40x128xi32, #tpu.memory_space<hbm>>
    tpu.wait_dma2 semaphore(%arg11 : memref<!tpu.dma_semaphore, #tpu.memory_space<semaphore_mem>>) src(%dma_wait3A_90 : memref<40x128xi32, #tpu.memory_space<hbm>>) dst(%arg7 : memref<40x128xi32, #tpu.memory_space<vmem>>)
    %dma_start3A_91 = arith.constant 0 : i32
    %dma_start3A_92 = arith.constant 0 : i32
    %dma_start3A_93 = tpu.memref_slice %arg6[%dma_start3A_91, %dma_start3A_92] : memref<40x128xi32, #tpu.memory_space<vmem>> -> memref<1x128xi32, #tpu.memory_space<vmem>>
    %dma_start3A_94 = tpu.memref_squeeze %dma_start3A_93 : memref<1x128xi32, #tpu.memory_space<vmem>> -> memref<128xi32, #tpu.memory_space<vmem>>
    %dma_start3A_95 = arith.constant 0 : i32
    %dma_start3A_96 = arith.constant 0 : i32
    %dma_start3A_97 = tpu.memref_slice %arg2[%dma_start3A_95, %dma_start3A_96] : memref<10000x128xf32, #tpu.memory_space<hbm>> -> memref<10000x128xf32, #tpu.memory_space<hbm>>
    tpu.enqueue_indirect_dma source(%dma_start3A_97 : memref<10000x128xf32, #tpu.memory_space<hbm>>) target(%arg8 : memref<128x128xf32, #tpu.memory_space<vmem>>) offsets(%dma_start3A_94 : memref<128xi32, #tpu.memory_space<vmem>>) semaphore(%arg10 : memref<!tpu.dma_semaphore, #tpu.memory_space<semaphore_mem>>)
    %dma_start3A_98 = arith.constant 1 : i32
    %dma_start3A_99 = arith.constant 0 : i32
    %dma_start3A_100 = tpu.memref_slice %arg6[%dma_start3A_98, %dma_start3A_99] : memref<40x128xi32, #tpu.memory_space<vmem>> -> memref<1x128xi32, #tpu.memory_space<vmem>>
    %dma_start3A_101 = tpu.memref_squeeze %dma_start3A_100 : memref<1x128xi32, #tpu.memory_space<vmem>> -> memref<128xi32, #tpu.memory_space<vmem>>
    %dma_start3A_102 = arith.constant 0 : i32
    %dma_start3A_103 = arith.constant 0 : i32
    %dma_start3A_104 = tpu.memref_slice %arg2[%dma_start3A_102, %dma_start3A_103] : memref<10000x128xf32, #tpu.memory_space<hbm>> -> memref<10000x128xf32, #tpu.memory_space<hbm>>
    tpu.enqueue_indirect_dma source(%dma_start3A_104 : memref<10000x128xf32, #tpu.memory_space<hbm>>) target(%arg9 : memref<128x128xf32, #tpu.memory_space<vmem>>) offsets(%dma_start3A_101 : memref<128xi32, #tpu.memory_space<vmem>>) semaphore(%arg11 : memref<!tpu.dma_semaphore, #tpu.memory_space<semaphore_mem>>)
    %dma_wait3A_105 = arith.constant 0 : i32
    %dma_wait3A_106 = arith.constant 0 : i32
    %dma_wait3A_107 = tpu.memref_slice %arg2[%dma_wait3A_105, %dma_wait3A_106] : memref<10000x128xf32, #tpu.memory_space<hbm>> -> memref<128x128xf32, #tpu.memory_space<hbm>>
    %dma_wait3A_108 = arith.constant 0 : i32
    %dma_wait3A_109 = arith.constant 0 : i32
    %dma_wait3A_110 = tpu.memref_slice %arg2[%dma_wait3A_108, %dma_wait3A_109] : memref<10000x128xf32, #tpu.memory_space<hbm>> -> memref<128x128xf32, #tpu.memory_space<hbm>>
    tpu.wait_dma2 semaphore(%arg10 : memref<!tpu.dma_semaphore, #tpu.memory_space<semaphore_mem>>) src(%dma_wait3A_110 : memref<128x128xf32, #tpu.memory_space<hbm>>) dst(%arg8 : memref<128x128xf32, #tpu.memory_space<vmem>>)
    %dma_start3A_111 = arith.constant 0 : i32
    %dma_start3A_112 = arith.constant 0 : i32
    %dma_start3A_113 = tpu.memref_slice %arg7[%dma_start3A_111, %dma_start3A_112] : memref<40x128xi32, #tpu.memory_space<vmem>> -> memref<1x128xi32, #tpu.memory_space<vmem>>
    %dma_start3A_114 = tpu.memref_squeeze %dma_start3A_113 : memref<1x128xi32, #tpu.memory_space<vmem>> -> memref<128xi32, #tpu.memory_space<vmem>>
    %dma_start3A_115 = arith.constant 0 : i32
    %dma_start3A_116 = arith.constant 0 : i32
    %dma_start3A_117 = tpu.memref_slice %arg5[%dma_start3A_115, %dma_start3A_116] : memref<10016x128xf32, #tpu.memory_space<vmem_shared>> -> memref<10016x128xf32, #tpu.memory_space<vmem_shared>>
    tpu.enqueue_indirect_dma source(%arg8 : memref<128x128xf32, #tpu.memory_space<vmem>>) target(%dma_start3A_117 : memref<10016x128xf32, #tpu.memory_space<vmem_shared>>) offsets(%dma_start3A_114 : memref<128xi32, #tpu.memory_space<vmem>>) semaphore(%arg12 : memref<!tpu.dma_semaphore, #tpu.memory_space<semaphore_mem>>) {add = true}
    %scan3A_118 = arith.constant 0 : i32
    %scan3A_119 = arith.constant 0 : i32
    %scan3A_120 = arith.constant 19 : i32
    %scan3A_121 = arith.addi %scan3A_119, %scan3A_120 : i32
    %scan3A_122 = arith.constant 1 : i32
    %scan3A_123 = scf.for %scan3A_298 = %scan3A_119 to %scan3A_121 step %scan3A_122 iter_args(%scan3A_299 = %scan3A_118) -> (i32)  : i32 {
      %mul3A_300 = arith.constant 2 : i32
      %mul3A_301 = arith.muli %mul3A_300, %scan3A_298 : i32
      %add3A_302 = arith.constant 1 : i32
      %add3A_303 = arith.addi %mul3A_301, %add3A_302 : i32
      %dma_wait3A_304 = arith.constant 0 : i32
      %dma_wait3A_305 = arith.constant 0 : i32
      %dma_wait3A_306 = tpu.memref_slice %arg2[%dma_wait3A_304, %dma_wait3A_305] : memref<10000x128xf32, #tpu.memory_space<hbm>> -> memref<128x128xf32, #tpu.memory_space<hbm>>
      %dma_wait3A_307 = arith.constant 0 : i32
      %dma_wait3A_308 = arith.constant 0 : i32
      %dma_wait3A_309 = tpu.memref_slice %arg2[%dma_wait3A_307, %dma_wait3A_308] : memref<10000x128xf32, #tpu.memory_space<hbm>> -> memref<128x128xf32, #tpu.memory_space<hbm>>
      tpu.wait_dma2 semaphore(%arg11 : memref<!tpu.dma_semaphore, #tpu.memory_space<semaphore_mem>>) src(%dma_wait3A_309 : memref<128x128xf32, #tpu.memory_space<hbm>>) dst(%arg9 : memref<128x128xf32, #tpu.memory_space<vmem>>)
      %dma_wait3A_310 = arith.constant 0 : i32
      %dma_wait3A_311 = arith.constant 0 : i32
      %dma_wait3A_312 = tpu.memref_slice %arg7[%dma_wait3A_310, %dma_wait3A_311] : memref<40x128xi32, #tpu.memory_space<vmem>> -> memref<1x128xi32, #tpu.memory_space<vmem>>
      %dma_wait3A_313 = tpu.memref_squeeze %dma_wait3A_312 : memref<1x128xi32, #tpu.memory_space<vmem>> -> memref<128xi32, #tpu.memory_space<vmem>>
      %dma_wait3A_314 = arith.constant 0 : i32
      %dma_wait3A_315 = arith.constant 0 : i32
      %dma_wait3A_316 = tpu.memref_slice %arg5[%dma_wait3A_314, %dma_wait3A_315] : memref<10016x128xf32, #tpu.memory_space<vmem_shared>> -> memref<10016x128xf32, #tpu.memory_space<vmem_shared>>
      tpu.wait_indirect_dma semaphore(%arg12 : memref<!tpu.dma_semaphore, #tpu.memory_space<semaphore_mem>>) src(%arg8 : memref<128x128xf32, #tpu.memory_space<vmem>>) dst(%dma_wait3A_316 : memref<10016x128xf32, #tpu.memory_space<vmem_shared>>)
      %add3A_317 = arith.constant 1 : i32
      %add3A_318 = arith.addi %add3A_303, %add3A_317 : i32
      %min3A = arith.constant 39 : i32
      %min3A_319 = arith.minsi %add3A_318, %min3A : i32
      %dma_start3A_320 = arith.constant 0 : i32
      %dma_start3A_321 = tpu.memref_slice %arg6[%min3A_319, %dma_start3A_320] : memref<40x128xi32, #tpu.memory_space<vmem>> -> memref<1x128xi32, #tpu.memory_space<vmem>>
      %dma_start3A_322 = tpu.memref_squeeze %dma_start3A_321 : memref<1x128xi32, #tpu.memory_space<vmem>> -> memref<128xi32, #tpu.memory_space<vmem>>
      %dma_start3A_323 = arith.constant 0 : i32
      %dma_start3A_324 = arith.constant 0 : i32
      %dma_start3A_325 = tpu.memref_slice %arg2[%dma_start3A_323, %dma_start3A_324] : memref<10000x128xf32, #tpu.memory_space<hbm>> -> memref<10000x128xf32, #tpu.memory_space<hbm>>
      tpu.enqueue_indirect_dma source(%dma_start3A_325 : memref<10000x128xf32, #tpu.memory_space<hbm>>) target(%arg8 : memref<128x128xf32, #tpu.memory_space<vmem>>) offsets(%dma_start3A_322 : memref<128xi32, #tpu.memory_space<vmem>>) semaphore(%arg10 : memref<!tpu.dma_semaphore, #tpu.memory_space<semaphore_mem>>)
      %dma_start3A_326 = arith.constant 0 : i32
      %dma_start3A_327 = tpu.memref_slice %arg7[%add3A_303, %dma_start3A_326] : memref<40x128xi32, #tpu.memory_space<vmem>> -> memref<1x128xi32, #tpu.memory_space<vmem>>
      %dma_start3A_328 = tpu.memref_squeeze %dma_start3A_327 : memref<1x128xi32, #tpu.memory_space<vmem>> -> memref<128xi32, #tpu.memory_space<vmem>>
      %dma_start3A_329 = arith.constant 0 : i32
      %dma_start3A_330 = arith.constant 0 : i32
      %dma_start3A_331 = tpu.memref_slice %arg5[%dma_start3A_329, %dma_start3A_330] : memref<10016x128xf32, #tpu.memory_space<vmem_shared>> -> memref<10016x128xf32, #tpu.memory_space<vmem_shared>>
      tpu.enqueue_indirect_dma source(%arg9 : memref<128x128xf32, #tpu.memory_space<vmem>>) target(%dma_start3A_331 : memref<10016x128xf32, #tpu.memory_space<vmem_shared>>) offsets(%dma_start3A_328 : memref<128xi32, #tpu.memory_space<vmem>>) semaphore(%arg13 : memref<!tpu.dma_semaphore, #tpu.memory_space<semaphore_mem>>) {add = true}
      %mul3A_332 = arith.constant 2 : i32
      %mul3A_333 = arith.muli %mul3A_332, %scan3A_298 : i32
      %add3A_334 = arith.constant 2 : i32
      %add3A_335 = arith.addi %mul3A_333, %add3A_334 : i32
      %dma_wait3A_336 = arith.constant 0 : i32
      %dma_wait3A_337 = arith.constant 0 : i32
      %dma_wait3A_338 = tpu.memref_slice %arg2[%dma_wait3A_336, %dma_wait3A_337] : memref<10000x128xf32, #tpu.memory_space<hbm>> -> memref<128x128xf32, #tpu.memory_space<hbm>>
      %dma_wait3A_339 = arith.constant 0 : i32
      %dma_wait3A_340 = arith.constant 0 : i32
      %dma_wait3A_341 = tpu.memref_slice %arg2[%dma_wait3A_339, %dma_wait3A_340] : memref<10000x128xf32, #tpu.memory_space<hbm>> -> memref<128x128xf32, #tpu.memory_space<hbm>>
      tpu.wait_dma2 semaphore(%arg10 : memref<!tpu.dma_semaphore, #tpu.memory_space<semaphore_mem>>) src(%dma_wait3A_341 : memref<128x128xf32, #tpu.memory_space<hbm>>) dst(%arg8 : memref<128x128xf32, #tpu.memory_space<vmem>>)
      %dma_wait3A_342 = arith.constant 0 : i32
      %dma_wait3A_343 = arith.constant 0 : i32
      %dma_wait3A_344 = tpu.memref_slice %arg7[%dma_wait3A_342, %dma_wait3A_343] : memref<40x128xi32, #tpu.memory_space<vmem>> -> memref<1x128xi32, #tpu.memory_space<vmem>>
      %dma_wait3A_345 = tpu.memref_squeeze %dma_wait3A_344 : memref<1x128xi32, #tpu.memory_space<vmem>> -> memref<128xi32, #tpu.memory_space<vmem>>
      %dma_wait3A_346 = arith.constant 0 : i32
      %dma_wait3A_347 = arith.constant 0 : i32
      %dma_wait3A_348 = tpu.memref_slice %arg5[%dma_wait3A_346, %dma_wait3A_347] : memref<10016x128xf32, #tpu.memory_space<vmem_shared>> -> memref<10016x128xf32, #tpu.memory_space<vmem_shared>>
      tpu.wait_indirect_dma semaphore(%arg13 : memref<!tpu.dma_semaphore, #tpu.memory_space<semaphore_mem>>) src(%arg9 : memref<128x128xf32, #tpu.memory_space<vmem>>) dst(%dma_wait3A_348 : memref<10016x128xf32, #tpu.memory_space<vmem_shared>>)
      %add3A_349 = arith.constant 1 : i32
      %add3A_350 = arith.addi %add3A_335, %add3A_349 : i32
      %min3A_351 = arith.constant 39 : i32
      %min3A_352 = arith.minsi %add3A_350, %min3A_351 : i32
      %dma_start3A_353 = arith.constant 0 : i32
      %dma_start3A_354 = tpu.memref_slice %arg6[%min3A_352, %dma_start3A_353] : memref<40x128xi32, #tpu.memory_space<vmem>> -> memref<1x128xi32, #tpu.memory_space<vmem>>
      %dma_start3A_355 = tpu.memref_squeeze %dma_start3A_354 : memref<1x128xi32, #tpu.memory_space<vmem>> -> memref<128xi32, #tpu.memory_space<vmem>>
      %dma_start3A_356 = arith.constant 0 : i32
      %dma_start3A_357 = arith.constant 0 : i32
      %dma_start3A_358 = tpu.memref_slice %arg2[%dma_start3A_356, %dma_start3A_357] : memref<10000x128xf32, #tpu.memory_space<hbm>> -> memref<10000x128xf32, #tpu.memory_space<hbm>>
      tpu.enqueue_indirect_dma source(%dma_start3A_358 : memref<10000x128xf32, #tpu.memory_space<hbm>>) target(%arg9 : memref<128x128xf32, #tpu.memory_space<vmem>>) offsets(%dma_start3A_355 : memref<128xi32, #tpu.memory_space<vmem>>) semaphore(%arg11 : memref<!tpu.dma_semaphore, #tpu.memory_space<semaphore_mem>>)
      %dma_start3A_359 = arith.constant 0 : i32
      %dma_start3A_360 = tpu.memref_slice %arg7[%add3A_335, %dma_start3A_359] : memref<40x128xi32, #tpu.memory_space<vmem>> -> memref<1x128xi32, #tpu.memory_space<vmem>>
      %dma_start3A_361 = tpu.memref_squeeze %dma_start3A_360 : memref<1x128xi32, #tpu.memory_space<vmem>> -> memref<128xi32, #tpu.memory_space<vmem>>
      %dma_start3A_362 = arith.constant 0 : i32
      %dma_start3A_363 = arith.constant 0 : i32
      %dma_start3A_364 = tpu.memref_slice %arg5[%dma_start3A_362, %dma_start3A_363] : memref<10016x128xf32, #tpu.memory_space<vmem_shared>> -> memref<10016x128xf32, #tpu.memory_space<vmem_shared>>
      tpu.enqueue_indirect_dma source(%arg8 : memref<128x128xf32, #tpu.memory_space<vmem>>) target(%dma_start3A_364 : memref<10016x128xf32, #tpu.memory_space<vmem_shared>>) offsets(%dma_start3A_361 : memref<128xi32, #tpu.memory_space<vmem>>) semaphore(%arg12 : memref<!tpu.dma_semaphore, #tpu.memory_space<semaphore_mem>>) {add = true}
      %scan3A_365 = arith.constant 0 : i32
      scf.yield %scan3A_365 : i32
    }
    %scan3A_124 = arith.constant 19 : i32
    %dma_wait3A_125 = arith.constant 0 : i32
    %dma_wait3A_126 = arith.constant 0 : i32
    %dma_wait3A_127 = tpu.memref_slice %arg2[%dma_wait3A_125, %dma_wait3A_126] : memref<10000x128xf32, #tpu.memory_space<hbm>> -> memref<128x128xf32, #tpu.memory_space<hbm>>
    %dma_wait3A_128 = arith.constant 0 : i32
    %dma_wait3A_129 = arith.constant 0 : i32
    %dma_wait3A_130 = tpu.memref_slice %arg2[%dma_wait3A_128, %dma_wait3A_129] : memref<10000x128xf32, #tpu.memory_space<hbm>> -> memref<128x128xf32, #tpu.memory_space<hbm>>
    tpu.wait_dma2 semaphore(%arg11 : memref<!tpu.dma_semaphore, #tpu.memory_space<semaphore_mem>>) src(%dma_wait3A_130 : memref<128x128xf32, #tpu.memory_space<hbm>>) dst(%arg9 : memref<128x128xf32, #tpu.memory_space<vmem>>)
    %dma_wait3A_131 = arith.constant 0 : i32
    %dma_wait3A_132 = arith.constant 0 : i32
    %dma_wait3A_133 = tpu.memref_slice %arg7[%dma_wait3A_131, %dma_wait3A_132] : memref<40x128xi32, #tpu.memory_space<vmem>> -> memref<1x128xi32, #tpu.memory_space<vmem>>
    %dma_wait3A_134 = tpu.memref_squeeze %dma_wait3A_133 : memref<1x128xi32, #tpu.memory_space<vmem>> -> memref<128xi32, #tpu.memory_space<vmem>>
    %dma_wait3A_135 = arith.constant 0 : i32
    %dma_wait3A_136 = arith.constant 0 : i32
    %dma_wait3A_137 = tpu.memref_slice %arg5[%dma_wait3A_135, %dma_wait3A_136] : memref<10016x128xf32, #tpu.memory_space<vmem_shared>> -> memref<10016x128xf32, #tpu.memory_space<vmem_shared>>
    tpu.wait_indirect_dma semaphore(%arg12 : memref<!tpu.dma_semaphore, #tpu.memory_space<semaphore_mem>>) src(%arg8 : memref<128x128xf32, #tpu.memory_space<vmem>>) dst(%dma_wait3A_137 : memref<10016x128xf32, #tpu.memory_space<vmem_shared>>)
    %dma_start3A_138 = arith.constant 39 : i32
    %dma_start3A_139 = arith.constant 0 : i32
    %dma_start3A_140 = tpu.memref_slice %arg7[%dma_start3A_138, %dma_start3A_139] : memref<40x128xi32, #tpu.memory_space<vmem>> -> memref<1x128xi32, #tpu.memory_space<vmem>>
    %dma_start3A_141 = tpu.memref_squeeze %dma_start3A_140 : memref<1x128xi32, #tpu.memory_space<vmem>> -> memref<128xi32, #tpu.memory_space<vmem>>
    %dma_start3A_142 = arith.constant 0 : i32
    %dma_start3A_143 = arith.constant 0 : i32
    %dma_start3A_144 = tpu.memref_slice %arg5[%dma_start3A_142, %dma_start3A_143] : memref<10016x128xf32, #tpu.memory_space<vmem_shared>> -> memref<10016x128xf32, #tpu.memory_space<vmem_shared>>
    tpu.enqueue_indirect_dma source(%arg9 : memref<128x128xf32, #tpu.memory_space<vmem>>) target(%dma_start3A_144 : memref<10016x128xf32, #tpu.memory_space<vmem_shared>>) offsets(%dma_start3A_141 : memref<128xi32, #tpu.memory_space<vmem>>) semaphore(%arg13 : memref<!tpu.dma_semaphore, #tpu.memory_space<semaphore_mem>>) {add = true}
    %dma_wait3A_145 = arith.constant 0 : i32
    %dma_wait3A_146 = arith.constant 0 : i32
    %dma_wait3A_147 = tpu.memref_slice %arg7[%dma_wait3A_145, %dma_wait3A_146] : memref<40x128xi32, #tpu.memory_space<vmem>> -> memref<1x128xi32, #tpu.memory_space<vmem>>
    %dma_wait3A_148 = tpu.memref_squeeze %dma_wait3A_147 : memref<1x128xi32, #tpu.memory_space<vmem>> -> memref<128xi32, #tpu.memory_space<vmem>>
    %dma_wait3A_149 = arith.constant 0 : i32
    %dma_wait3A_150 = arith.constant 0 : i32
    %dma_wait3A_151 = tpu.memref_slice %arg5[%dma_wait3A_149, %dma_wait3A_150] : memref<10016x128xf32, #tpu.memory_space<vmem_shared>> -> memref<10016x128xf32, #tpu.memory_space<vmem_shared>>
    tpu.wait_indirect_dma semaphore(%arg13 : memref<!tpu.dma_semaphore, #tpu.memory_space<semaphore_mem>>) src(%arg9 : memref<128x128xf32, #tpu.memory_space<vmem>>) dst(%dma_wait3A_151 : memref<10016x128xf32, #tpu.memory_space<vmem_shared>>)
    %mul3A_152 = arith.constant 80 : i32
    %mul3A_153 = arith.muli %mul3A_152, %add3A : i32
    %add3A_154 = arith.constant 40 : i32
    %add3A_155 = arith.addi %mul3A_153, %add3A_154 : i32
    %dma_start3A_156 = arith.constant 0 : i32
    %dma_start3A_157 = arith.constant 0 : i32
    %dma_start3A_158 = arith.constant 0 : i32
    %dma_start3A_159 = tpu.memref_slice %arg3[%dma_start3A_156, %dma_start3A_157, %dma_start3A_158] : memref<2x2560x128xi32, #tpu.memory_space<hbm>> -> memref<1x2560x128xi32, #tpu.memory_space<hbm>>
    %dma_start3A_160 = tpu.memref_squeeze %dma_start3A_159 : memref<1x2560x128xi32, #tpu.memory_space<hbm>> -> memref<2560x128xi32, #tpu.memory_space<hbm>>
    %dma_start3A_161 = arith.constant 0 : i32
    %dma_start3A_162 = tpu.memref_slice %dma_start3A_160[%add3A_155, %dma_start3A_161] : memref<2560x128xi32, #tpu.memory_space<hbm>> -> memref<40x128xi32, #tpu.memory_space<hbm>>
    %dma_start3A_163 = arith.constant 0 : i32
    %dma_start3A_164 = arith.constant 0 : i32
    %dma_start3A_165 = tpu.memref_slice %arg3[%dma_start3A_156, %dma_start3A_163, %dma_start3A_164] : memref<2x2560x128xi32, #tpu.memory_space<hbm>> -> memref<1x2560x128xi32, #tpu.memory_space<hbm>>
    %dma_start3A_166 = tpu.memref_squeeze %dma_start3A_165 : memref<1x2560x128xi32, #tpu.memory_space<hbm>> -> memref<2560x128xi32, #tpu.memory_space<hbm>>
    %dma_start3A_167 = arith.constant 0 : i32
    %dma_start3A_168 = tpu.memref_slice %dma_start3A_166[%add3A_155, %dma_start3A_167] : memref<2560x128xi32, #tpu.memory_space<hbm>> -> memref<40x128xi32, #tpu.memory_space<hbm>>
    tpu.enqueue_dma source(%dma_start3A_168 : memref<40x128xi32, #tpu.memory_space<hbm>>) target(%arg6 : memref<40x128xi32, #tpu.memory_space<vmem>>) target_semaphore(%arg10 : memref<!tpu.dma_semaphore, #tpu.memory_space<semaphore_mem>>)
    %dma_start3A_169 = arith.constant 1 : i32
    %dma_start3A_170 = arith.constant 0 : i32
    %dma_start3A_171 = arith.constant 0 : i32
    %dma_start3A_172 = tpu.memref_slice %arg3[%dma_start3A_169, %dma_start3A_170, %dma_start3A_171] : memref<2x2560x128xi32, #tpu.memory_space<hbm>> -> memref<1x2560x128xi32, #tpu.memory_space<hbm>>
    %dma_start3A_173 = tpu.memref_squeeze %dma_start3A_172 : memref<1x2560x128xi32, #tpu.memory_space<hbm>> -> memref<2560x128xi32, #tpu.memory_space<hbm>>
    %dma_start3A_174 = arith.constant 0 : i32
    %dma_start3A_175 = tpu.memref_slice %dma_start3A_173[%add3A_155, %dma_start3A_174] : memref<2560x128xi32, #tpu.memory_space<hbm>> -> memref<40x128xi32, #tpu.memory_space<hbm>>
    %dma_start3A_176 = arith.constant 0 : i32
    %dma_start3A_177 = arith.constant 0 : i32
    %dma_start3A_178 = tpu.memref_slice %arg3[%dma_start3A_169, %dma_start3A_176, %dma_start3A_177] : memref<2x2560x128xi32, #tpu.memory_space<hbm>> -> memref<1x2560x128xi32, #tpu.memory_space<hbm>>
    %dma_start3A_179 = tpu.memref_squeeze %dma_start3A_178 : memref<1x2560x128xi32, #tpu.memory_space<hbm>> -> memref<2560x128xi32, #tpu.memory_space<hbm>>
    %dma_start3A_180 = arith.constant 0 : i32
    %dma_start3A_181 = tpu.memref_slice %dma_start3A_179[%add3A_155, %dma_start3A_180] : memref<2560x128xi32, #tpu.memory_space<hbm>> -> memref<40x128xi32, #tpu.memory_space<hbm>>
    tpu.enqueue_dma source(%dma_start3A_181 : memref<40x128xi32, #tpu.memory_space<hbm>>) target(%arg7 : memref<40x128xi32, #tpu.memory_space<vmem>>) target_semaphore(%arg11 : memref<!tpu.dma_semaphore, #tpu.memory_space<semaphore_mem>>)
    %dma_wait3A_182 = arith.constant 0 : i32
    %dma_wait3A_183 = arith.constant 0 : i32
    %dma_wait3A_184 = arith.constant 0 : i32
    %dma_wait3A_185 = tpu.memref_slice %arg3[%dma_wait3A_182, %dma_wait3A_183, %dma_wait3A_184] : memref<2x2560x128xi32, #tpu.memory_space<hbm>> -> memref<1x2560x128xi32, #tpu.memory_space<hbm>>
    %dma_wait3A_186 = tpu.memref_squeeze %dma_wait3A_185 : memref<1x2560x128xi32, #tpu.memory_space<hbm>> -> memref<2560x128xi32, #tpu.memory_space<hbm>>
    %dma_wait3A_187 = arith.constant 0 : i32
    %dma_wait3A_188 = arith.constant 0 : i32
    %dma_wait3A_189 = tpu.memref_slice %dma_wait3A_186[%dma_wait3A_187, %dma_wait3A_188] : memref<2560x128xi32, #tpu.memory_space<hbm>> -> memref<40x128xi32, #tpu.memory_space<hbm>>
    %dma_wait3A_190 = arith.constant 0 : i32
    %dma_wait3A_191 = arith.constant 0 : i32
    %dma_wait3A_192 = tpu.memref_slice %arg3[%dma_wait3A_182, %dma_wait3A_190, %dma_wait3A_191] : memref<2x2560x128xi32, #tpu.memory_space<hbm>> -> memref<1x2560x128xi32, #tpu.memory_space<hbm>>
    %dma_wait3A_193 = tpu.memref_squeeze %dma_wait3A_192 : memref<1x2560x128xi32, #tpu.memory_space<hbm>> -> memref<2560x128xi32, #tpu.memory_space<hbm>>
    %dma_wait3A_194 = arith.constant 0 : i32
    %dma_wait3A_195 = arith.constant 0 : i32
    %dma_wait3A_196 = tpu.memref_slice %dma_wait3A_193[%dma_wait3A_194, %dma_wait3A_195] : memref<2560x128xi32, #tpu.memory_space<hbm>> -> memref<40x128xi32, #tpu.memory_space<hbm>>
    tpu.wait_dma2 semaphore(%arg10 : memref<!tpu.dma_semaphore, #tpu.memory_space<semaphore_mem>>) src(%dma_wait3A_196 : memref<40x128xi32, #tpu.memory_space<hbm>>) dst(%arg6 : memref<40x128xi32, #tpu.memory_space<vmem>>)
    %dma_wait3A_197 = arith.constant 1 : i32
    %dma_wait3A_198 = arith.constant 0 : i32
    %dma_wait3A_199 = arith.constant 0 : i32
    %dma_wait3A_200 = tpu.memref_slice %arg3[%dma_wait3A_197, %dma_wait3A_198, %dma_wait3A_199] : memref<2x2560x128xi32, #tpu.memory_space<hbm>> -> memref<1x2560x128xi32, #tpu.memory_space<hbm>>
    %dma_wait3A_201 = tpu.memref_squeeze %dma_wait3A_200 : memref<1x2560x128xi32, #tpu.memory_space<hbm>> -> memref<2560x128xi32, #tpu.memory_space<hbm>>
    %dma_wait3A_202 = arith.constant 0 : i32
    %dma_wait3A_203 = arith.constant 0 : i32
    %dma_wait3A_204 = tpu.memref_slice %dma_wait3A_201[%dma_wait3A_202, %dma_wait3A_203] : memref<2560x128xi32, #tpu.memory_space<hbm>> -> memref<40x128xi32, #tpu.memory_space<hbm>>
    %dma_wait3A_205 = arith.constant 0 : i32
    %dma_wait3A_206 = arith.constant 0 : i32
    %dma_wait3A_207 = tpu.memref_slice %arg3[%dma_wait3A_197, %dma_wait3A_205, %dma_wait3A_206] : memref<2x2560x128xi32, #tpu.memory_space<hbm>> -> memref<1x2560x128xi32, #tpu.memory_space<hbm>>
    %dma_wait3A_208 = tpu.memref_squeeze %dma_wait3A_207 : memref<1x2560x128xi32, #tpu.memory_space<hbm>> -> memref<2560x128xi32, #tpu.memory_space<hbm>>
    %dma_wait3A_209 = arith.constant 0 : i32
    %dma_wait3A_210 = arith.constant 0 : i32
    %dma_wait3A_211 = tpu.memref_slice %dma_wait3A_208[%dma_wait3A_209, %dma_wait3A_210] : memref<2560x128xi32, #tpu.memory_space<hbm>> -> memref<40x128xi32, #tpu.memory_space<hbm>>
    tpu.wait_dma2 semaphore(%arg11 : memref<!tpu.dma_semaphore, #tpu.memory_space<semaphore_mem>>) src(%dma_wait3A_211 : memref<40x128xi32, #tpu.memory_space<hbm>>) dst(%arg7 : memref<40x128xi32, #tpu.memory_space<vmem>>)
    %dma_start3A_212 = arith.constant 0 : i32
    %dma_start3A_213 = arith.constant 0 : i32
    %dma_start3A_214 = tpu.memref_slice %arg6[%dma_start3A_212, %dma_start3A_213] : memref<40x128xi32, #tpu.memory_space<vmem>> -> memref<1x128xi32, #tpu.memory_space<vmem>>
    %dma_start3A_215 = tpu.memref_squeeze %dma_start3A_214 : memref<1x128xi32, #tpu.memory_space<vmem>> -> memref<128xi32, #tpu.memory_space<vmem>>
    %dma_start3A_216 = arith.constant 0 : i32
    %dma_start3A_217 = arith.constant 0 : i32
    %dma_start3A_218 = tpu.memref_slice %arg2[%dma_start3A_216, %dma_start3A_217] : memref<10000x128xf32, #tpu.memory_space<hbm>> -> memref<10000x128xf32, #tpu.memory_space<hbm>>
    tpu.enqueue_indirect_dma source(%dma_start3A_218 : memref<10000x128xf32, #tpu.memory_space<hbm>>) target(%arg8 : memref<128x128xf32, #tpu.memory_space<vmem>>) offsets(%dma_start3A_215 : memref<128xi32, #tpu.memory_space<vmem>>) semaphore(%arg10 : memref<!tpu.dma_semaphore, #tpu.memory_space<semaphore_mem>>)
    %dma_start3A_219 = arith.constant 1 : i32
    %dma_start3A_220 = arith.constant 0 : i32
    %dma_start3A_221 = tpu.memref_slice %arg6[%dma_start3A_219, %dma_start3A_220] : memref<40x128xi32, #tpu.memory_space<vmem>> -> memref<1x128xi32, #tpu.memory_space<vmem>>
    %dma_start3A_222 = tpu.memref_squeeze %dma_start3A_221 : memref<1x128xi32, #tpu.memory_space<vmem>> -> memref<128xi32, #tpu.memory_space<vmem>>
    %dma_start3A_223 = arith.constant 0 : i32
    %dma_start3A_224 = arith.constant 0 : i32
    %dma_start3A_225 = tpu.memref_slice %arg2[%dma_start3A_223, %dma_start3A_224] : memref<10000x128xf32, #tpu.memory_space<hbm>> -> memref<10000x128xf32, #tpu.memory_space<hbm>>
    tpu.enqueue_indirect_dma source(%dma_start3A_225 : memref<10000x128xf32, #tpu.memory_space<hbm>>) target(%arg9 : memref<128x128xf32, #tpu.memory_space<vmem>>) offsets(%dma_start3A_222 : memref<128xi32, #tpu.memory_space<vmem>>) semaphore(%arg11 : memref<!tpu.dma_semaphore, #tpu.memory_space<semaphore_mem>>)
    %dma_wait3A_226 = arith.constant 0 : i32
    %dma_wait3A_227 = arith.constant 0 : i32
    %dma_wait3A_228 = tpu.memref_slice %arg2[%dma_wait3A_226, %dma_wait3A_227] : memref<10000x128xf32, #tpu.memory_space<hbm>> -> memref<128x128xf32, #tpu.memory_space<hbm>>
    %dma_wait3A_229 = arith.constant 0 : i32
    %dma_wait3A_230 = arith.constant 0 : i32
    %dma_wait3A_231 = tpu.memref_slice %arg2[%dma_wait3A_229, %dma_wait3A_230] : memref<10000x128xf32, #tpu.memory_space<hbm>> -> memref<128x128xf32, #tpu.memory_space<hbm>>
    tpu.wait_dma2 semaphore(%arg10 : memref<!tpu.dma_semaphore, #tpu.memory_space<semaphore_mem>>) src(%dma_wait3A_231 : memref<128x128xf32, #tpu.memory_space<hbm>>) dst(%arg8 : memref<128x128xf32, #tpu.memory_space<vmem>>)
    %dma_start3A_232 = arith.constant 0 : i32
    %dma_start3A_233 = arith.constant 0 : i32
    %dma_start3A_234 = tpu.memref_slice %arg7[%dma_start3A_232, %dma_start3A_233] : memref<40x128xi32, #tpu.memory_space<vmem>> -> memref<1x128xi32, #tpu.memory_space<vmem>>
    %dma_start3A_235 = tpu.memref_squeeze %dma_start3A_234 : memref<1x128xi32, #tpu.memory_space<vmem>> -> memref<128xi32, #tpu.memory_space<vmem>>
    %dma_start3A_236 = arith.constant 0 : i32
    %dma_start3A_237 = arith.constant 0 : i32
    %dma_start3A_238 = tpu.memref_slice %arg5[%dma_start3A_236, %dma_start3A_237] : memref<10016x128xf32, #tpu.memory_space<vmem_shared>> -> memref<10016x128xf32, #tpu.memory_space<vmem_shared>>
    tpu.enqueue_indirect_dma source(%arg8 : memref<128x128xf32, #tpu.memory_space<vmem>>) target(%dma_start3A_238 : memref<10016x128xf32, #tpu.memory_space<vmem_shared>>) offsets(%dma_start3A_235 : memref<128xi32, #tpu.memory_space<vmem>>) semaphore(%arg12 : memref<!tpu.dma_semaphore, #tpu.memory_space<semaphore_mem>>) {add = true}
    %scan3A_239 = arith.constant 0 : i32
    %scan3A_240 = arith.constant 0 : i32
    %scan3A_241 = arith.constant 19 : i32
    %scan3A_242 = arith.addi %scan3A_240, %scan3A_241 : i32
    %scan3A_243 = arith.constant 1 : i32
    %scan3A_244 = scf.for %scan3A_298 = %scan3A_240 to %scan3A_242 step %scan3A_243 iter_args(%scan3A_299 = %scan3A_239) -> (i32)  : i32 {
      %mul3A_300 = arith.constant 2 : i32
      %mul3A_301 = arith.muli %mul3A_300, %scan3A_298 : i32
      %add3A_302 = arith.constant 1 : i32
      %add3A_303 = arith.addi %mul3A_301, %add3A_302 : i32
      %dma_wait3A_304 = arith.constant 0 : i32
      %dma_wait3A_305 = arith.constant 0 : i32
      %dma_wait3A_306 = tpu.memref_slice %arg2[%dma_wait3A_304, %dma_wait3A_305] : memref<10000x128xf32, #tpu.memory_space<hbm>> -> memref<128x128xf32, #tpu.memory_space<hbm>>
      %dma_wait3A_307 = arith.constant 0 : i32
      %dma_wait3A_308 = arith.constant 0 : i32
      %dma_wait3A_309 = tpu.memref_slice %arg2[%dma_wait3A_307, %dma_wait3A_308] : memref<10000x128xf32, #tpu.memory_space<hbm>> -> memref<128x128xf32, #tpu.memory_space<hbm>>
      tpu.wait_dma2 semaphore(%arg11 : memref<!tpu.dma_semaphore, #tpu.memory_space<semaphore_mem>>) src(%dma_wait3A_309 : memref<128x128xf32, #tpu.memory_space<hbm>>) dst(%arg9 : memref<128x128xf32, #tpu.memory_space<vmem>>)
      %dma_wait3A_310 = arith.constant 0 : i32
      %dma_wait3A_311 = arith.constant 0 : i32
      %dma_wait3A_312 = tpu.memref_slice %arg7[%dma_wait3A_310, %dma_wait3A_311] : memref<40x128xi32, #tpu.memory_space<vmem>> -> memref<1x128xi32, #tpu.memory_space<vmem>>
      %dma_wait3A_313 = tpu.memref_squeeze %dma_wait3A_312 : memref<1x128xi32, #tpu.memory_space<vmem>> -> memref<128xi32, #tpu.memory_space<vmem>>
      %dma_wait3A_314 = arith.constant 0 : i32
      %dma_wait3A_315 = arith.constant 0 : i32
      %dma_wait3A_316 = tpu.memref_slice %arg5[%dma_wait3A_314, %dma_wait3A_315] : memref<10016x128xf32, #tpu.memory_space<vmem_shared>> -> memref<10016x128xf32, #tpu.memory_space<vmem_shared>>
      tpu.wait_indirect_dma semaphore(%arg12 : memref<!tpu.dma_semaphore, #tpu.memory_space<semaphore_mem>>) src(%arg8 : memref<128x128xf32, #tpu.memory_space<vmem>>) dst(%dma_wait3A_316 : memref<10016x128xf32, #tpu.memory_space<vmem_shared>>)
      %add3A_317 = arith.constant 1 : i32
      %add3A_318 = arith.addi %add3A_303, %add3A_317 : i32
      %min3A = arith.constant 39 : i32
      %min3A_319 = arith.minsi %add3A_318, %min3A : i32
      %dma_start3A_320 = arith.constant 0 : i32
      %dma_start3A_321 = tpu.memref_slice %arg6[%min3A_319, %dma_start3A_320] : memref<40x128xi32, #tpu.memory_space<vmem>> -> memref<1x128xi32, #tpu.memory_space<vmem>>
      %dma_start3A_322 = tpu.memref_squeeze %dma_start3A_321 : memref<1x128xi32, #tpu.memory_space<vmem>> -> memref<128xi32, #tpu.memory_space<vmem>>
      %dma_start3A_323 = arith.constant 0 : i32
      %dma_start3A_324 = arith.constant 0 : i32
      %dma_start3A_325 = tpu.memref_slice %arg2[%dma_start3A_323, %dma_start3A_324] : memref<10000x128xf32, #tpu.memory_space<hbm>> -> memref<10000x128xf32, #tpu.memory_space<hbm>>
      tpu.enqueue_indirect_dma source(%dma_start3A_325 : memref<10000x128xf32, #tpu.memory_space<hbm>>) target(%arg8 : memref<128x128xf32, #tpu.memory_space<vmem>>) offsets(%dma_start3A_322 : memref<128xi32, #tpu.memory_space<vmem>>) semaphore(%arg10 : memref<!tpu.dma_semaphore, #tpu.memory_space<semaphore_mem>>)
      %dma_start3A_326 = arith.constant 0 : i32
      %dma_start3A_327 = tpu.memref_slice %arg7[%add3A_303, %dma_start3A_326] : memref<40x128xi32, #tpu.memory_space<vmem>> -> memref<1x128xi32, #tpu.memory_space<vmem>>
      %dma_start3A_328 = tpu.memref_squeeze %dma_start3A_327 : memref<1x128xi32, #tpu.memory_space<vmem>> -> memref<128xi32, #tpu.memory_space<vmem>>
      %dma_start3A_329 = arith.constant 0 : i32
      %dma_start3A_330 = arith.constant 0 : i32
      %dma_start3A_331 = tpu.memref_slice %arg5[%dma_start3A_329, %dma_start3A_330] : memref<10016x128xf32, #tpu.memory_space<vmem_shared>> -> memref<10016x128xf32, #tpu.memory_space<vmem_shared>>
      tpu.enqueue_indirect_dma source(%arg9 : memref<128x128xf32, #tpu.memory_space<vmem>>) target(%dma_start3A_331 : memref<10016x128xf32, #tpu.memory_space<vmem_shared>>) offsets(%dma_start3A_328 : memref<128xi32, #tpu.memory_space<vmem>>) semaphore(%arg13 : memref<!tpu.dma_semaphore, #tpu.memory_space<semaphore_mem>>) {add = true}
      %mul3A_332 = arith.constant 2 : i32
      %mul3A_333 = arith.muli %mul3A_332, %scan3A_298 : i32
      %add3A_334 = arith.constant 2 : i32
      %add3A_335 = arith.addi %mul3A_333, %add3A_334 : i32
      %dma_wait3A_336 = arith.constant 0 : i32
      %dma_wait3A_337 = arith.constant 0 : i32
      %dma_wait3A_338 = tpu.memref_slice %arg2[%dma_wait3A_336, %dma_wait3A_337] : memref<10000x128xf32, #tpu.memory_space<hbm>> -> memref<128x128xf32, #tpu.memory_space<hbm>>
      %dma_wait3A_339 = arith.constant 0 : i32
      %dma_wait3A_340 = arith.constant 0 : i32
      %dma_wait3A_341 = tpu.memref_slice %arg2[%dma_wait3A_339, %dma_wait3A_340] : memref<10000x128xf32, #tpu.memory_space<hbm>> -> memref<128x128xf32, #tpu.memory_space<hbm>>
      tpu.wait_dma2 semaphore(%arg10 : memref<!tpu.dma_semaphore, #tpu.memory_space<semaphore_mem>>) src(%dma_wait3A_341 : memref<128x128xf32, #tpu.memory_space<hbm>>) dst(%arg8 : memref<128x128xf32, #tpu.memory_space<vmem>>)
      %dma_wait3A_342 = arith.constant 0 : i32
      %dma_wait3A_343 = arith.constant 0 : i32
      %dma_wait3A_344 = tpu.memref_slice %arg7[%dma_wait3A_342, %dma_wait3A_343] : memref<40x128xi32, #tpu.memory_space<vmem>> -> memref<1x128xi32, #tpu.memory_space<vmem>>
      %dma_wait3A_345 = tpu.memref_squeeze %dma_wait3A_344 : memref<1x128xi32, #tpu.memory_space<vmem>> -> memref<128xi32, #tpu.memory_space<vmem>>
      %dma_wait3A_346 = arith.constant 0 : i32
      %dma_wait3A_347 = arith.constant 0 : i32
      %dma_wait3A_348 = tpu.memref_slice %arg5[%dma_wait3A_346, %dma_wait3A_347] : memref<10016x128xf32, #tpu.memory_space<vmem_shared>> -> memref<10016x128xf32, #tpu.memory_space<vmem_shared>>
      tpu.wait_indirect_dma semaphore(%arg13 : memref<!tpu.dma_semaphore, #tpu.memory_space<semaphore_mem>>) src(%arg9 : memref<128x128xf32, #tpu.memory_space<vmem>>) dst(%dma_wait3A_348 : memref<10016x128xf32, #tpu.memory_space<vmem_shared>>)
      %add3A_349 = arith.constant 1 : i32
      %add3A_350 = arith.addi %add3A_335, %add3A_349 : i32
      %min3A_351 = arith.constant 39 : i32
      %min3A_352 = arith.minsi %add3A_350, %min3A_351 : i32
      %dma_start3A_353 = arith.constant 0 : i32
      %dma_start3A_354 = tpu.memref_slice %arg6[%min3A_352, %dma_start3A_353] : memref<40x128xi32, #tpu.memory_space<vmem>> -> memref<1x128xi32, #tpu.memory_space<vmem>>
      %dma_start3A_355 = tpu.memref_squeeze %dma_start3A_354 : memref<1x128xi32, #tpu.memory_space<vmem>> -> memref<128xi32, #tpu.memory_space<vmem>>
      %dma_start3A_356 = arith.constant 0 : i32
      %dma_start3A_357 = arith.constant 0 : i32
      %dma_start3A_358 = tpu.memref_slice %arg2[%dma_start3A_356, %dma_start3A_357] : memref<10000x128xf32, #tpu.memory_space<hbm>> -> memref<10000x128xf32, #tpu.memory_space<hbm>>
      tpu.enqueue_indirect_dma source(%dma_start3A_358 : memref<10000x128xf32, #tpu.memory_space<hbm>>) target(%arg9 : memref<128x128xf32, #tpu.memory_space<vmem>>) offsets(%dma_start3A_355 : memref<128xi32, #tpu.memory_space<vmem>>) semaphore(%arg11 : memref<!tpu.dma_semaphore, #tpu.memory_space<semaphore_mem>>)
      %dma_start3A_359 = arith.constant 0 : i32
      %dma_start3A_360 = tpu.memref_slice %arg7[%add3A_335, %dma_start3A_359] : memref<40x128xi32, #tpu.memory_space<vmem>> -> memref<1x128xi32, #tpu.memory_space<vmem>>
      %dma_start3A_361 = tpu.memref_squeeze %dma_start3A_360 : memref<1x128xi32, #tpu.memory_space<vmem>> -> memref<128xi32, #tpu.memory_space<vmem>>
      %dma_start3A_362 = arith.constant 0 : i32
      %dma_start3A_363 = arith.constant 0 : i32
      %dma_start3A_364 = tpu.memref_slice %arg5[%dma_start3A_362, %dma_start3A_363] : memref<10016x128xf32, #tpu.memory_space<vmem_shared>> -> memref<10016x128xf32, #tpu.memory_space<vmem_shared>>
      tpu.enqueue_indirect_dma source(%arg8 : memref<128x128xf32, #tpu.memory_space<vmem>>) target(%dma_start3A_364 : memref<10016x128xf32, #tpu.memory_space<vmem_shared>>) offsets(%dma_start3A_361 : memref<128xi32, #tpu.memory_space<vmem>>) semaphore(%arg12 : memref<!tpu.dma_semaphore, #tpu.memory_space<semaphore_mem>>) {add = true}
      %scan3A_365 = arith.constant 0 : i32
      scf.yield %scan3A_365 : i32
    }
    %scan3A_245 = arith.constant 19 : i32
    %dma_wait3A_246 = arith.constant 0 : i32
    %dma_wait3A_247 = arith.constant 0 : i32
    %dma_wait3A_248 = tpu.memref_slice %arg2[%dma_wait3A_246, %dma_wait3A_247] : memref<10000x128xf32, #tpu.memory_space<hbm>> -> memref<128x128xf32, #tpu.memory_space<hbm>>
    %dma_wait3A_249 = arith.constant 0 : i32
    %dma_wait3A_250 = arith.constant 0 : i32
    %dma_wait3A_251 = tpu.memref_slice %arg2[%dma_wait3A_249, %dma_wait3A_250] : memref<10000x128xf32, #tpu.memory_space<hbm>> -> memref<128x128xf32, #tpu.memory_space<hbm>>
    tpu.wait_dma2 semaphore(%arg11 : memref<!tpu.dma_semaphore, #tpu.memory_space<semaphore_mem>>) src(%dma_wait3A_251 : memref<128x128xf32, #tpu.memory_space<hbm>>) dst(%arg9 : memref<128x128xf32, #tpu.memory_space<vmem>>)
    %dma_wait3A_252 = arith.constant 0 : i32
    %dma_wait3A_253 = arith.constant 0 : i32
    %dma_wait3A_254 = tpu.memref_slice %arg7[%dma_wait3A_252, %dma_wait3A_253] : memref<40x128xi32, #tpu.memory_space<vmem>> -> memref<1x128xi32, #tpu.memory_space<vmem>>
    %dma_wait3A_255 = tpu.memref_squeeze %dma_wait3A_254 : memref<1x128xi32, #tpu.memory_space<vmem>> -> memref<128xi32, #tpu.memory_space<vmem>>
    %dma_wait3A_256 = arith.constant 0 : i32
    %dma_wait3A_257 = arith.constant 0 : i32
    %dma_wait3A_258 = tpu.memref_slice %arg5[%dma_wait3A_256, %dma_wait3A_257] : memref<10016x128xf32, #tpu.memory_space<vmem_shared>> -> memref<10016x128xf32, #tpu.memory_space<vmem_shared>>
    tpu.wait_indirect_dma semaphore(%arg12 : memref<!tpu.dma_semaphore, #tpu.memory_space<semaphore_mem>>) src(%arg8 : memref<128x128xf32, #tpu.memory_space<vmem>>) dst(%dma_wait3A_258 : memref<10016x128xf32, #tpu.memory_space<vmem_shared>>)
    %dma_start3A_259 = arith.constant 39 : i32
    %dma_start3A_260 = arith.constant 0 : i32
    %dma_start3A_261 = tpu.memref_slice %arg7[%dma_start3A_259, %dma_start3A_260] : memref<40x128xi32, #tpu.memory_space<vmem>> -> memref<1x128xi32, #tpu.memory_space<vmem>>
    %dma_start3A_262 = tpu.memref_squeeze %dma_start3A_261 : memref<1x128xi32, #tpu.memory_space<vmem>> -> memref<128xi32, #tpu.memory_space<vmem>>
    %dma_start3A_263 = arith.constant 0 : i32
    %dma_start3A_264 = arith.constant 0 : i32
    %dma_start3A_265 = tpu.memref_slice %arg5[%dma_start3A_263, %dma_start3A_264] : memref<10016x128xf32, #tpu.memory_space<vmem_shared>> -> memref<10016x128xf32, #tpu.memory_space<vmem_shared>>
    tpu.enqueue_indirect_dma source(%arg9 : memref<128x128xf32, #tpu.memory_space<vmem>>) target(%dma_start3A_265 : memref<10016x128xf32, #tpu.memory_space<vmem_shared>>) offsets(%dma_start3A_262 : memref<128xi32, #tpu.memory_space<vmem>>) semaphore(%arg13 : memref<!tpu.dma_semaphore, #tpu.memory_space<semaphore_mem>>) {add = true}
    %dma_wait3A_266 = arith.constant 0 : i32
    %dma_wait3A_267 = arith.constant 0 : i32
    %dma_wait3A_268 = tpu.memref_slice %arg7[%dma_wait3A_266, %dma_wait3A_267] : memref<40x128xi32, #tpu.memory_space<vmem>> -> memref<1x128xi32, #tpu.memory_space<vmem>>
    %dma_wait3A_269 = tpu.memref_squeeze %dma_wait3A_268 : memref<1x128xi32, #tpu.memory_space<vmem>> -> memref<128xi32, #tpu.memory_space<vmem>>
    %dma_wait3A_270 = arith.constant 0 : i32
    %dma_wait3A_271 = arith.constant 0 : i32
    %dma_wait3A_272 = tpu.memref_slice %arg5[%dma_wait3A_270, %dma_wait3A_271] : memref<10016x128xf32, #tpu.memory_space<vmem_shared>> -> memref<10016x128xf32, #tpu.memory_space<vmem_shared>>
    tpu.wait_indirect_dma semaphore(%arg13 : memref<!tpu.dma_semaphore, #tpu.memory_space<semaphore_mem>>) src(%arg9 : memref<128x128xf32, #tpu.memory_space<vmem>>) dst(%dma_wait3A_272 : memref<10016x128xf32, #tpu.memory_space<vmem_shared>>)
    %barrier3A_273 = arith.constant 0 : index
    tpu.barrier barrier_id(%barrier3A_273)
    %while3A_274 = arith.constant 0 : i32
    %while3A_275 = arith.constant 0 : i32
    %while3A_276 = arith.subi %select_n3A, %while3A_274 : i32
    %while3A_277 = arith.addi %while3A_274, %while3A_276 : i32
    %while3A_278 = arith.constant 1 : i32
    %while3A_279 = arith.divsi %while3A_276, %while3A_278 : i32
    %while3A_280 = arith.muli %while3A_279, %while3A_278 : i32
    %while3A_281 = arith.addi %while3A_274, %while3A_280 : i32
    %while3A_282 = arith.constant 1 : i32
    %while3A_283 = scf.for %while3A_298 = %while3A_274 to %while3A_281 step %while3A_282 iter_args(%while3A_299 = %while3A_275) -> (i32)  : i32 {
      %mul3A_300 = arith.constant 640 : i32
      %mul3A_301 = arith.muli %arg1, %mul3A_300 : i32
      %mul3A_302 = arith.constant 80 : i32
      %mul3A_303 = arith.muli %while3A_298, %mul3A_302 : i32
      %add3A_304 = arith.addi %mul3A_301, %mul3A_303 : i32
      %dma_start3A_305 = arith.constant 0 : i32
      %dma_start3A_306 = tpu.memref_slice %arg4[%arg0, %add3A_304, %dma_start3A_305] : memref<2x10000x128xf32, #tpu.memory_space<hbm>> -> memref<1x80x128xf32, #tpu.memory_space<hbm>>
      %dma_start3A_307 = tpu.memref_squeeze %dma_start3A_306 : memref<1x80x128xf32, #tpu.memory_space<hbm>> -> memref<80x128xf32, #tpu.memory_space<hbm>>
      %dma_start3A_308 = arith.constant 0 : i32
      %dma_start3A_309 = tpu.memref_slice %arg5[%add3A_304, %dma_start3A_308] : memref<10016x128xf32, #tpu.memory_space<vmem_shared>> -> memref<80x128xf32, #tpu.memory_space<vmem_shared>>
      tpu.enqueue_dma source(%dma_start3A_309 : memref<80x128xf32, #tpu.memory_space<vmem_shared>>) target(%dma_start3A_307 : memref<80x128xf32, #tpu.memory_space<hbm>>) target_semaphore(%arg10 : memref<!tpu.dma_semaphore, #tpu.memory_space<semaphore_mem>>)
      %while3A_310 = arith.constant 0 : i32
      scf.yield %while3A_310 : i32
    }
    %while3A_284 = arith.constant 1 : i32
    %while3A_285 = scf.for %while3A_298 = %while3A_281 to %while3A_277 step %while3A_284 iter_args(%while3A_299 = %while3A_283) -> (i32)  : i32 {
      %mul3A_300 = arith.constant 640 : i32
      %mul3A_301 = arith.muli %arg1, %mul3A_300 : i32
      %mul3A_302 = arith.constant 80 : i32
      %mul3A_303 = arith.muli %while3A_298, %mul3A_302 : i32
      %add3A_304 = arith.addi %mul3A_301, %mul3A_303 : i32
      %dma_start3A_305 = arith.constant 0 : i32
      %dma_start3A_306 = tpu.memref_slice %arg4[%arg0, %add3A_304, %dma_start3A_305] : memref<2x10000x128xf32, #tpu.memory_space<hbm>> -> memref<1x80x128xf32, #tpu.memory_space<hbm>>
      %dma_start3A_307 = tpu.memref_squeeze %dma_start3A_306 : memref<1x80x128xf32, #tpu.memory_space<hbm>> -> memref<80x128xf32, #tpu.memory_space<hbm>>
      %dma_start3A_308 = arith.constant 0 : i32
      %dma_start3A_309 = tpu.memref_slice %arg5[%add3A_304, %dma_start3A_308] : memref<10016x128xf32, #tpu.memory_space<vmem_shared>> -> memref<80x128xf32, #tpu.memory_space<vmem_shared>>
      tpu.enqueue_dma source(%dma_start3A_309 : memref<80x128xf32, #tpu.memory_space<vmem_shared>>) target(%dma_start3A_307 : memref<80x128xf32, #tpu.memory_space<hbm>>) target_semaphore(%arg10 : memref<!tpu.dma_semaphore, #tpu.memory_space<semaphore_mem>>)
      %while3A_310 = arith.constant 0 : i32
      scf.yield %while3A_310 : i32
    }
    %while3A_286 = arith.constant 0 : i32
    %while3A_287 = arith.constant 0 : i32
    %while3A_288 = arith.subi %select_n3A, %while3A_286 : i32
    %while3A_289 = arith.addi %while3A_286, %while3A_288 : i32
    %while3A_290 = arith.constant 1 : i32
    %while3A_291 = arith.divsi %while3A_288, %while3A_290 : i32
    %while3A_292 = arith.muli %while3A_291, %while3A_290 : i32
    %while3A_293 = arith.addi %while3A_286, %while3A_292 : i32
    %while3A_294 = arith.constant 1 : i32
    %while3A_295 = scf.for %while3A_298 = %while3A_286 to %while3A_293 step %while3A_294 iter_args(%while3A_299 = %while3A_287) -> (i32)  : i32 {
      %dma_wait3A_300 = arith.constant 0 : i32
      %dma_wait3A_301 = arith.constant 0 : i32
      %dma_wait3A_302 = tpu.memref_slice %arg4[%arg0, %dma_wait3A_300, %dma_wait3A_301] : memref<2x10000x128xf32, #tpu.memory_space<hbm>> -> memref<1x80x128xf32, #tpu.memory_space<hbm>>
      %dma_wait3A_303 = tpu.memref_squeeze %dma_wait3A_302 : memref<1x80x128xf32, #tpu.memory_space<hbm>> -> memref<80x128xf32, #tpu.memory_space<hbm>>
      %dma_wait3A_304 = arith.constant 0 : i32
      %dma_wait3A_305 = arith.constant 0 : i32
      %dma_wait3A_306 = tpu.memref_slice %arg5[%dma_wait3A_304, %dma_wait3A_305] : memref<10016x128xf32, #tpu.memory_space<vmem_shared>> -> memref<80x128xf32, #tpu.memory_space<vmem_shared>>
      tpu.wait_dma2 semaphore(%arg10 : memref<!tpu.dma_semaphore, #tpu.memory_space<semaphore_mem>>) src(%dma_wait3A_306 : memref<80x128xf32, #tpu.memory_space<vmem_shared>>) dst(%dma_wait3A_303 : memref<80x128xf32, #tpu.memory_space<hbm>>)
      %while3A_307 = arith.constant 0 : i32
      scf.yield %while3A_307 : i32
    }
    %while3A_296 = arith.constant 1 : i32
    %while3A_297 = scf.for %while3A_298 = %while3A_293 to %while3A_289 step %while3A_296 iter_args(%while3A_299 = %while3A_295) -> (i32)  : i32 {
      %dma_wait3A_300 = arith.constant 0 : i32
      %dma_wait3A_301 = arith.constant 0 : i32
      %dma_wait3A_302 = tpu.memref_slice %arg4[%arg0, %dma_wait3A_300, %dma_wait3A_301] : memref<2x10000x128xf32, #tpu.memory_space<hbm>> -> memref<1x80x128xf32, #tpu.memory_space<hbm>>
      %dma_wait3A_303 = tpu.memref_squeeze %dma_wait3A_302 : memref<1x80x128xf32, #tpu.memory_space<hbm>> -> memref<80x128xf32, #tpu.memory_space<hbm>>
      %dma_wait3A_304 = arith.constant 0 : i32
      %dma_wait3A_305 = arith.constant 0 : i32
      %dma_wait3A_306 = tpu.memref_slice %arg5[%dma_wait3A_304, %dma_wait3A_305] : memref<10016x128xf32, #tpu.memory_space<vmem_shared>> -> memref<80x128xf32, #tpu.memory_space<vmem_shared>>
      tpu.wait_dma2 semaphore(%arg10 : memref<!tpu.dma_semaphore, #tpu.memory_space<semaphore_mem>>) src(%dma_wait3A_306 : memref<80x128xf32, #tpu.memory_space<vmem_shared>>) dst(%dma_wait3A_303 : memref<80x128xf32, #tpu.memory_space<hbm>>)
      %while3A_307 = arith.constant 0 : i32
      scf.yield %while3A_307 : i32
    }
    return
  }
}

module attributes {stable_mosaic.version = 14 : i64} {
  func.func @body(%arg0: i32, %arg1: memref<2000x128xf32, #tpu.memory_space<vmem>>, %arg2: memref<128x128xf32, #tpu.memory_space<vmem>>, %arg3: memref<2000x2xf32, #tpu.memory_space<vmem>>, %arg4: memref<2000x128xf32, #tpu.memory_space<vmem>>) attributes {dimension_semantics = [#tpu.dimension_semantics<arbitrary>], iteration_bounds = array<i64: 5>, scalar_prefetch = 0 : i64, scratch_operands = 0 : i64, tpu.core_type = #tpu.core_type<tc>, window_params = [{transform_indices = @transform_0, window_bounds = array<i64: 2000, 128>}, {pipeline_mode = #tpu.pipeline_mode<synchronous>, transform_indices = @transform_1, window_bounds = array<i64: 128, 128>}, {transform_indices = @transform_2, window_bounds = array<i64: 2000, 2>}, {transform_indices = @transform_3, window_bounds = array<i64: 2000, 128>}]} {
    %get3A = arith.constant 0 : index
    %get3A_0 = arith.constant 0 : index
    %get3A_1 = vector.load %arg3[%get3A, %get3A_0] : memref<2000x2xf32, #tpu.memory_space<vmem>>, vector<2000x2xf32>
    %slice3A = vector.extract_strided_slice %get3A_1 {offsets = [0, 0], sizes = [2000, 1], strides = [1, 1]} : vector<2000x2xf32> to vector<2000x1xf32>
    %slice3A_2 = vector.extract_strided_slice %get3A_1 {offsets = [0, 1], sizes = [2000, 1], strides = [1, 1]} : vector<2000x2xf32> to vector<2000x1xf32>
    %add3A = arith.addf %slice3A, %slice3A_2 : vector<2000x1xf32>
    %add3A_3 = arith.constant 1.000000e+00 : f32
    %add3A_4 = vector.broadcast %add3A_3 : f32 to vector<2000x1xf32>
    %add3A_5 = arith.addf %add3A, %add3A_4 : vector<2000x1xf32>
    %rsqrt3A = math.rsqrt %add3A_5 : vector<2000x1xf32>
    %get3A_6 = arith.constant 0 : index
    %get3A_7 = arith.constant 0 : index
    %get3A_8 = vector.load %arg1[%get3A_6, %get3A_7] : memref<2000x128xf32, #tpu.memory_space<vmem>>, vector<2000x128xf32>
    %get3A_9 = arith.constant 0 : index
    %get3A_10 = arith.constant 0 : index
    %get3A_11 = vector.load %arg2[%get3A_9, %get3A_10] : memref<128x128xf32, #tpu.memory_space<vmem>>, vector<128x128xf32>
    %dot_general3A = arith.constant dense<0.000000e+00> : vector<2000x128xf32>
    %dot_general3A_12 = tpu.matmul %get3A_8, %get3A_11, %dot_general3A {dimension_numbers = #tpu.dot_dimension_numbers<[1], [1], [0], [0], [0, 0, 1, 0], [], []>, transpose_lhs_hint = false} : vector<2000x128xf32>, vector<128x128xf32>, vector<2000x128xf32> -> vector<2000x128xf32>
    %mul3A = vector.broadcast %rsqrt3A : vector<2000x1xf32> to vector<2000x128xf32>
    %mul3A_13 = arith.mulf %dot_general3A_12, %mul3A : vector<2000x128xf32>
    %swap3A = arith.constant 0 : index
    %swap3A_14 = arith.constant 0 : index
    %swap3A_15 = vector.load %arg4[%swap3A, %swap3A_14] : memref<2000x128xf32, #tpu.memory_space<vmem>>, vector<2000x128xf32>
    tpu.vector_store %arg4[%swap3A, %swap3A_14], %mul3A_13 {strides = array<i32>} : memref<2000x128xf32, #tpu.memory_space<vmem>>, vector<2000x128xf32>,
    return
  }
  func.func @transform_0(%arg0: i32) -> (i32, i32) {
    %c0_i32 = arith.constant 0 : i32
    %c0_i32_0 = arith.constant 0 : i32
    return %arg0, %c0_i32 : i32, i32
  }
  func.func @transform_1(%arg0: i32) -> (i32, i32) {
    %c0_i32 = arith.constant 0 : i32
    %c0_i32_0 = arith.constant 0 : i32
    %c0_i32_1 = arith.constant 0 : i32
    return %c0_i32, %c0_i32_0 : i32, i32
  }
  func.func @transform_2(%arg0: i32) -> (i32, i32) {
    %c0_i32 = arith.constant 0 : i32
    %c0_i32_0 = arith.constant 0 : i32
    return %arg0, %c0_i32 : i32, i32
  }
  func.func @transform_3(%arg0: i32) -> (i32, i32) {
    %c0_i32 = arith.constant 0 : i32
    %c0_i32_0 = arith.constant 0 : i32
    return %arg0, %c0_i32 : i32, i32
  }
}

module attributes {stable_mosaic.version = 14 : i64} {
  func.func @body(%arg0: i32, %arg1: i32, %arg2: memref<2x2000x128xf32, #tpu.memory_space<vmem>>, %arg3: memref<2000x128xf32, #tpu.memory_space<vmem>>, %arg4: memref<2000x2xf32, #tpu.memory_space<vmem>>, %arg5: memref<1x128xf32, #tpu.memory_space<vmem>>, %arg6: memref<1x128xf32, #tpu.memory_space<vmem>>, %arg7: memref<1x128xf32, #tpu.memory_space<vmem>>, %arg8: memref<128x128xf32, #tpu.memory_space<vmem>>, %arg9: memref<2000x128xf32, #tpu.memory_space<vmem>>, %arg10: memref<10000x128xf32, #tpu.memory_space<vmem>>, %arg11: memref<2x128xf32, #tpu.memory_space<vmem>>) attributes {dimension_semantics = [#tpu.dimension_semantics<arbitrary>, #tpu.dimension_semantics<arbitrary>], iteration_bounds = array<i64: 2, 5>, scalar_prefetch = 0 : i64, scratch_operands = 2 : i64, tpu.core_type = #tpu.core_type<tc>, window_params = [{transform_indices = @transform_0, window_bounds = array<i64: 2, 2000, 128>}, {transform_indices = @transform_1, window_bounds = array<i64: 2000, 128>}, {transform_indices = @transform_2, window_bounds = array<i64: 2000, 2>}, {pipeline_mode = #tpu.pipeline_mode<synchronous>, transform_indices = @transform_3, window_bounds = array<i64: 1, 128>}, {pipeline_mode = #tpu.pipeline_mode<synchronous>, transform_indices = @transform_4, window_bounds = array<i64: 1, 128>}, {pipeline_mode = #tpu.pipeline_mode<synchronous>, transform_indices = @transform_5, window_bounds = array<i64: 1, 128>}, {pipeline_mode = #tpu.pipeline_mode<synchronous>, transform_indices = @transform_6, window_bounds = array<i64: 128, 128>}, {transform_indices = @transform_7, window_bounds = array<i64: 2000, 128>}]} {
    %get3A = arith.constant 0 : index
    %get3A_0 = arith.constant 0 : index
    %get3A_1 = vector.load %arg4[%get3A, %get3A_0] : memref<2000x2xf32, #tpu.memory_space<vmem>>, vector<2000x2xf32>
    %slice3A = vector.extract_strided_slice %get3A_1 {offsets = [0, 0], sizes = [2000, 1], strides = [1, 1]} : vector<2000x2xf32> to vector<2000x1xf32>
    %slice3A_2 = vector.extract_strided_slice %get3A_1 {offsets = [0, 1], sizes = [2000, 1], strides = [1, 1]} : vector<2000x2xf32> to vector<2000x1xf32>
    %add3A = arith.addf %slice3A, %slice3A_2 : vector<2000x1xf32>
    %add3A_3 = arith.constant 1.000000e+00 : f32
    %add3A_4 = vector.broadcast %add3A_3 : f32 to vector<2000x1xf32>
    %add3A_5 = arith.addf %add3A, %add3A_4 : vector<2000x1xf32>
    %rsqrt3A = math.rsqrt %add3A_5 : vector<2000x1xf32>
    %eq3A = arith.constant 0 : i32
    %eq3A_6 = arith.cmpi eq, %arg0, %eq3A : i32
    %convert_element_type3A = arith.extui %eq3A_6 : i1 to i32
    %cond3A = arith.constant 0 : i32
    %cond3A_7 = arith.cmpi ne, %convert_element_type3A, %cond3A : i32
    scf.if %cond3A_7 {
      %get3A_13 = arith.constant 0 : index
      %get3A_14 = arith.constant 0 : index
      %get3A_15 = arith.constant 0 : index
      %get3A_16 = vector.load %arg2[%get3A_13, %get3A_14, %get3A_15] : memref<2x2000x128xf32, #tpu.memory_space<vmem>>, vector<1x2000x128xf32>
      %get3A_17 = vector.shape_cast %get3A_16 : vector<1x2000x128xf32> to vector<2000x128xf32>
      %get3A_18 = arith.constant 1 : index
      %get3A_19 = arith.constant 0 : index
      %get3A_20 = arith.constant 0 : index
      %get3A_21 = vector.load %arg2[%get3A_18, %get3A_19, %get3A_20] : memref<2x2000x128xf32, #tpu.memory_space<vmem>>, vector<1x2000x128xf32>
      %get3A_22 = vector.shape_cast %get3A_21 : vector<1x2000x128xf32> to vector<2000x128xf32>
      %add3A_23 = arith.addf %get3A_17, %get3A_22 : vector<2000x128xf32>
      %get3A_24 = arith.constant 0 : index
      %get3A_25 = arith.constant 0 : index
      %get3A_26 = vector.load %arg3[%get3A_24, %get3A_25] : memref<2000x128xf32, #tpu.memory_space<vmem>>, vector<2000x128xf32>
      %add3A_27 = arith.addf %add3A_23, %get3A_26 : vector<2000x128xf32>
      %mul3A = vector.broadcast %rsqrt3A : vector<2000x1xf32> to vector<2000x128xf32>
      %mul3A_28 = arith.mulf %add3A_27, %mul3A : vector<2000x128xf32>
      %get3A_29 = arith.constant 0 : index
      %get3A_30 = arith.constant 0 : index
      %get3A_31 = vector.load %arg5[%get3A_29, %get3A_30] : memref<1x128xf32, #tpu.memory_space<vmem>>, vector<1x128xf32>
      %add3A_32 = vector.broadcast %get3A_31 : vector<1x128xf32> to vector<2000x128xf32>
      %add3A_33 = arith.addf %mul3A_28, %add3A_32 : vector<2000x128xf32>
      %max3A = arith.constant 0.000000e+00 : f32
      %max3A_34 = vector.broadcast %max3A : f32 to vector<2000x128xf32>
      %max3A_35 = arith.maximumf %add3A_33, %max3A_34 : vector<2000x128xf32>
      %mul3A_36 = arith.constant 2000 : i32
      %mul3A_37 = arith.muli %arg1, %mul3A_36 : i32
      %swap3A = arith.index_cast %mul3A_37 : i32 to index
      %swap3A_38 = arith.constant 0 : index
      %swap3A_39 = vector.load %arg10[%swap3A, %swap3A_38] : memref<10000x128xf32, #tpu.memory_space<vmem>>, vector<2000x128xf32>
      tpu.vector_store %arg10[%swap3A, %swap3A_38], %max3A_35 {strides = array<i32>} : memref<10000x128xf32, #tpu.memory_space<vmem>>, vector<2000x128xf32>,
      %reduce_sum3A = arith.constant dense<0.000000e+00> : vector<128xf32>
      %reduce_sum3A_40 = vector.multi_reduction <add>, %max3A_35, %reduce_sum3A [0] : vector<2000x128xf32> to vector<128xf32>
      %broadcast_in_dim3A = vector.shape_cast %reduce_sum3A_40 : vector<128xf32> to vector<1x128xf32>
      %mul3A_41 = arith.mulf %max3A_35, %max3A_35 : vector<2000x128xf32>
      %reduce_sum3A_42 = arith.constant dense<0.000000e+00> : vector<128xf32>
      %reduce_sum3A_43 = vector.multi_reduction <add>, %mul3A_41, %reduce_sum3A_42 [0] : vector<2000x128xf32> to vector<128xf32>
      %broadcast_in_dim3A_44 = vector.shape_cast %reduce_sum3A_43 : vector<128xf32> to vector<1x128xf32>
      %concatenate3A = tpu.concatenate %broadcast_in_dim3A, %broadcast_in_dim3A_44 in 0 : vector<1x128xf32>, vector<1x128xf32> -> vector<2x128xf32>
      %eq3A_45 = arith.constant 0 : i32
      %eq3A_46 = arith.cmpi eq, %arg1, %eq3A_45 : i32
      %convert_element_type3A_47 = arith.extui %eq3A_46 : i1 to i32
      %cond3A_48 = arith.constant 0 : i32
      %cond3A_49 = arith.cmpi ne, %convert_element_type3A_47, %cond3A_48 : i32
      scf.if %cond3A_49 {
        %swap3A_54 = arith.constant 0 : index
        %swap3A_55 = arith.constant 0 : index
        %swap3A_56 = vector.load %arg11[%swap3A_54, %swap3A_55] : memref<2x128xf32, #tpu.memory_space<vmem>>, vector<2x128xf32>
        tpu.vector_store %arg11[%swap3A_54, %swap3A_55], %concatenate3A {strides = array<i32>} : memref<2x128xf32, #tpu.memory_space<vmem>>, vector<2x128xf32>,
      } else {
      }
      %gt3A = arith.constant 0 : i32
      %gt3A_50 = arith.cmpi sgt, %arg1, %gt3A : i32
      %convert_element_type3A_51 = arith.extui %gt3A_50 : i1 to i32
      %cond3A_52 = arith.constant 0 : i32
      %cond3A_53 = arith.cmpi ne, %convert_element_type3A_51, %cond3A_52 : i32
      scf.if %cond3A_53 {
        %get3A_54 = arith.constant 0 : index
        %get3A_55 = arith.constant 0 : index
        %get3A_56 = vector.load %arg11[%get3A_54, %get3A_55] : memref<2x128xf32, #tpu.memory_space<vmem>>, vector<2x128xf32>
        %add3A_57 = arith.addf %get3A_56, %concatenate3A : vector<2x128xf32>
        %swap3A_58 = arith.constant 0 : index
        %swap3A_59 = arith.constant 0 : index
        %swap3A_60 = vector.load %arg11[%swap3A_58, %swap3A_59] : memref<2x128xf32, #tpu.memory_space<vmem>>, vector<2x128xf32>
        tpu.vector_store %arg11[%swap3A_58, %swap3A_59], %add3A_57 {strides = array<i32>} : memref<2x128xf32, #tpu.memory_space<vmem>>, vector<2x128xf32>,
      } else {
      }
    } else {
    }
    %eq3A_8 = arith.constant 1 : i32
    %eq3A_9 = arith.cmpi eq, %arg0, %eq3A_8 : i32
    %convert_element_type3A_10 = arith.extui %eq3A_9 : i1 to i32
    %cond3A_11 = arith.constant 0 : i32
    %cond3A_12 = arith.cmpi ne, %convert_element_type3A_10, %cond3A_11 : i32
    scf.if %cond3A_12 {
      %get3A_13 = arith.constant 0 : index
      %get3A_14 = arith.constant 0 : index
      %get3A_15 = vector.load %arg11[%get3A_13, %get3A_14] : memref<2x128xf32, #tpu.memory_space<vmem>>, vector<1x128xf32>
      %get3A_16 = vector.shape_cast %get3A_15 : vector<1x128xf32> to vector<128xf32>
      %mul3A = arith.constant 9.99999974E-5 : f32
      %mul3A_17 = vector.broadcast %mul3A : f32 to vector<128xf32>
      %mul3A_18 = arith.mulf %get3A_16, %mul3A_17 : vector<128xf32>
      %get3A_19 = arith.constant 1 : index
      %get3A_20 = arith.constant 0 : index
      %get3A_21 = vector.load %arg11[%get3A_19, %get3A_20] : memref<2x128xf32, #tpu.memory_space<vmem>>, vector<1x128xf32>
      %get3A_22 = vector.shape_cast %get3A_21 : vector<1x128xf32> to vector<128xf32>
      %mul3A_23 = arith.constant 9.99999974E-5 : f32
      %mul3A_24 = vector.broadcast %mul3A_23 : f32 to vector<128xf32>
      %mul3A_25 = arith.mulf %get3A_22, %mul3A_24 : vector<128xf32>
      %mul3A_26 = arith.mulf %mul3A_18, %mul3A_18 : vector<128xf32>
      %sub3A = arith.subf %mul3A_25, %mul3A_26 : vector<128xf32>
      %add3A_27 = arith.constant 9.99999974E-6 : f32
      %add3A_28 = vector.broadcast %add3A_27 : f32 to vector<128xf32>
      %add3A_29 = arith.addf %sub3A, %add3A_28 : vector<128xf32>
      %rsqrt3A_30 = math.rsqrt %add3A_29 : vector<128xf32>
      %get3A_31 = arith.constant 0 : index
      %get3A_32 = arith.constant 0 : index
      %get3A_33 = vector.load %arg6[%get3A_31, %get3A_32] : memref<1x128xf32, #tpu.memory_space<vmem>>, vector<1x128xf32>
      %get3A_34 = vector.shape_cast %get3A_33 : vector<1x128xf32> to vector<128xf32>
      %mul3A_35 = arith.mulf %rsqrt3A_30, %get3A_34 : vector<128xf32>
      %mul3A_36 = arith.constant 2000 : i32
      %mul3A_37 = arith.muli %arg1, %mul3A_36 : i32
      %get3A_38 = arith.index_cast %mul3A_37 : i32 to index
      %get3A_39 = arith.constant 0 : index
      %get3A_40 = vector.load %arg10[%get3A_38, %get3A_39] : memref<10000x128xf32, #tpu.memory_space<vmem>>, vector<2000x128xf32>
      %broadcast_in_dim3A = vector.shape_cast %mul3A_18 : vector<128xf32> to vector<1x128xf32>
      %sub3A_41 = vector.broadcast %broadcast_in_dim3A : vector<1x128xf32> to vector<2000x128xf32>
      %sub3A_42 = arith.subf %get3A_40, %sub3A_41 : vector<2000x128xf32>
      %broadcast_in_dim3A_43 = vector.shape_cast %mul3A_35 : vector<128xf32> to vector<1x128xf32>
      %mul3A_44 = vector.broadcast %broadcast_in_dim3A_43 : vector<1x128xf32> to vector<2000x128xf32>
      %mul3A_45 = arith.mulf %sub3A_42, %mul3A_44 : vector<2000x128xf32>
      %get3A_46 = arith.constant 0 : index
      %get3A_47 = arith.constant 0 : index
      %get3A_48 = vector.load %arg7[%get3A_46, %get3A_47] : memref<1x128xf32, #tpu.memory_space<vmem>>, vector<1x128xf32>
      %add3A_49 = vector.broadcast %get3A_48 : vector<1x128xf32> to vector<2000x128xf32>
      %add3A_50 = arith.addf %mul3A_45, %add3A_49 : vector<2000x128xf32>
      %get3A_51 = arith.constant 0 : index
      %get3A_52 = arith.constant 0 : index
      %get3A_53 = vector.load %arg8[%get3A_51, %get3A_52] : memref<128x128xf32, #tpu.memory_space<vmem>>, vector<128x128xf32>
      %dot_general3A = arith.constant dense<0.000000e+00> : vector<2000x128xf32>
      %dot_general3A_54 = tpu.matmul %add3A_50, %get3A_53, %dot_general3A {dimension_numbers = #tpu.dot_dimension_numbers<[1], [1], [0], [0], [0, 0, 1, 0], [], []>, transpose_lhs_hint = false} : vector<2000x128xf32>, vector<128x128xf32>, vector<2000x128xf32> -> vector<2000x128xf32>
      %mul3A_55 = vector.broadcast %rsqrt3A : vector<2000x1xf32> to vector<2000x128xf32>
      %mul3A_56 = arith.mulf %dot_general3A_54, %mul3A_55 : vector<2000x128xf32>
      %swap3A = arith.constant 0 : index
      %swap3A_57 = arith.constant 0 : index
      %swap3A_58 = vector.load %arg9[%swap3A, %swap3A_57] : memref<2000x128xf32, #tpu.memory_space<vmem>>, vector<2000x128xf32>
      tpu.vector_store %arg9[%swap3A, %swap3A_57], %mul3A_56 {strides = array<i32>} : memref<2000x128xf32, #tpu.memory_space<vmem>>, vector<2000x128xf32>,
    } else {
    }
    return
  }
  func.func @transform_0(%arg0: i32, %arg1: i32) -> (i32, i32, i32) {
    %sub3A = arith.constant 1 : i32
    %sub3A_0 = arith.subi %sub3A, %arg0 : i32
    %mul3A = arith.muli %arg1, %sub3A_0 : i32
    %c0_i32 = arith.constant 0 : i32
    %c0_i32_1 = arith.constant 0 : i32
    %c0_i32_2 = arith.constant 0 : i32
    return %c0_i32, %mul3A, %c0_i32_1 : i32, i32, i32
  }
  func.func @transform_1(%arg0: i32, %arg1: i32) -> (i32, i32) {
    %sub3A = arith.constant 1 : i32
    %sub3A_0 = arith.subi %sub3A, %arg0 : i32
    %mul3A = arith.muli %arg1, %sub3A_0 : i32
    %c0_i32 = arith.constant 0 : i32
    %c0_i32_1 = arith.constant 0 : i32
    return %mul3A, %c0_i32 : i32, i32
  }
  func.func @transform_2(%arg0: i32, %arg1: i32) -> (i32, i32) {
    %c0_i32 = arith.constant 0 : i32
    %c0_i32_0 = arith.constant 0 : i32
    return %arg1, %c0_i32 : i32, i32
  }
  func.func @transform_3(%arg0: i32, %arg1: i32) -> (i32, i32) {
    %c0_i32 = arith.constant 0 : i32
    %c0_i32_0 = arith.constant 0 : i32
    %c0_i32_1 = arith.constant 0 : i32
    return %c0_i32, %c0_i32_0 : i32, i32
  }
  func.func @transform_4(%arg0: i32, %arg1: i32) -> (i32, i32) {
    %c0_i32 = arith.constant 0 : i32
    %c0_i32_0 = arith.constant 0 : i32
    %c0_i32_1 = arith.constant 0 : i32
    return %c0_i32, %c0_i32_0 : i32, i32
  }
  func.func @transform_5(%arg0: i32, %arg1: i32) -> (i32, i32) {
    %c0_i32 = arith.constant 0 : i32
    %c0_i32_0 = arith.constant 0 : i32
    %c0_i32_1 = arith.constant 0 : i32
    return %c0_i32, %c0_i32_0 : i32, i32
  }
  func.func @transform_6(%arg0: i32, %arg1: i32) -> (i32, i32) {
    %c0_i32 = arith.constant 0 : i32
    %c0_i32_0 = arith.constant 0 : i32
    %c0_i32_1 = arith.constant 0 : i32
    return %c0_i32, %c0_i32_0 : i32, i32
  }
  func.func @transform_7(%arg0: i32, %arg1: i32) -> (i32, i32) {
    %mul3A = arith.muli %arg1, %arg0 : i32
    %c0_i32 = arith.constant 0 : i32
    %c0_i32_0 = arith.constant 0 : i32
    return %mul3A, %c0_i32 : i32, i32
  }
}

module attributes {stable_mosaic.version = 14 : i64} {
  func.func @body(%arg0: i32, %arg1: memref<2x2000x128xf32, #tpu.memory_space<vmem>>, %arg2: memref<2000x128xf32, #tpu.memory_space<vmem>>, %arg3: memref<2000x2xf32, #tpu.memory_space<vmem>>, %arg4: memref<1x128xf32, #tpu.memory_space<vmem>>, %arg5: memref<2000x128xf32, #tpu.memory_space<vmem>>) attributes {dimension_semantics = [#tpu.dimension_semantics<arbitrary>], iteration_bounds = array<i64: 5>, scalar_prefetch = 0 : i64, scratch_operands = 0 : i64, tpu.core_type = #tpu.core_type<tc>, window_params = [{transform_indices = @transform_0, window_bounds = array<i64: 2, 2000, 128>}, {transform_indices = @transform_1, window_bounds = array<i64: 2000, 128>}, {transform_indices = @transform_2, window_bounds = array<i64: 2000, 2>}, {pipeline_mode = #tpu.pipeline_mode<synchronous>, transform_indices = @transform_3, window_bounds = array<i64: 1, 128>}, {transform_indices = @transform_4, window_bounds = array<i64: 2000, 128>}]} {
    %get3A = arith.constant 0 : index
    %get3A_0 = arith.constant 0 : index
    %get3A_1 = vector.load %arg3[%get3A, %get3A_0] : memref<2000x2xf32, #tpu.memory_space<vmem>>, vector<2000x2xf32>
    %slice3A = vector.extract_strided_slice %get3A_1 {offsets = [0, 0], sizes = [2000, 1], strides = [1, 1]} : vector<2000x2xf32> to vector<2000x1xf32>
    %slice3A_2 = vector.extract_strided_slice %get3A_1 {offsets = [0, 1], sizes = [2000, 1], strides = [1, 1]} : vector<2000x2xf32> to vector<2000x1xf32>
    %add3A = arith.addf %slice3A, %slice3A_2 : vector<2000x1xf32>
    %add3A_3 = arith.constant 1.000000e+00 : f32
    %add3A_4 = vector.broadcast %add3A_3 : f32 to vector<2000x1xf32>
    %add3A_5 = arith.addf %add3A, %add3A_4 : vector<2000x1xf32>
    %rsqrt3A = math.rsqrt %add3A_5 : vector<2000x1xf32>
    %get3A_6 = arith.constant 0 : index
    %get3A_7 = arith.constant 0 : index
    %get3A_8 = arith.constant 0 : index
    %get3A_9 = vector.load %arg1[%get3A_6, %get3A_7, %get3A_8] : memref<2x2000x128xf32, #tpu.memory_space<vmem>>, vector<1x2000x128xf32>
    %get3A_10 = vector.shape_cast %get3A_9 : vector<1x2000x128xf32> to vector<2000x128xf32>
    %get3A_11 = arith.constant 1 : index
    %get3A_12 = arith.constant 0 : index
    %get3A_13 = arith.constant 0 : index
    %get3A_14 = vector.load %arg1[%get3A_11, %get3A_12, %get3A_13] : memref<2x2000x128xf32, #tpu.memory_space<vmem>>, vector<1x2000x128xf32>
    %get3A_15 = vector.shape_cast %get3A_14 : vector<1x2000x128xf32> to vector<2000x128xf32>
    %add3A_16 = arith.addf %get3A_10, %get3A_15 : vector<2000x128xf32>
    %get3A_17 = arith.constant 0 : index
    %get3A_18 = arith.constant 0 : index
    %get3A_19 = vector.load %arg2[%get3A_17, %get3A_18] : memref<2000x128xf32, #tpu.memory_space<vmem>>, vector<2000x128xf32>
    %add3A_20 = arith.addf %add3A_16, %get3A_19 : vector<2000x128xf32>
    %mul3A = vector.broadcast %rsqrt3A : vector<2000x1xf32> to vector<2000x128xf32>
    %mul3A_21 = arith.mulf %add3A_20, %mul3A : vector<2000x128xf32>
    %get3A_22 = arith.constant 0 : index
    %get3A_23 = arith.constant 0 : index
    %get3A_24 = vector.load %arg4[%get3A_22, %get3A_23] : memref<1x128xf32, #tpu.memory_space<vmem>>, vector<1x128xf32>
    %add3A_25 = vector.broadcast %get3A_24 : vector<1x128xf32> to vector<2000x128xf32>
    %add3A_26 = arith.addf %mul3A_21, %add3A_25 : vector<2000x128xf32>
    %swap3A = arith.constant 0 : index
    %swap3A_27 = arith.constant 0 : index
    %swap3A_28 = vector.load %arg5[%swap3A, %swap3A_27] : memref<2000x128xf32, #tpu.memory_space<vmem>>, vector<2000x128xf32>
    tpu.vector_store %arg5[%swap3A, %swap3A_27], %add3A_26 {strides = array<i32>} : memref<2000x128xf32, #tpu.memory_space<vmem>>, vector<2000x128xf32>,
    return
  }
  func.func @transform_0(%arg0: i32) -> (i32, i32, i32) {
    %c0_i32 = arith.constant 0 : i32
    %c0_i32_0 = arith.constant 0 : i32
    %c0_i32_1 = arith.constant 0 : i32
    return %c0_i32, %arg0, %c0_i32_0 : i32, i32, i32
  }
  func.func @transform_1(%arg0: i32) -> (i32, i32) {
    %c0_i32 = arith.constant 0 : i32
    %c0_i32_0 = arith.constant 0 : i32
    return %arg0, %c0_i32 : i32, i32
  }
  func.func @transform_2(%arg0: i32) -> (i32, i32) {
    %c0_i32 = arith.constant 0 : i32
    %c0_i32_0 = arith.constant 0 : i32
    return %arg0, %c0_i32 : i32, i32
  }
  func.func @transform_3(%arg0: i32) -> (i32, i32) {
    %c0_i32 = arith.constant 0 : i32
    %c0_i32_0 = arith.constant 0 : i32
    %c0_i32_1 = arith.constant 0 : i32
    return %c0_i32, %c0_i32_0 : i32, i32
  }
  func.func @transform_4(%arg0: i32) -> (i32, i32) {
    %c0_i32 = arith.constant 0 : i32
    %c0_i32_0 = arith.constant 0 : i32
    return %arg0, %c0_i32 : i32, i32
  }
}

</mosaic_0001>

<sc_bundles>
// kernel: kernel.11.cloned.1.call-start
scs
__scs_entry_jumppad:
0x0: {  	(pc) =	sbr.rel $0x88, $3  }
0x1: {  	(tag) =	ssettag $0x0;
	lr =	simm.s32 $0x1  }
0x2: {  	[smem:$0x3F99] =	sst lr;
	_ =	strace $0xD0000000  }
0x3: {  	_ = 	snop  }
0x4: {  	_ = 	snop  }
0x5: {  	_ = 	snop  }
0x6: {  	_ = 	snop  }
0x7: {  	_ = 	snop  }
__scs_overlays_trampoline_lowered:
0x8: {  	[smem:$0x3FA8] =	sst s0  }
0x9: {  	[smem:$0x3FA9] =	sst s1  }
0xa: {  	[smem:$0x3FAA] =	sst s2  }
0xb: {  	[smem:$0x3FAB] =	sst s3  }
0xc: {  	[smem:$0x3FAC] =	sst s4  }
0xd: {  	[smem:$0x3FAD] =	sst s5  }
0xe: {  	[smem:$0x3FAE] =	sst s6  }
0xf: {  	[smem:$0x3FAF] =	sst s7  }
0x10: {  	[smem:$0x3FB0] =	sst s8  }
0x11: {  	[smem:$0x3FB1] =	sst s9;
	s0 =	simm.s32 @!p0 $0x0  }
0x12: {  	s1 =	sld [smem:$0x3F97];
	s0 =	simm.s32 @p0 $0x1  }
0x13: {  	[smem:$0x3FB2] =	sst s0;
	s0 =	simm.s32 @!p1 $0x0  }
0x14: {  	s2 =	sld [smem:$0x3F96];
	s0 =	simm.s32 @p1 $0x1  }
0x15: {  	[smem:$0x3FB3] =	sst s0;
	s0 =	simm.s32 @!p2 $0x0  }
0x16: {  	s3 =	sld [smem:$0x3FDB];
	s0 =	simm.s32 @p2 $0x1  }
0x17: {  	s4 =	simm.s32 $0x1BF5;
	[smem:$0x3FB5] =	sst s0  }
0x18: {  	s0 =	sld [smem:$0x3F98];
	_ =	swait.ge [sflag:s4], $0x0  }
0x19: {  	s7 =	sld [smem:$0x3F99]  }
0x1a: {  	s8 =	sadd.s32 $0xFFFFE003, lr  }
0x1b: {  	s9 =	sadd.s32 $0xFFFFFEF7, lr;
	s5 =	simm.s32 $0xFFFFFFFF;
	p2 =	slt.u32 s8, $0xFFFFF086  }
0x1c: {  	p1 =	slt.u32 s9, $0xF7A;
	s5 =	simm.s32 @!p2 $0x0  }
0x1d: {  	s5 =	simm.s32 @p1 $0x1;
	p0 =	seq.s32 s7, s2  }
0x1e: {  	s7 =	smul.u32 @!p0 $0xF7A, s2;
	p2 =	seq.s32 @!p0 s5, $0x0  }
0x1f: {  	s9 =	smul.u32 $0xF7A, s1;
	s8 =	simm.s32 @!p0 $0x1BF5;
	p2 =	por !p2, p0  }
0x20: {  	[sflag:s8] =	ssyncset.s32 @!p0 $0xFFFFF086;
	s6 =	sadd.s32 @!p0 s3, s7;
	s7 =	simm.s32 @!p0 $0x108  }
0x21: {  	s3 =	sadd.s32 s3, s9;
	s6 =	sadd.s32 @!p0 $0x88, s6;
	s7 =	simm.s32 @p2 $0x1082  }
0x22: {  	[simem:s7], [sflag:s8] =	dma.local @!p0 [hbm:s6], $0xF7A  }
0x23: {  	s9 =	sor.u32 $0xD0000000, s2;
	s6 =	simm.s32 $0x108;
	_ =	swait.ge @!p0 [sflag:s8], $0x0  }
0x24: {  	s3 =	sadd.s32 $0x88, s3;
	s6 =	simm.s32 @!p1 $0x1082;
	[sflag:s4] =	ssyncset.s32 $0xFFFFF086  }
0x25: {  	[simem:s6], [sflag:s4] =	dma.local [hbm:s3], $0xF7A  }
0x26: {  	[smem:$0x3F99] =	sst s1;
	(tag) =	ssettag s2;
	_ =	strace s9  }
0x27: {  	s1 =	sld [smem:$0x3FA9]  }
0x28: {  	s2 =	sld [smem:$0x3FAA]  }
0x29: {  	s4 =	sld [smem:$0x3FAC]  }
0x2a: {  	p0 =	seq.s32 s5, $0x0;
	s5 =	sld [smem:$0x3FAD]  }
0x2b: {  	s6 =	sld [smem:$0x3FAE]  }
0x2c: {  	s7 =	sld [smem:$0x3FAF]  }
0x2d: {  	s3 =	simm.s32 $0x108;
	s8 =	sld [smem:$0x3FB0]  }
0x2e: {  	s3 =	simm.s32 @!p0 $0x1082;
	s9 =	sld [smem:$0x3FB1]  }
0x2f: {  	lr =	sadd.s32 s0, s3;
	s0 =	sld [smem:$0x3FA8]  }
0x30: {  	s3 =	sld [smem:$0x3FAB]  }
0x31: {  	[smem:$0x3FB4] =	sst s10  }
0x32: {  	s10 =	sld [smem:$0x3FB2];
	_ =	sdelay $0x3  }
0x33: {  	p0 =	seq.s32 s10, $0x1;
	s10 =	sld [smem:$0x3FB4];
	_ =	sdelay $0x3  }
0x34: {  	[smem:$0x3FB4] =	sst s10  }
0x35: {  	s10 =	sld [smem:$0x3FB3];
	_ =	sdelay $0x3  }
0x36: {  	p1 =	seq.s32 s10, $0x1;
	s10 =	sld [smem:$0x3FB4];
	_ =	sdelay $0x3  }
0x37: {  	[smem:$0x3FB4] =	sst s10  }
0x38: {  	s10 =	sld [smem:$0x3FB5]  }
0x39: {  	_ = 	snop;
	(pc) =	sbr.ind lr, $3  }
0x3a: {  	_ = 	snop  }
0x3b: {  	_ = 	snop  }
0x3c: {  	p2 =	seq.s32 s10, $0x1;
	s10 =	sld [smem:$0x3FB4]  }
0x3d: {  	_ =	shalt  }
0x3e: {  	_ =	shalt  }
0x3f: {  	_ =	shalt  }
0x40: {  	_ =	shalt  }
0x41: {  	_ =	shalt  }
0x42: {  	_ =	shalt  }
0x43: {  	_ =	shalt  }
0x44: {  	_ =	shalt  }
0x45: {  	_ =	shalt  }
0x46: {  	_ =	shalt  }
0x47: {  	_ =	shalt  }
0x48: {  	_ =	shalt  }
0x49: {  	_ =	shalt  }
0x4a: {  	_ =	shalt  }
0x4b: {  	_ =	shalt  }
0x4c: {  	_ =	shalt  }
0x4d: {  	_ =	shalt  }
0x4e: {  	_ =	shalt  }
0x4f: {  	_ =	shalt  }
0x50: {  	_ =	shalt  }
0x51: {  	_ =	shalt  }
0x52: {  	_ =	shalt  }
0x53: {  	_ =	shalt  }
0x54: {  	_ =	shalt  }
0x55: {  	_ =	shalt  }
0x56: {  	_ =	shalt  }
0x57: {  	_ =	shalt  }
0x58: {  	_ =	shalt  }
0x59: {  	_ =	shalt  }
0x5a: {  	_ =	shalt  }
0x5b: {  	_ =	shalt  }
0x5c: {  	_ =	shalt  }
0x5d: {  	_ =	shalt  }
0x5e: {  	_ =	shalt  }
0x5f: {  	_ =	shalt  }
0x60: {  	_ =	shalt  }
0x61: {  	_ =	shalt  }
0x62: {  	_ =	shalt  }
0x63: {  	_ =	shalt  }
0x64: {  	_ =	shalt  }
0x65: {  	_ =	shalt  }
0x66: {  	_ =	shalt  }
0x67: {  	_ =	shalt  }
0x68: {  	_ =	shalt  }
0x69: {  	_ =	shalt  }
0x6a: {  	_ =	shalt  }
0x6b: {  	_ =	shalt  }
0x6c: {  	_ =	shalt  }
0x6d: {  	_ =	shalt  }
0x6e: {  	_ =	shalt  }
0x6f: {  	_ =	shalt  }
0x70: {  	_ =	shalt  }
0x71: {  	_ =	shalt  }
0x72: {  	_ =	shalt  }
0x73: {  	_ =	shalt  }
0x74: {  	_ =	shalt  }
0x75: {  	_ =	shalt  }
0x76: {  	_ =	shalt  }
0x77: {  	_ =	shalt  }
0x78: {  	_ =	shalt  }
0x79: {  	_ =	shalt  }
0x7a: {  	_ =	shalt  }
0x7b: {  	_ =	shalt  }
0x7c: {  	_ =	shalt  }
0x7d: {  	_ =	shalt  }
0x7e: {  	_ =	shalt  }
0x7f: {  	_ =	shalt  }
0x80: {  	_ =	shalt  }
0x81: {  	_ =	shalt  }
0x82: {  	_ =	shalt  }
0x83: {  	_ =	shalt  }
0x84: {  	_ =	shalt  }
0x85: {  	_ =	shalt  }
0x86: {  	_ =	shalt  }
0x87: {  	_ =	shalt  }
.Lfunc_end0:
.L_simem_size_0:
called_computation.1_lowered:
.L_overlay_start_0:
0x88: {  	s2 =	sld [smem:$0x3FD9]  }
0x89: {  	s3 =	sld [smem:$0x3FFE];
	_ =	sdelay $0x1  }
0x8a: {  	s1 =	srdreg.scid  }
0x8b: {  	s0 =	sand.u32 $0x1, s1  }
0x8c: {  	s17 =	sshll.u32 s0, $0xA;
	s2 =	sadd.s32 s3, s2  }
0x8d: {  	s2 =	sadd.s32 s2, s17  }
0x8e: {  	[smem:$0x3FC0] =	sst s2  }
0x8f: {  	_ = 	snop  }
0x90: {  	s2 =	sld [smem:$0x3FD0];
	(tm) =	ssettm $0x1  }
0x91: {  	s18 =	sld [smem:$0x3FFB];
	_ =	sdelay $0x3  }
0x92: {  	_ =	strace s18  }
0x93: {  	s3 =	sld [smem:$0x3FFC];
	_ =	sdelay $0x3  }
0x94: {  	_ =	strace s3  }
0x95: {  	s3 =	sld [smem:$0x3FFD];
	_ =	sdelay $0x3  }
0x96: {  	_ =	strace s3  }
0x97: {  	_ =	strace $0x8FFFFFFF  }
0x98: {  	s19 =	sld [smem:$0x3FDB];
	_ =	sdelay $0x1  }
0x99: {  	s4 =	simm.s32 $_scs_section_size  }
0x9a: {  	s5 =	simm.s32 $_size__tile_overlayer_lowered;
	s6 =	simm.s32 $_tile_overlayer_lowered  }
0x9b: {  	s22 =	simm.s32 $0x1BFF;
	s21 =	sshll.u32 s6, $0x1;
	s3 =	sadd.s32 s4, s19  }
0x9c: {  	s7 =	simm.s32 $0x0;
	s20 =	sshll.u32 s5, $0x1;
	s5 =	sadd.s32 s21, s3  }
0x9d: {  	[timem:s7], [sflag:s22] =	dma.local [hbm:s5], s20  }
0x9e: {  	_ =	swait.ge [sflag:s22], s20  }
0x9f: {  	s4 =	ssub.s32 $0x0, s20;
	[sflag:s22] =	ssyncset.done $0x0  }
0xa0: {  	[sflag:s22] =	ssyncadd.s32 s4;
	_ =	sdelay $0x1  }
0xa1: {  	s23 =	simm.s32 $0x1B8B  }
0xa2: {  	_ =	swait.ge [sflag:s23], $0x1  }
0xa3: {  	[sflag:s23] =	ssyncset.done $0x0  }
0xa4: {  	s25 =	simm.s32 $0x1B8E;
	s24 =	sld [smem:$0x3FFE];
	[sflag:s23] =	ssyncadd.s32 $0xFFFFFFFF  }
0xa5: {  	s26 =	simm.s32 $execute0_lowered;
	[smem:$0x3FD2] =	sst s25  }
0xa6: {  	s5 =	sshll.u32 s26, $0x1;
	_ =	strace $0x80000049;
	[dreg:$0x1] =	wrdreg $0xFFFFFFFF  }
0xa7: {  	s28 =	simm.s32 $_size_execute0_lowered;
	s3 =	sadd.s32 s3, s5;
	[dreg:$0x0] =	wrdreg $0x0  }
0xa8: {  	s5 =	sshll.u32 s28, $0x1;
	[dreg:$0x2] =	wrdreg s3  }
0xa9: {  	[dreg:$0x3] =	wrdreg s5  }
0xaa: {  	[dreg:$0x4] =	wrdreg $0xC0  }
0xab: {  	_ =	task [dreg:s7], $0x5FFFF  }
0xac: {  	[dreg:$0x1] =	wrdreg $0xFFFFFFFF  }
0xad: {  	[dreg:$0x0] =	wrdreg $0x60  }
0xae: {  	[dreg:$0x2] =	wrdreg s2  }
0xaf: {  	[dreg:$0x3] =	wrdreg s24  }
0xb0: {  	[dreg:$0x4] =	wrdreg $0x0  }
0xb1: {  	[dreg:$0x5] =	wrdreg $0x9  }
0xb2: {  	_ =	task.clear_ibuf [dreg:s7], $0x6FFFF;
	_ =	strace $0x90000049  }
0xb3: {  	s29 =	simm.s32 $0x9;
	_ =	strace $0x8000004B  }
0xb4: {  	_ =	swait.ge [sflag:s29], $0x1  }
0xb5: {  	[sflag:s29] =	ssyncadd.s32 $0xFFFFFFFF  }
0xb6: {  	_ =	strace $0x9000004B  }
0xb7: {  	_ =	sfence  }
0xb8: {  	s30 =	sld [smem:$0x0];
	_ =	sdelay $0x2  }
0xb9: {  	s31 =	sshll.u32 s1, $0xD;
	s1 =	sshrl.u32 s1, $0x2  }
0xba: {  	s3 =	sand.u32 $0x4000, s31;
	s1 =	sadd.s32 s1, s30  }
0xbb: {  	s0 =	sor.u32 s3, s0;
	s1 =	sshll.u32 s1, $0x11  }
0xbc: {  	s0 =	sor.u32 s1, s0  }
0xbd: {  	s0 =	sadd.s32 $0x8F2B, s0  }
0xbe: {  	[sflag:s0] =	ssyncadd.remote.s32 $0x1  }
0xbf: {  	_ =	sfence.sel $0xFFFF  }
0xc0: {  	[dreg:$0x0] =	wrdreg $0xFFFFFFFF;
	(pc) =	sbr.abs _section_cstart, $3  }
0xc1: {  	[dreg:$0x1] =	wrdreg $0xFFFFFFFF  }
0xc2: {  	_ =	task.clear_ibuf [dreg:s7], $0x2FFFF;
	_ =	strace $0x9FFFFFFF  }
0xc3: {  	(tm) =	ssettm $0x7FFFFFFF  }
tec
execute0_lowered:
.L_overlay_start_1:
0x0: {  	(tag) =	ssettag $0x1  }
0x1: {  	s1 =	rddreg [dreg:$0x0]  }
0x2: {  	s10 =	rddreg [dreg:$0x1]  }
0x3: {  	s3 =	rddreg [dreg:$0x2]  }
0x4: {  	s4 =	simm.s32 $0x0;
	s5 =	srdreg.scid;
	s0 =	stileid.u32  }
0x5: {  	s16 =	simm.s32 $0x1;
	s17 =	simm.s32 $0x13900;
	s18 =	simm.s32 $0x14D00  }
0x6: {  	s19 =	simm.s32 $0x2;
	s20 =	simm.s32 $0x80;
	s21 =	simm.s32 $0x16100  }
0x7: {  	s22 =	simm.s32 $0x13980;
	s23 =	simm.s32 $0x3;
	s24 =	simm.s32 $0x4  }
0x8: {  	s25 =	simm.s32 $0x16080;
	s26 =	simm.s32 $0x0;
	[smem:$0x7FF] =	sst s4  }
0x9: {  	s8 =	sand.u32 $0x1, s5;
	s31 =	sshll.u32 s0, $0x1;
	s13 =	smul.u32 $0x50000, s0  }
0xa: {  	s11 =	sadd.s32 $0x2A00, s10;
	s6 =	sadd.s32 $0x16A00, s10;
	s15 =	smul.u32 $0x14000, s0  }
0xb: {  	p0 =	seq.s32 s0, $0xF;
	s9 =	sor.u32 s8, s31;
	s14 =	smul.u32 $0x138800, s8  }
0xc: {  	s10 =	sadd.s32 $0xCA00, s10;
	s7 =	ssub.s32 $0x2, s8;
	s5 =	smul.u32 $0x500, s9  }
0xd: {  	_ =	strace $0x8000004A;
	s12 =	sshrl.u32 s7, $0x1;
	s9 =	smul.u32 $0x2800, s9  }
0xe: {  	s13 =	sshrl.u32 s13, $0x2;
	s12 =	ssub.s32 s7, s12;
	s7 =	simm.s32 $0x5  }
0xf: {  	s13 =	sadd.s32 s13, s3;
	s14 =	sadd.s32 s15, s14;
	s9 =	sshrl.u32 s9, $0x3  }
0x10: {  	s15 =	simm.s32 $0x1A100;
	s7 =	simm.s32 @!p0 $0x8;
	s9 =	sadd.s32 $0x280, s9  }
0x11: {  	v0 =	vimm.f32 $0.0e+00;
	s8 =	sadd.s32 s11, s5;
	s12 =	smax.u32 s12, $0x1;
	s11 =	sadd.s32 s11, s9  }
.LBB2_1:
0x12: {  	s28 =	simm.s32 $0x0;
	s29 =	simm.s32 $0x200  }
.LBB2_2:
0x13: {  	p0 =	sne.s32 s29, $0x9E00;
	[tilespmem:s28+$0x1A170] =	vst v0  }
0x14: {  	[tilespmem:s28+$0x1A100] =	vst v0  }
0x15: {  	[tilespmem:s28+$0x1A110] =	vst v0  }
.Ltmp0:
0x16: {  	[tilespmem:s28+$0x1A120] =	vst v0;
	(pc) =	sbr.rel @p0 .LBB2_2-.Ltmp0, $4  }
0x17: {  	[tilespmem:s28+$0x1A130] =	vst v0  }
0x18: {  	[tilespmem:s28+$0x1A140] =	vst v0  }
0x19: {  	[tilespmem:s28+$0x1A150] =	vst v0  }
0x1a: {  	[tilespmem:s28+$0x1A160] =	vst v0;
	s28 =	sshra.s32 s29, $0x2;
	s29 =	sadd.s32 $0x200, s29  }
0x1b: {  	[tilespmem:s28+$0x1A170] =	vst v0  }
0x1c: {  	[tilespmem:s28+$0x1A100] =	vst v0  }
0x1d: {  	[tilespmem:s28+$0x1A110] =	vst v0  }
0x1e: {  	[tilespmem:s28+$0x1A120] =	vst v0;
	p0 =	sne.s32 s7, $0x1  }
.Ltmp1:
0x1f: {  	[tilespmem:s28+$0x1A130] =	vst v0;
	(pc) =	sbr.rel @!p0 .LBB2_5-.Ltmp1, $4  }
0x20: {  	[tilespmem:s28+$0x1A140] =	vst v0  }
0x21: {  	[tilespmem:s28+$0x1A150] =	vst v0  }
0x22: {  	[tilespmem:s28+$0x1A160] =	vst v0;
	s28 =	sadd.s32 $0xFFFFFFFF, s7;
	s29 =	smov.u32 s13  }
0x23: {  	[spmem:s13] =	stream.linear.scatter [tilespmem:s15], [sflag:$0x1], $0x2800, $0x38;
	[tilespmem:$0x1E100] =	vst v63  }
.LBB2_4:
0x24: {  	p1 =	sne.s32 s28, $0x1  }
.Ltmp2:
0x25: {  	_ = 	snop;
	(pc) =	sbr.rel @p1 .LBB2_4-.Ltmp2, $3  }
0x26: {  	_ = 	snop  }
0x27: {  	s28 =	sadd.s32 $0xFFFFFFFF, s28;
	s29 =	sadd.s32 $0x2800, s29;
	_ =	sdelay $0x1  }
0x28: {  	[spmem:s29] =	stream.linear.scatter [tilespmem:s15], [sflag:$0x1], $0x2800, $0x38;
	[tilespmem:$0x1E100] =	vst v63  }
.LBB2_5:
.Ltmp3:
0x29: {  	(pc) =	sbr.rel @!p0 .LBB2_7-.Ltmp3, $3  }
0x2a: {  	_ =	sdelay $0x1  }
0x2b: {  	_ =	swait.ge [sflag:s16], $0x2800  }
0x2c: {  	s28 =	sadd.s32 $0xFFFFFFFF, s7;
	[sflag:s16] =	ssyncset.done $0x0  }
.LBB2_6:
0x2d: {  	p1 =	sne.s32 s28, $0x1;
	s28 =	sadd.s32 $0xFFFFFFFF, s28;
	[sflag:s16] =	ssyncadd.s32 $0xFFFFD800  }
.Ltmp4:
0x2e: {  	(pc) =	sbr.rel @p1 .LBB2_6-.Ltmp4, $3  }
0x2f: {  	_ =	sdelay $0x1  }
0x30: {  	_ =	swait.ge [sflag:s16], $0x2800  }
0x31: {  	[sflag:s16] =	ssyncset.done $0x0  }
.LBB2_7:
0x32: {  	[sflag:s16] =	ssyncadd.s32 $0xFFFFD800  }
0x33: {  	[bflag:$0x0] =	sbarrier.arrive $0xFFFF  }
0x34: {  	[tilespmem:s17], [sflag:$0x1] =	stream.linear.gather [hbm4b:s8+s4], $0x1400, $0x38;
	[tilespmem:$0x1E100] =	vst v63  }
0x35: {  	s28 =	sadd.s32 s5, s10  }
0x36: {  	[tilespmem:s18], [sflag:$0x2] =	stream.linear.gather [hbm4b:s28+s4], $0x1400, $0x38;
	[tilespmem:$0x1E100] =	vst v63  }
0x37: {  	_ =	swait.ge [sflag:s16], $0x1400  }
0x38: {  	[sflag:s16] =	ssyncset.done $0x0  }
0x39: {  	[sflag:s16] =	ssyncadd.s32 $0xFFFFEC00  }
0x3a: {  	_ =	swait.ge [sflag:s19], $0x1400  }
0x3b: {  	[sflag:s19] =	ssyncset.done $0x0  }
0x3c: {  	[sflag:s19] =	ssyncadd.s32 $0xFFFFEC00  }
0x3d: {  	[tilespmem:s21], [sflag:$0x1] =	stream.indirect.gather [hbm4b:s1+s20], $0x80, s17, s20, $0xb8;
	[tilespmem:$0x1E100] =	vst v63  }
0x3e: {  	_ = 	snop  }
0x3f: {  	[tilespmem:s15], [sflag:$0x2] =	stream.indirect.gather [hbm4b:s1+s20], $0x80, s22, s20, $0xb8;
	[tilespmem:$0x1E100] =	vst v63  }
0x40: {  	_ =	swait.ge [sflag:s16], $0x4000  }
0x41: {  	[sflag:s16] =	ssyncset.done $0x0  }
0x42: {  	[sflag:s16] =	ssyncadd.s32 $0xFFFFC000  }
0x43: {  	[spmem:s3] =	stream.indirect.scatter.add.f32 [tilespmem:s21], [sflag:$0x3], $0x80, s18, s20, $0xb8;
	[tilespmem:$0x1E100] =	vst v63  }
0x44: {  	_ =	swait.ge [sflag:s19], $0x4000  }
0x45: {  	[sflag:s19] =	ssyncset.done $0x0  }
0x46: {  	[sflag:s19] =	ssyncadd.s32 $0xFFFFC000  }
0x47: {  	_ =	swait.ge [sflag:s23], $0x4000  }
0x48: {  	[sflag:s23] =	ssyncset.done $0x0  }
0x49: {  	s28 =	simm.s32 $0x13A00;
	[sflag:s23] =	ssyncadd.s32 $0xFFFFC000  }
0x4a: {  	[tilespmem:s21], [sflag:$0x1] =	stream.indirect.gather [hbm4b:s1+s20], $0x80, s28, s20, $0xb8;
	[tilespmem:$0x1E100] =	vst v63  }
0x4b: {  	s28 =	simm.s32 $0x14D80  }
0x4c: {  	[spmem:s3] =	stream.indirect.scatter.add.f32 [tilespmem:s15], [sflag:$0x4], $0x80, s28, s20, $0xb8;
	[tilespmem:$0x1E100] =	vst v63  }
0x4d: {  	_ =	swait.ge [sflag:s16], $0x4000  }
0x4e: {  	[sflag:s16] =	ssyncset.done $0x0  }
0x4f: {  	[sflag:s16] =	ssyncadd.s32 $0xFFFFC000  }
0x50: {  	_ =	swait.ge [sflag:s24], $0x4000  }
0x51: {  	[sflag:s24] =	ssyncset.done $0x0  }
0x52: {  	s28 =	simm.s32 $0x13A80;
	[sflag:s24] =	ssyncadd.s32 $0xFFFFC000  }
0x53: {  	[tilespmem:s15], [sflag:$0x2] =	stream.indirect.gather [hbm4b:s1+s20], $0x80, s28, s20, $0xb8;
	[tilespmem:$0x1E100] =	vst v63  }
0x54: {  	s29 =	simm.s32 $0x14E00;
	s28 =	simm.s32 $0xFFFFB800  }
.LBB2_8:
0x55: {  	[spmem:s3] =	stream.indirect.scatter.add.f32 [tilespmem:s21], [sflag:$0x3], $0x80, s29, s20, $0xb8;
	[tilespmem:$0x1E100] =	vst v63  }
0x56: {  	s29 =	smov.u32 s28  }
0x57: {  	p1 =	sne.s32 s28, $0xFFFFFC00;
	s28 =	sadd.s32 $0x400, s28;
	_ =	swait.ge [sflag:s19], $0x4000  }
0x58: {  	[sflag:s19] =	ssyncset.done $0x0  }
0x59: {  	[sflag:s19] =	ssyncadd.s32 $0xFFFFC000  }
0x5a: {  	_ =	swait.ge [sflag:s23], $0x4000  }
0x5b: {  	s29 =	sshra.s32 s29, $0x2;
	[sflag:s23] =	ssyncset.done $0x0  }
0x5c: {  	s30 =	sadd.s32 $0x14D00, s29;
	[sflag:s23] =	ssyncadd.s32 $0xFFFFC000  }
0x5d: {  	[tilespmem:s21], [sflag:$0x1] =	stream.indirect.gather [hbm4b:s1+s20], $0x80, s30, s20, $0xb8;
	[tilespmem:$0x1E100] =	vst v63  }
0x5e: {  	s30 =	sadd.s32 $0x16080, s29  }
0x5f: {  	[spmem:s3] =	stream.indirect.scatter.add.f32 [tilespmem:s15], [sflag:$0x4], $0x80, s30, s20, $0xb8;
	[tilespmem:$0x1E100] =	vst v63  }
0x60: {  	_ =	swait.ge [sflag:s16], $0x4000  }
0x61: {  	[sflag:s16] =	ssyncset.done $0x0  }
0x62: {  	[sflag:s16] =	ssyncadd.s32 $0xFFFFC000  }
.Ltmp5:
0x63: {  	_ =	swait.ge [sflag:s24], $0x4000;
	(pc) =	sbr.rel @p1 .LBB2_8-.Ltmp5, $4  }
0x64: {  	[sflag:s24] =	ssyncset.done $0x0  }
0x65: {  	s30 =	sadd.s32 $0x14D80, s29;
	[sflag:s24] =	ssyncadd.s32 $0xFFFFC000  }
0x66: {  	[tilespmem:s15], [sflag:$0x2] =	stream.indirect.gather [hbm4b:s1+s20], $0x80, s30, s20, $0xb8;
	[tilespmem:$0x1E100] =	vst v63  }
0x67: {  	s29 =	sadd.s32 $0x16100, s29  }
0x68: {  	[spmem:s3] =	stream.indirect.scatter.add.f32 [tilespmem:s21], [sflag:$0x3], $0x80, s29, s20, $0xb8;
	[tilespmem:$0x1E100] =	vst v63  }
0x69: {  	_ =	swait.ge [sflag:s19], $0x4000  }
0x6a: {  	[sflag:s19] =	ssyncset.done $0x0  }
0x6b: {  	[sflag:s19] =	ssyncadd.s32 $0xFFFFC000  }
0x6c: {  	_ =	swait.ge [sflag:s23], $0x4000  }
0x6d: {  	[sflag:s23] =	ssyncset.done $0x0  }
0x6e: {  	[sflag:s23] =	ssyncadd.s32 $0xFFFFC000  }
0x6f: {  	[spmem:s3] =	stream.indirect.scatter.add.f32 [tilespmem:s15], [sflag:$0x4], $0x80, s25, s20, $0xb8;
	[tilespmem:$0x1E100] =	vst v63  }
0x70: {  	_ =	swait.ge [sflag:s24], $0x4000  }
0x71: {  	[sflag:s24] =	ssyncset.done $0x0  }
0x72: {  	[sflag:s24] =	ssyncadd.s32 $0xFFFFC000  }
0x73: {  	[tilespmem:s17], [sflag:$0x1] =	stream.linear.gather [hbm4b:s11+s4], $0x1400, $0x38;
	[tilespmem:$0x1E100] =	vst v63  }
0x74: {  	s28 =	sadd.s32 s9, s10  }
0x75: {  	[tilespmem:s18], [sflag:$0x2] =	stream.linear.gather [hbm4b:s28+s4], $0x1400, $0x38;
	[tilespmem:$0x1E100] =	vst v63  }
0x76: {  	_ =	swait.ge [sflag:s16], $0x1400  }
0x77: {  	[sflag:s16] =	ssyncset.done $0x0  }
0x78: {  	[sflag:s16] =	ssyncadd.s32 $0xFFFFEC00  }
0x79: {  	_ =	swait.ge [sflag:s19], $0x1400  }
0x7a: {  	[sflag:s19] =	ssyncset.done $0x0  }
0x7b: {  	[sflag:s19] =	ssyncadd.s32 $0xFFFFEC00  }
0x7c: {  	[tilespmem:s21], [sflag:$0x1] =	stream.indirect.gather [hbm4b:s1+s20], $0x80, s17, s20, $0xb8;
	[tilespmem:$0x1E100] =	vst v63  }
0x7d: {  	_ = 	snop  }
0x7e: {  	[tilespmem:s15], [sflag:$0x2] =	stream.indirect.gather [hbm4b:s1+s20], $0x80, s22, s20, $0xb8;
	[tilespmem:$0x1E100] =	vst v63  }
0x7f: {  	_ =	swait.ge [sflag:s16], $0x4000  }
0x80: {  	[sflag:s16] =	ssyncset.done $0x0  }
0x81: {  	[sflag:s16] =	ssyncadd.s32 $0xFFFFC000  }
0x82: {  	[spmem:s3] =	stream.indirect.scatter.add.f32 [tilespmem:s21], [sflag:$0x3], $0x80, s18, s20, $0xb8;
	[tilespmem:$0x1E100] =	vst v63  }
0x83: {  	_ =	swait.ge [sflag:s19], $0x4000  }
0x84: {  	[sflag:s19] =	ssyncset.done $0x0  }
0x85: {  	[sflag:s19] =	ssyncadd.s32 $0xFFFFC000  }
0x86: {  	_ =	swait.ge [sflag:s23], $0x4000  }
0x87: {  	[sflag:s23] =	ssyncset.done $0x0  }
0x88: {  	s28 =	simm.s32 $0x13A00;
	[sflag:s23] =	ssyncadd.s32 $0xFFFFC000  }
0x89: {  	[tilespmem:s21], [sflag:$0x1] =	stream.indirect.gather [hbm4b:s1+s20], $0x80, s28, s20, $0xb8;
	[tilespmem:$0x1E100] =	vst v63  }
0x8a: {  	s28 =	simm.s32 $0x14D80  }
0x8b: {  	[spmem:s3] =	stream.indirect.scatter.add.f32 [tilespmem:s15], [sflag:$0x4], $0x80, s28, s20, $0xb8;
	[tilespmem:$0x1E100] =	vst v63  }
0x8c: {  	_ =	swait.ge [sflag:s16], $0x4000  }
0x8d: {  	[sflag:s16] =	ssyncset.done $0x0  }
0x8e: {  	[sflag:s16] =	ssyncadd.s32 $0xFFFFC000  }
0x8f: {  	_ =	swait.ge [sflag:s24], $0x4000  }
0x90: {  	[sflag:s24] =	ssyncset.done $0x0  }
0x91: {  	s28 =	simm.s32 $0x13A80;
	[sflag:s24] =	ssyncadd.s32 $0xFFFFC000  }
0x92: {  	[tilespmem:s15], [sflag:$0x2] =	stream.indirect.gather [hbm4b:s1+s20], $0x80, s28, s20, $0xb8;
	[tilespmem:$0x1E100] =	vst v63  }
0x93: {  	s29 =	simm.s32 $0x14E00;
	s28 =	simm.s32 $0xFFFFB800  }
.LBB2_10:
0x94: {  	[spmem:s3] =	stream.indirect.scatter.add.f32 [tilespmem:s21], [sflag:$0x3], $0x80, s29, s20, $0xb8;
	[tilespmem:$0x1E100] =	vst v63  }
0x95: {  	s29 =	smov.u32 s28  }
0x96: {  	p1 =	sne.s32 s28, $0xFFFFFC00;
	s28 =	sadd.s32 $0x400, s28;
	_ =	swait.ge [sflag:s19], $0x4000  }
0x97: {  	[sflag:s19] =	ssyncset.done $0x0  }
0x98: {  	[sflag:s19] =	ssyncadd.s32 $0xFFFFC000  }
0x99: {  	_ =	swait.ge [sflag:s23], $0x4000  }
0x9a: {  	s29 =	sshra.s32 s29, $0x2;
	[sflag:s23] =	ssyncset.done $0x0  }
0x9b: {  	s30 =	sadd.s32 $0x14D00, s29;
	[sflag:s23] =	ssyncadd.s32 $0xFFFFC000  }
0x9c: {  	[tilespmem:s21], [sflag:$0x1] =	stream.indirect.gather [hbm4b:s1+s20], $0x80, s30, s20, $0xb8;
	[tilespmem:$0x1E100] =	vst v63  }
0x9d: {  	s30 =	sadd.s32 $0x16080, s29  }
0x9e: {  	[spmem:s3] =	stream.indirect.scatter.add.f32 [tilespmem:s15], [sflag:$0x4], $0x80, s30, s20, $0xb8;
	[tilespmem:$0x1E100] =	vst v63  }
0x9f: {  	_ =	swait.ge [sflag:s16], $0x4000  }
0xa0: {  	[sflag:s16] =	ssyncset.done $0x0  }
0xa1: {  	[sflag:s16] =	ssyncadd.s32 $0xFFFFC000  }
.Ltmp6:
0xa2: {  	_ =	swait.ge [sflag:s24], $0x4000;
	(pc) =	sbr.rel @p1 .LBB2_10-.Ltmp6, $4  }
0xa3: {  	[sflag:s24] =	ssyncset.done $0x0  }
0xa4: {  	s30 =	sadd.s32 $0x14D80, s29;
	[sflag:s24] =	ssyncadd.s32 $0xFFFFC000  }
0xa5: {  	[tilespmem:s15], [sflag:$0x2] =	stream.indirect.gather [hbm4b:s1+s20], $0x80, s30, s20, $0xb8;
	[tilespmem:$0x1E100] =	vst v63  }
0xa6: {  	s29 =	sadd.s32 $0x16100, s29  }
0xa7: {  	[spmem:s3] =	stream.indirect.scatter.add.f32 [tilespmem:s21], [sflag:$0x3], $0x80, s29, s20, $0xb8;
	[tilespmem:$0x1E100] =	vst v63  }
0xa8: {  	_ =	swait.ge [sflag:s19], $0x4000  }
0xa9: {  	[sflag:s19] =	ssyncset.done $0x0  }
0xaa: {  	[sflag:s19] =	ssyncadd.s32 $0xFFFFC000  }
0xab: {  	_ =	swait.ge [sflag:s23], $0x4000  }
0xac: {  	[sflag:s23] =	ssyncset.done $0x0  }
0xad: {  	[sflag:s23] =	ssyncadd.s32 $0xFFFFC000  }
0xae: {  	[spmem:s3] =	stream.indirect.scatter.add.f32 [tilespmem:s15], [sflag:$0x4], $0x80, s25, s20, $0xb8;
	[tilespmem:$0x1E100] =	vst v63  }
0xaf: {  	s0 =	stileid.u32;
	_ =	swait.ge [sflag:s24], $0x4000  }
.Ltmp7:
0xb0: {  	s29 =	sshrl.u32 s14, $0x3;
	[sflag:s24] =	ssyncset.done $0x0;
	(pc) =	sbr.rel @!p0 .LBB2_13-.Ltmp7, $4  }
0xb1: {  	s30 =	sshrl.u32 s13, $0x3;
	s28 =	sshll.u32 s0, $0x6;
	[sflag:s24] =	ssyncadd.s32 $0xFFFFC000  }
0xb2: {  	s29 =	sadd.s32 s6, s29;
	s28 =	sor.u32 $0x1C01, s28;
	[bflag:$0x0] =	sbarrier.arrive $0xFFFF  }
0xb3: {  	[hbm:s29], [sflag:s28] =	dma.local [spmem:s30], $0x500  }
0xb4: {  	s31 =	smov.u32 s13;
	s29 =	sadd.s32 $0xFFFFFFFF, s7;
	s30 =	smov.u32 s14  }
.LBB2_12:
0xb5: {  	p1 =	sne.s32 s29, $0x1  }
.Ltmp8:
0xb6: {  	_ = 	snop;
	(pc) =	sbr.rel @p1 .LBB2_12-.Ltmp8, $4  }
0xb7: {  	s30 =	sadd.s32 $0x2800, s30  }
0xb8: {  	s31 =	sadd.s32 $0x2800, s31;
	s0 =	sshrl.u32 s30, $0x3  }
0xb9: {  	s29 =	sadd.s32 $0xFFFFFFFF, s29;
	s2 =	sshrl.u32 s31, $0x3;
	s0 =	sadd.s32 s6, s0  }
0xba: {  	[hbm:s0], [sflag:s28] =	dma.local [spmem:s2], $0x500  }
.LBB2_13:
.Ltmp9:
0xbb: {  	(pc) =	sbr.rel @!p0 .LBB2_15-.Ltmp9, $3  }
0xbc: {  	_ =	sdelay $0x1  }
0xbd: {  	_ =	swait.ge [sflag:s16], $0x500  }
0xbe: {  	s28 =	sadd.s32 $0xFFFFFFFF, s7;
	[sflag:s16] =	ssyncset.done $0x0  }
.LBB2_14:
0xbf: {  	p0 =	sne.s32 s28, $0x1;
	s28 =	sadd.s32 $0xFFFFFFFF, s28;
	[sflag:s16] =	ssyncadd.s32 $0xFFFFFB00  }
.Ltmp10:
0xc0: {  	(pc) =	sbr.rel @p0 .LBB2_14-.Ltmp10, $3  }
0xc1: {  	_ =	sdelay $0x1  }
0xc2: {  	_ =	swait.ge [sflag:s16], $0x500  }
0xc3: {  	[sflag:s16] =	ssyncset.done $0x0  }
.LBB2_15:
0xc4: {  	s26 =	sadd.s32 $0x1, s26  }
0xc5: {  	p0 =	sne.s32 s26, s12  }
.Ltmp11:
0xc6: {  	_ = 	snop;
	(pc) =	sbr.rel @p0 .LBB2_1-.Ltmp11, $2  }
0xc7: {  	_ =	sdelay $0x2  }
0xc8: {  	[sflag:s16] =	ssyncadd.s32 $0xFFFFFB00  }
0xc9: {  	_ =	sfence.sel $0x180000  }
0xca: {  	[bflag:$0x0] =	sbarrier.arrive $0xFFFF  }
0xcb: {  	_ =	strace $0x9000004A  }
0xcc: {  	s0 =	stileid.u32;
	[bflag:$0x2] =	sbarrier.arrive $0xFFFF  }
0xcd: {  	p0 =	sne.s32 s0, $0x0;
	s0 =	rddreg [dreg:$0x3]  }
0xce: {  	s0 =	sadd.s32 @!p0 $0x100000, s0  }
0xcf: {  	[sflag:s0] =	ssyncadd.tile.s32 @!p0 $0x1;
	_ =	shalt  }
.Lfunc_end2:
_tile_overlayer_lowered:
.L_overlay_start_2:
0xd0: {  	(tag) =	ssettag $0x2  }
0xd1: {  	s0 =	rddreg [dreg:$0x0];
	s2 =	stileid.u32  }
0xd2: {  	s1 =	rddreg [dreg:$0x1];
	p0 =	sne.s32 s2, $0x0  }
0xd3: {  	s3 =	rddreg [dreg:$0x2];
	[bflag:$0x3] =	sbarrier.arrive $0xFFFF;
	s2 =	simm.s32 @!p0 $0x1C05  }
0xd4: {  	[timem:s3], [sflag:s2] =	dma.local @!p0 [hbm:s0], s1  }
0xd5: {  	s0 =	simm.s32 @!p0 $0x5  }
0xd6: {  	_ =	swait.ge @!p0 [sflag:s0], s1  }
0xd7: {  	s1 =	ssub.s32 @!p0 $0x0, s1;
	[sflag:s0] =	ssyncset.done @!p0 $0x0  }
0xd8: {  	[sflag:s0] =	ssyncadd.s32 @!p0 s1  }
0xd9: {  	[bflag:$0x3] =	sbarrier.arrive $0xFFFF  }
0xda: {  	_ =	shalt  }

// kernel: kernel.14.cloned.1.call-start
scs
__scs_entry_jumppad:
0x0: {  	(pc) =	sbr.rel $0x88, $3  }
0x1: {  	(tag) =	ssettag $0x0;
	lr =	simm.s32 $0x1  }
0x2: {  	[smem:$0x3F99] =	sst lr;
	_ =	strace $0xD0000000  }
0x3: {  	_ = 	snop  }
0x4: {  	_ = 	snop  }
0x5: {  	_ = 	snop  }
0x6: {  	_ = 	snop  }
0x7: {  	_ = 	snop  }
__scs_overlays_trampoline_lowered:
0x8: {  	[smem:$0x3FA8] =	sst s0  }
0x9: {  	[smem:$0x3FA9] =	sst s1  }
0xa: {  	[smem:$0x3FAA] =	sst s2  }
0xb: {  	[smem:$0x3FAB] =	sst s3  }
0xc: {  	[smem:$0x3FAC] =	sst s4  }
0xd: {  	[smem:$0x3FAD] =	sst s5  }
0xe: {  	[smem:$0x3FAE] =	sst s6  }
0xf: {  	[smem:$0x3FAF] =	sst s7  }
0x10: {  	[smem:$0x3FB0] =	sst s8  }
0x11: {  	[smem:$0x3FB1] =	sst s9;
	s0 =	simm.s32 @!p0 $0x0  }
0x12: {  	s1 =	sld [smem:$0x3F97];
	s0 =	simm.s32 @p0 $0x1  }
0x13: {  	[smem:$0x3FB2] =	sst s0;
	s0 =	simm.s32 @!p1 $0x0  }
0x14: {  	s2 =	sld [smem:$0x3F96];
	s0 =	simm.s32 @p1 $0x1  }
0x15: {  	[smem:$0x3FB3] =	sst s0;
	s0 =	simm.s32 @!p2 $0x0  }
0x16: {  	s3 =	sld [smem:$0x3FDB];
	s0 =	simm.s32 @p2 $0x1  }
0x17: {  	s4 =	simm.s32 $0x1BF5;
	[smem:$0x3FB5] =	sst s0  }
0x18: {  	s0 =	sld [smem:$0x3F98];
	_ =	swait.ge [sflag:s4], $0x0  }
0x19: {  	s7 =	sld [smem:$0x3F99]  }
0x1a: {  	s8 =	sadd.s32 $0xFFFFE003, lr  }
0x1b: {  	s9 =	sadd.s32 $0xFFFFFEF7, lr;
	s5 =	simm.s32 $0xFFFFFFFF;
	p2 =	slt.u32 s8, $0xFFFFF086  }
0x1c: {  	p1 =	slt.u32 s9, $0xF7A;
	s5 =	simm.s32 @!p2 $0x0  }
0x1d: {  	s5 =	simm.s32 @p1 $0x1;
	p0 =	seq.s32 s7, s2  }
0x1e: {  	s7 =	smul.u32 @!p0 $0xF7A, s2;
	p2 =	seq.s32 @!p0 s5, $0x0  }
0x1f: {  	s9 =	smul.u32 $0xF7A, s1;
	s8 =	simm.s32 @!p0 $0x1BF5;
	p2 =	por !p2, p0  }
0x20: {  	[sflag:s8] =	ssyncset.s32 @!p0 $0xFFFFF086;
	s6 =	sadd.s32 @!p0 s3, s7;
	s7 =	simm.s32 @!p0 $0x108  }
0x21: {  	s3 =	sadd.s32 s3, s9;
	s6 =	sadd.s32 @!p0 $0x88, s6;
	s7 =	simm.s32 @p2 $0x1082  }
0x22: {  	[simem:s7], [sflag:s8] =	dma.local @!p0 [hbm:s6], $0xF7A  }
0x23: {  	s9 =	sor.u32 $0xD0000000, s2;
	s6 =	simm.s32 $0x108;
	_ =	swait.ge @!p0 [sflag:s8], $0x0  }
0x24: {  	s3 =	sadd.s32 $0x88, s3;
	s6 =	simm.s32 @!p1 $0x1082;
	[sflag:s4] =	ssyncset.s32 $0xFFFFF086  }
0x25: {  	[simem:s6], [sflag:s4] =	dma.local [hbm:s3], $0xF7A  }
0x26: {  	[smem:$0x3F99] =	sst s1;
	(tag) =	ssettag s2;
	_ =	strace s9  }
0x27: {  	s1 =	sld [smem:$0x3FA9]  }
0x28: {  	s2 =	sld [smem:$0x3FAA]  }
0x29: {  	s4 =	sld [smem:$0x3FAC]  }
0x2a: {  	p0 =	seq.s32 s5, $0x0;
	s5 =	sld [smem:$0x3FAD]  }
0x2b: {  	s6 =	sld [smem:$0x3FAE]  }
0x2c: {  	s7 =	sld [smem:$0x3FAF]  }
0x2d: {  	s3 =	simm.s32 $0x108;
	s8 =	sld [smem:$0x3FB0]  }
0x2e: {  	s3 =	simm.s32 @!p0 $0x1082;
	s9 =	sld [smem:$0x3FB1]  }
0x2f: {  	lr =	sadd.s32 s0, s3;
	s0 =	sld [smem:$0x3FA8]  }
0x30: {  	s3 =	sld [smem:$0x3FAB]  }
0x31: {  	[smem:$0x3FB4] =	sst s10  }
0x32: {  	s10 =	sld [smem:$0x3FB2];
	_ =	sdelay $0x3  }
0x33: {  	p0 =	seq.s32 s10, $0x1;
	s10 =	sld [smem:$0x3FB4];
	_ =	sdelay $0x3  }
0x34: {  	[smem:$0x3FB4] =	sst s10  }
0x35: {  	s10 =	sld [smem:$0x3FB3];
	_ =	sdelay $0x3  }
0x36: {  	p1 =	seq.s32 s10, $0x1;
	s10 =	sld [smem:$0x3FB4];
	_ =	sdelay $0x3  }
0x37: {  	[smem:$0x3FB4] =	sst s10  }
0x38: {  	s10 =	sld [smem:$0x3FB5]  }
0x39: {  	_ = 	snop;
	(pc) =	sbr.ind lr, $3  }
0x3a: {  	_ = 	snop  }
0x3b: {  	_ = 	snop  }
0x3c: {  	p2 =	seq.s32 s10, $0x1;
	s10 =	sld [smem:$0x3FB4]  }
0x3d: {  	_ =	shalt  }
0x3e: {  	_ =	shalt  }
0x3f: {  	_ =	shalt  }
0x40: {  	_ =	shalt  }
0x41: {  	_ =	shalt  }
0x42: {  	_ =	shalt  }
0x43: {  	_ =	shalt  }
0x44: {  	_ =	shalt  }
0x45: {  	_ =	shalt  }
0x46: {  	_ =	shalt  }
0x47: {  	_ =	shalt  }
0x48: {  	_ =	shalt  }
0x49: {  	_ =	shalt  }
0x4a: {  	_ =	shalt  }
0x4b: {  	_ =	shalt  }
0x4c: {  	_ =	shalt  }
0x4d: {  	_ =	shalt  }
0x4e: {  	_ =	shalt  }
0x4f: {  	_ =	shalt  }
0x50: {  	_ =	shalt  }
0x51: {  	_ =	shalt  }
0x52: {  	_ =	shalt  }
0x53: {  	_ =	shalt  }
0x54: {  	_ =	shalt  }
0x55: {  	_ =	shalt  }
0x56: {  	_ =	shalt  }
0x57: {  	_ =	shalt  }
0x58: {  	_ =	shalt  }
0x59: {  	_ =	shalt  }
0x5a: {  	_ =	shalt  }
0x5b: {  	_ =	shalt  }
0x5c: {  	_ =	shalt  }
0x5d: {  	_ =	shalt  }
0x5e: {  	_ =	shalt  }
0x5f: {  	_ =	shalt  }
0x60: {  	_ =	shalt  }
0x61: {  	_ =	shalt  }
0x62: {  	_ =	shalt  }
0x63: {  	_ =	shalt  }
0x64: {  	_ =	shalt  }
0x65: {  	_ =	shalt  }
0x66: {  	_ =	shalt  }
0x67: {  	_ =	shalt  }
0x68: {  	_ =	shalt  }
0x69: {  	_ =	shalt  }
0x6a: {  	_ =	shalt  }
0x6b: {  	_ =	shalt  }
0x6c: {  	_ =	shalt  }
0x6d: {  	_ =	shalt  }
0x6e: {  	_ =	shalt  }
0x6f: {  	_ =	shalt  }
0x70: {  	_ =	shalt  }
0x71: {  	_ =	shalt  }
0x72: {  	_ =	shalt  }
0x73: {  	_ =	shalt  }
0x74: {  	_ =	shalt  }
0x75: {  	_ =	shalt  }
0x76: {  	_ =	shalt  }
0x77: {  	_ =	shalt  }
0x78: {  	_ =	shalt  }
0x79: {  	_ =	shalt  }
0x7a: {  	_ =	shalt  }
0x7b: {  	_ =	shalt  }
0x7c: {  	_ =	shalt  }
0x7d: {  	_ =	shalt  }
0x7e: {  	_ =	shalt  }
0x7f: {  	_ =	shalt  }
0x80: {  	_ =	shalt  }
0x81: {  	_ =	shalt  }
0x82: {  	_ =	shalt  }
0x83: {  	_ =	shalt  }
0x84: {  	_ =	shalt  }
0x85: {  	_ =	shalt  }
0x86: {  	_ =	shalt  }
0x87: {  	_ =	shalt  }
.Lfunc_end0:
.L_simem_size_0:
called_computation.2_lowered:
.L_overlay_start_0:
0x88: {  	s2 =	sld [smem:$0x3FD9]  }
0x89: {  	s3 =	sld [smem:$0x3FFE];
	_ =	sdelay $0x1  }
0x8a: {  	s1 =	srdreg.scid  }
0x8b: {  	s0 =	sand.u32 $0x1, s1  }
0x8c: {  	s17 =	sshll.u32 s0, $0xA;
	s2 =	sadd.s32 s3, s2  }
0x8d: {  	s2 =	sadd.s32 s2, s17  }
0x8e: {  	[smem:$0x3FC0] =	sst s2  }
0x8f: {  	_ = 	snop  }
0x90: {  	s2 =	sld [smem:$0x3FD0];
	(tm) =	ssettm $0x1  }
0x91: {  	s18 =	sld [smem:$0x3FFB];
	_ =	sdelay $0x3  }
0x92: {  	_ =	strace s18  }
0x93: {  	s3 =	sld [smem:$0x3FFC];
	_ =	sdelay $0x3  }
0x94: {  	_ =	strace s3  }
0x95: {  	s3 =	sld [smem:$0x3FFD];
	_ =	sdelay $0x3  }
0x96: {  	_ =	strace s3  }
0x97: {  	_ =	strace $0x8FFFFFFF  }
0x98: {  	s19 =	sld [smem:$0x3FDB];
	_ =	sdelay $0x1  }
0x99: {  	s4 =	simm.s32 $_scs_section_size  }
0x9a: {  	s5 =	simm.s32 $_size__tile_overlayer_lowered;
	s6 =	simm.s32 $_tile_overlayer_lowered  }
0x9b: {  	s22 =	simm.s32 $0x1BFF;
	s21 =	sshll.u32 s6, $0x1;
	s3 =	sadd.s32 s4, s19  }
0x9c: {  	s7 =	simm.s32 $0x0;
	s20 =	sshll.u32 s5, $0x1;
	s5 =	sadd.s32 s21, s3  }
0x9d: {  	[timem:s7], [sflag:s22] =	dma.local [hbm:s5], s20  }
0x9e: {  	_ =	swait.ge [sflag:s22], s20  }
0x9f: {  	s4 =	ssub.s32 $0x0, s20;
	[sflag:s22] =	ssyncset.done $0x0  }
0xa0: {  	[sflag:s22] =	ssyncadd.s32 s4;
	_ =	sdelay $0x1  }
0xa1: {  	s23 =	simm.s32 $0x1B8B  }
0xa2: {  	_ =	swait.ge [sflag:s23], $0x1  }
0xa3: {  	[sflag:s23] =	ssyncset.done $0x0  }
0xa4: {  	s25 =	simm.s32 $0x1B8E;
	s24 =	sld [smem:$0x3FFE];
	[sflag:s23] =	ssyncadd.s32 $0xFFFFFFFF  }
0xa5: {  	s26 =	simm.s32 $execute0_lowered;
	[smem:$0x3FD2] =	sst s25  }
0xa6: {  	s5 =	sshll.u32 s26, $0x1;
	_ =	strace $0x8000004C;
	[dreg:$0x1] =	wrdreg $0xFFFFFFFF  }
0xa7: {  	s28 =	simm.s32 $_size_execute0_lowered;
	s3 =	sadd.s32 s3, s5;
	[dreg:$0x0] =	wrdreg $0x0  }
0xa8: {  	s5 =	sshll.u32 s28, $0x1;
	[dreg:$0x2] =	wrdreg s3  }
0xa9: {  	[dreg:$0x3] =	wrdreg s5  }
0xaa: {  	[dreg:$0x4] =	wrdreg $0xC0  }
0xab: {  	_ =	task [dreg:s7], $0x5FFFF  }
0xac: {  	[dreg:$0x1] =	wrdreg $0xFFFFFFFF  }
0xad: {  	[dreg:$0x0] =	wrdreg $0x60  }
0xae: {  	[dreg:$0x2] =	wrdreg s2  }
0xaf: {  	[dreg:$0x3] =	wrdreg s24  }
0xb0: {  	[dreg:$0x4] =	wrdreg $0x0  }
0xb1: {  	[dreg:$0x5] =	wrdreg $0x9  }
0xb2: {  	_ =	task.clear_ibuf [dreg:s7], $0x6FFFF;
	_ =	strace $0x9000004C  }
0xb3: {  	s29 =	simm.s32 $0x9;
	_ =	strace $0x8000004E  }
0xb4: {  	_ =	swait.ge [sflag:s29], $0x1  }
0xb5: {  	[sflag:s29] =	ssyncadd.s32 $0xFFFFFFFF  }
0xb6: {  	_ =	strace $0x9000004E  }
0xb7: {  	_ =	sfence  }
0xb8: {  	s30 =	sld [smem:$0x0];
	_ =	sdelay $0x2  }
0xb9: {  	s31 =	sshll.u32 s1, $0xD;
	s1 =	sshrl.u32 s1, $0x2  }
0xba: {  	s3 =	sand.u32 $0x4000, s31;
	s1 =	sadd.s32 s1, s30  }
0xbb: {  	s0 =	sor.u32 s3, s0;
	s1 =	sshll.u32 s1, $0x11  }
0xbc: {  	s0 =	sor.u32 s1, s0  }
0xbd: {  	s0 =	sadd.s32 $0x8F2B, s0  }
0xbe: {  	[sflag:s0] =	ssyncadd.remote.s32 $0x1  }
0xbf: {  	_ =	sfence.sel $0xFFFF  }
0xc0: {  	[dreg:$0x0] =	wrdreg $0xFFFFFFFF;
	(pc) =	sbr.abs _section_cstart, $3  }
0xc1: {  	[dreg:$0x1] =	wrdreg $0xFFFFFFFF  }
0xc2: {  	_ =	task.clear_ibuf [dreg:s7], $0x2FFFF;
	_ =	strace $0x9FFFFFFF  }
0xc3: {  	(tm) =	ssettm $0x7FFFFFFF  }
tec
execute0_lowered:
.L_overlay_start_1:
0x0: {  	(tag) =	ssettag $0x1  }
0x1: {  	s1 =	rddreg [dreg:$0x0]  }
0x2: {  	s10 =	rddreg [dreg:$0x1]  }
0x3: {  	s3 =	rddreg [dreg:$0x2]  }
0x4: {  	s4 =	simm.s32 $0x0;
	s5 =	srdreg.scid;
	s0 =	stileid.u32  }
0x5: {  	s16 =	simm.s32 $0x1;
	s17 =	simm.s32 $0x13900;
	s18 =	simm.s32 $0x14D00  }
0x6: {  	s19 =	simm.s32 $0x2;
	s20 =	simm.s32 $0x80;
	s21 =	simm.s32 $0x16100  }
0x7: {  	s22 =	simm.s32 $0x13980;
	s23 =	simm.s32 $0x3;
	s24 =	simm.s32 $0x4  }
0x8: {  	s25 =	simm.s32 $0x16080;
	s26 =	simm.s32 $0x0;
	[smem:$0x7FF] =	sst s4  }
0x9: {  	s8 =	sand.u32 $0x1, s5;
	s31 =	sshll.u32 s0, $0x1;
	s13 =	smul.u32 $0x50000, s0  }
0xa: {  	s11 =	sadd.s32 $0x2A00, s10;
	s6 =	sadd.s32 $0x16A00, s10;
	s15 =	smul.u32 $0x14000, s0  }
0xb: {  	p0 =	seq.s32 s0, $0xF;
	s9 =	sor.u32 s8, s31;
	s14 =	smul.u32 $0x138800, s8  }
0xc: {  	s10 =	sadd.s32 $0xCA00, s10;
	s7 =	ssub.s32 $0x2, s8;
	s5 =	smul.u32 $0x500, s9  }
0xd: {  	_ =	strace $0x8000004D;
	s12 =	sshrl.u32 s7, $0x1;
	s9 =	smul.u32 $0x2800, s9  }
0xe: {  	s13 =	sshrl.u32 s13, $0x2;
	s12 =	ssub.s32 s7, s12;
	s7 =	simm.s32 $0x5  }
0xf: {  	s13 =	sadd.s32 s13, s3;
	s14 =	sadd.s32 s15, s14;
	s9 =	sshrl.u32 s9, $0x3  }
0x10: {  	s15 =	simm.s32 $0x1A100;
	s7 =	simm.s32 @!p0 $0x8;
	s9 =	sadd.s32 $0x280, s9  }
0x11: {  	v0 =	vimm.f32 $0.0e+00;
	s8 =	sadd.s32 s11, s5;
	s12 =	smax.u32 s12, $0x1;
	s11 =	sadd.s32 s11, s9  }
.LBB2_1:
0x12: {  	s28 =	simm.s32 $0x0;
	s29 =	simm.s32 $0x200  }
.LBB2_2:
0x13: {  	p0 =	sne.s32 s29, $0x9E00;
	[tilespmem:s28+$0x1A170] =	vst v0  }
0x14: {  	[tilespmem:s28+$0x1A100] =	vst v0  }
0x15: {  	[tilespmem:s28+$0x1A110] =	vst v0  }
.Ltmp0:
0x16: {  	[tilespmem:s28+$0x1A120] =	vst v0;
	(pc) =	sbr.rel @p0 .LBB2_2-.Ltmp0, $4  }
0x17: {  	[tilespmem:s28+$0x1A130] =	vst v0  }
0x18: {  	[tilespmem:s28+$0x1A140] =	vst v0  }
0x19: {  	[tilespmem:s28+$0x1A150] =	vst v0  }
0x1a: {  	[tilespmem:s28+$0x1A160] =	vst v0;
	s28 =	sshra.s32 s29, $0x2;
	s29 =	sadd.s32 $0x200, s29  }
0x1b: {  	[tilespmem:s28+$0x1A170] =	vst v0  }
0x1c: {  	[tilespmem:s28+$0x1A100] =	vst v0  }
0x1d: {  	[tilespmem:s28+$0x1A110] =	vst v0  }
0x1e: {  	[tilespmem:s28+$0x1A120] =	vst v0;
	p0 =	sne.s32 s7, $0x1  }
.Ltmp1:
0x1f: {  	[tilespmem:s28+$0x1A130] =	vst v0;
	(pc) =	sbr.rel @!p0 .LBB2_5-.Ltmp1, $4  }
0x20: {  	[tilespmem:s28+$0x1A140] =	vst v0  }
0x21: {  	[tilespmem:s28+$0x1A150] =	vst v0  }
0x22: {  	[tilespmem:s28+$0x1A160] =	vst v0;
	s28 =	sadd.s32 $0xFFFFFFFF, s7;
	s29 =	smov.u32 s13  }
0x23: {  	[spmem:s13] =	stream.linear.scatter [tilespmem:s15], [sflag:$0x1], $0x2800, $0x38;
	[tilespmem:$0x1E100] =	vst v63  }
.LBB2_4:
0x24: {  	p1 =	sne.s32 s28, $0x1  }
.Ltmp2:
0x25: {  	_ = 	snop;
	(pc) =	sbr.rel @p1 .LBB2_4-.Ltmp2, $3  }
0x26: {  	_ = 	snop  }
0x27: {  	s28 =	sadd.s32 $0xFFFFFFFF, s28;
	s29 =	sadd.s32 $0x2800, s29;
	_ =	sdelay $0x1  }
0x28: {  	[spmem:s29] =	stream.linear.scatter [tilespmem:s15], [sflag:$0x1], $0x2800, $0x38;
	[tilespmem:$0x1E100] =	vst v63  }
.LBB2_5:
.Ltmp3:
0x29: {  	(pc) =	sbr.rel @!p0 .LBB2_7-.Ltmp3, $3  }
0x2a: {  	_ =	sdelay $0x1  }
0x2b: {  	_ =	swait.ge [sflag:s16], $0x2800  }
0x2c: {  	s28 =	sadd.s32 $0xFFFFFFFF, s7;
	[sflag:s16] =	ssyncset.done $0x0  }
.LBB2_6:
0x2d: {  	p1 =	sne.s32 s28, $0x1;
	s28 =	sadd.s32 $0xFFFFFFFF, s28;
	[sflag:s16] =	ssyncadd.s32 $0xFFFFD800  }
.Ltmp4:
0x2e: {  	(pc) =	sbr.rel @p1 .LBB2_6-.Ltmp4, $3  }
0x2f: {  	_ =	sdelay $0x1  }
0x30: {  	_ =	swait.ge [sflag:s16], $0x2800  }
0x31: {  	[sflag:s16] =	ssyncset.done $0x0  }
.LBB2_7:
0x32: {  	[sflag:s16] =	ssyncadd.s32 $0xFFFFD800  }
0x33: {  	[bflag:$0x0] =	sbarrier.arrive $0xFFFF  }
0x34: {  	[tilespmem:s17], [sflag:$0x1] =	stream.linear.gather [hbm4b:s8+s4], $0x1400, $0x38;
	[tilespmem:$0x1E100] =	vst v63  }
0x35: {  	s28 =	sadd.s32 s5, s10  }
0x36: {  	[tilespmem:s18], [sflag:$0x2] =	stream.linear.gather [hbm4b:s28+s4], $0x1400, $0x38;
	[tilespmem:$0x1E100] =	vst v63  }
0x37: {  	_ =	swait.ge [sflag:s16], $0x1400  }
0x38: {  	[sflag:s16] =	ssyncset.done $0x0  }
0x39: {  	[sflag:s16] =	ssyncadd.s32 $0xFFFFEC00  }
0x3a: {  	_ =	swait.ge [sflag:s19], $0x1400  }
0x3b: {  	[sflag:s19] =	ssyncset.done $0x0  }
0x3c: {  	[sflag:s19] =	ssyncadd.s32 $0xFFFFEC00  }
0x3d: {  	[tilespmem:s21], [sflag:$0x1] =	stream.indirect.gather [hbm4b:s1+s20], $0x80, s17, s20, $0xb8;
	[tilespmem:$0x1E100] =	vst v63  }
0x3e: {  	_ = 	snop  }
0x3f: {  	[tilespmem:s15], [sflag:$0x2] =	stream.indirect.gather [hbm4b:s1+s20], $0x80, s22, s20, $0xb8;
	[tilespmem:$0x1E100] =	vst v63  }
0x40: {  	_ =	swait.ge [sflag:s16], $0x4000  }
0x41: {  	[sflag:s16] =	ssyncset.done $0x0  }
0x42: {  	[sflag:s16] =	ssyncadd.s32 $0xFFFFC000  }
0x43: {  	[spmem:s3] =	stream.indirect.scatter.add.f32 [tilespmem:s21], [sflag:$0x3], $0x80, s18, s20, $0xb8;
	[tilespmem:$0x1E100] =	vst v63  }
0x44: {  	_ =	swait.ge [sflag:s19], $0x4000  }
0x45: {  	[sflag:s19] =	ssyncset.done $0x0  }
0x46: {  	[sflag:s19] =	ssyncadd.s32 $0xFFFFC000  }
0x47: {  	_ =	swait.ge [sflag:s23], $0x4000  }
0x48: {  	[sflag:s23] =	ssyncset.done $0x0  }
0x49: {  	s28 =	simm.s32 $0x13A00;
	[sflag:s23] =	ssyncadd.s32 $0xFFFFC000  }
0x4a: {  	[tilespmem:s21], [sflag:$0x1] =	stream.indirect.gather [hbm4b:s1+s20], $0x80, s28, s20, $0xb8;
	[tilespmem:$0x1E100] =	vst v63  }
0x4b: {  	s28 =	simm.s32 $0x14D80  }
0x4c: {  	[spmem:s3] =	stream.indirect.scatter.add.f32 [tilespmem:s15], [sflag:$0x4], $0x80, s28, s20, $0xb8;
	[tilespmem:$0x1E100] =	vst v63  }
0x4d: {  	_ =	swait.ge [sflag:s16], $0x4000  }
0x4e: {  	[sflag:s16] =	ssyncset.done $0x0  }
0x4f: {  	[sflag:s16] =	ssyncadd.s32 $0xFFFFC000  }
0x50: {  	_ =	swait.ge [sflag:s24], $0x4000  }
0x51: {  	[sflag:s24] =	ssyncset.done $0x0  }
0x52: {  	s28 =	simm.s32 $0x13A80;
	[sflag:s24] =	ssyncadd.s32 $0xFFFFC000  }
0x53: {  	[tilespmem:s15], [sflag:$0x2] =	stream.indirect.gather [hbm4b:s1+s20], $0x80, s28, s20, $0xb8;
	[tilespmem:$0x1E100] =	vst v63  }
0x54: {  	s29 =	simm.s32 $0x14E00;
	s28 =	simm.s32 $0xFFFFB800  }
.LBB2_8:
0x55: {  	[spmem:s3] =	stream.indirect.scatter.add.f32 [tilespmem:s21], [sflag:$0x3], $0x80, s29, s20, $0xb8;
	[tilespmem:$0x1E100] =	vst v63  }
0x56: {  	s29 =	smov.u32 s28  }
0x57: {  	p1 =	sne.s32 s28, $0xFFFFFC00;
	s28 =	sadd.s32 $0x400, s28;
	_ =	swait.ge [sflag:s19], $0x4000  }
0x58: {  	[sflag:s19] =	ssyncset.done $0x0  }
0x59: {  	[sflag:s19] =	ssyncadd.s32 $0xFFFFC000  }
0x5a: {  	_ =	swait.ge [sflag:s23], $0x4000  }
0x5b: {  	s29 =	sshra.s32 s29, $0x2;
	[sflag:s23] =	ssyncset.done $0x0  }
0x5c: {  	s30 =	sadd.s32 $0x14D00, s29;
	[sflag:s23] =	ssyncadd.s32 $0xFFFFC000  }
0x5d: {  	[tilespmem:s21], [sflag:$0x1] =	stream.indirect.gather [hbm4b:s1+s20], $0x80, s30, s20, $0xb8;
	[tilespmem:$0x1E100] =	vst v63  }
0x5e: {  	s30 =	sadd.s32 $0x16080, s29  }
0x5f: {  	[spmem:s3] =	stream.indirect.scatter.add.f32 [tilespmem:s15], [sflag:$0x4], $0x80, s30, s20, $0xb8;
	[tilespmem:$0x1E100] =	vst v63  }
0x60: {  	_ =	swait.ge [sflag:s16], $0x4000  }
0x61: {  	[sflag:s16] =	ssyncset.done $0x0  }
0x62: {  	[sflag:s16] =	ssyncadd.s32 $0xFFFFC000  }
.Ltmp5:
0x63: {  	_ =	swait.ge [sflag:s24], $0x4000;
	(pc) =	sbr.rel @p1 .LBB2_8-.Ltmp5, $4  }
0x64: {  	[sflag:s24] =	ssyncset.done $0x0  }
0x65: {  	s30 =	sadd.s32 $0x14D80, s29;
	[sflag:s24] =	ssyncadd.s32 $0xFFFFC000  }
0x66: {  	[tilespmem:s15], [sflag:$0x2] =	stream.indirect.gather [hbm4b:s1+s20], $0x80, s30, s20, $0xb8;
	[tilespmem:$0x1E100] =	vst v63  }
0x67: {  	s29 =	sadd.s32 $0x16100, s29  }
0x68: {  	[spmem:s3] =	stream.indirect.scatter.add.f32 [tilespmem:s21], [sflag:$0x3], $0x80, s29, s20, $0xb8;
	[tilespmem:$0x1E100] =	vst v63  }
0x69: {  	_ =	swait.ge [sflag:s19], $0x4000  }
0x6a: {  	[sflag:s19] =	ssyncset.done $0x0  }
0x6b: {  	[sflag:s19] =	ssyncadd.s32 $0xFFFFC000  }
0x6c: {  	_ =	swait.ge [sflag:s23], $0x4000  }
0x6d: {  	[sflag:s23] =	ssyncset.done $0x0  }
0x6e: {  	[sflag:s23] =	ssyncadd.s32 $0xFFFFC000  }
0x6f: {  	[spmem:s3] =	stream.indirect.scatter.add.f32 [tilespmem:s15], [sflag:$0x4], $0x80, s25, s20, $0xb8;
	[tilespmem:$0x1E100] =	vst v63  }
0x70: {  	_ =	swait.ge [sflag:s24], $0x4000  }
0x71: {  	[sflag:s24] =	ssyncset.done $0x0  }
0x72: {  	[sflag:s24] =	ssyncadd.s32 $0xFFFFC000  }
0x73: {  	[tilespmem:s17], [sflag:$0x1] =	stream.linear.gather [hbm4b:s11+s4], $0x1400, $0x38;
	[tilespmem:$0x1E100] =	vst v63  }
0x74: {  	s28 =	sadd.s32 s9, s10  }
0x75: {  	[tilespmem:s18], [sflag:$0x2] =	stream.linear.gather [hbm4b:s28+s4], $0x1400, $0x38;
	[tilespmem:$0x1E100] =	vst v63  }
0x76: {  	_ =	swait.ge [sflag:s16], $0x1400  }
0x77: {  	[sflag:s16] =	ssyncset.done $0x0  }
0x78: {  	[sflag:s16] =	ssyncadd.s32 $0xFFFFEC00  }
0x79: {  	_ =	swait.ge [sflag:s19], $0x1400  }
0x7a: {  	[sflag:s19] =	ssyncset.done $0x0  }
0x7b: {  	[sflag:s19] =	ssyncadd.s32 $0xFFFFEC00  }
0x7c: {  	[tilespmem:s21], [sflag:$0x1] =	stream.indirect.gather [hbm4b:s1+s20], $0x80, s17, s20, $0xb8;
	[tilespmem:$0x1E100] =	vst v63  }
0x7d: {  	_ = 	snop  }
0x7e: {  	[tilespmem:s15], [sflag:$0x2] =	stream.indirect.gather [hbm4b:s1+s20], $0x80, s22, s20, $0xb8;
	[tilespmem:$0x1E100] =	vst v63  }
0x7f: {  	_ =	swait.ge [sflag:s16], $0x4000  }
0x80: {  	[sflag:s16] =	ssyncset.done $0x0  }
0x81: {  	[sflag:s16] =	ssyncadd.s32 $0xFFFFC000  }
0x82: {  	[spmem:s3] =	stream.indirect.scatter.add.f32 [tilespmem:s21], [sflag:$0x3], $0x80, s18, s20, $0xb8;
	[tilespmem:$0x1E100] =	vst v63  }
0x83: {  	_ =	swait.ge [sflag:s19], $0x4000  }
0x84: {  	[sflag:s19] =	ssyncset.done $0x0  }
0x85: {  	[sflag:s19] =	ssyncadd.s32 $0xFFFFC000  }
0x86: {  	_ =	swait.ge [sflag:s23], $0x4000  }
0x87: {  	[sflag:s23] =	ssyncset.done $0x0  }
0x88: {  	s28 =	simm.s32 $0x13A00;
	[sflag:s23] =	ssyncadd.s32 $0xFFFFC000  }
0x89: {  	[tilespmem:s21], [sflag:$0x1] =	stream.indirect.gather [hbm4b:s1+s20], $0x80, s28, s20, $0xb8;
	[tilespmem:$0x1E100] =	vst v63  }
0x8a: {  	s28 =	simm.s32 $0x14D80  }
0x8b: {  	[spmem:s3] =	stream.indirect.scatter.add.f32 [tilespmem:s15], [sflag:$0x4], $0x80, s28, s20, $0xb8;
	[tilespmem:$0x1E100] =	vst v63  }
0x8c: {  	_ =	swait.ge [sflag:s16], $0x4000  }
0x8d: {  	[sflag:s16] =	ssyncset.done $0x0  }
0x8e: {  	[sflag:s16] =	ssyncadd.s32 $0xFFFFC000  }
0x8f: {  	_ =	swait.ge [sflag:s24], $0x4000  }
0x90: {  	[sflag:s24] =	ssyncset.done $0x0  }
0x91: {  	s28 =	simm.s32 $0x13A80;
	[sflag:s24] =	ssyncadd.s32 $0xFFFFC000  }
0x92: {  	[tilespmem:s15], [sflag:$0x2] =	stream.indirect.gather [hbm4b:s1+s20], $0x80, s28, s20, $0xb8;
	[tilespmem:$0x1E100] =	vst v63  }
0x93: {  	s29 =	simm.s32 $0x14E00;
	s28 =	simm.s32 $0xFFFFB800  }
.LBB2_10:
0x94: {  	[spmem:s3] =	stream.indirect.scatter.add.f32 [tilespmem:s21], [sflag:$0x3], $0x80, s29, s20, $0xb8;
	[tilespmem:$0x1E100] =	vst v63  }
0x95: {  	s29 =	smov.u32 s28  }
0x96: {  	p1 =	sne.s32 s28, $0xFFFFFC00;
	s28 =	sadd.s32 $0x400, s28;
	_ =	swait.ge [sflag:s19], $0x4000  }
0x97: {  	[sflag:s19] =	ssyncset.done $0x0  }
0x98: {  	[sflag:s19] =	ssyncadd.s32 $0xFFFFC000  }
0x99: {  	_ =	swait.ge [sflag:s23], $0x4000  }
0x9a: {  	s29 =	sshra.s32 s29, $0x2;
	[sflag:s23] =	ssyncset.done $0x0  }
0x9b: {  	s30 =	sadd.s32 $0x14D00, s29;
	[sflag:s23] =	ssyncadd.s32 $0xFFFFC000  }
0x9c: {  	[tilespmem:s21], [sflag:$0x1] =	stream.indirect.gather [hbm4b:s1+s20], $0x80, s30, s20, $0xb8;
	[tilespmem:$0x1E100] =	vst v63  }
0x9d: {  	s30 =	sadd.s32 $0x16080, s29  }
0x9e: {  	[spmem:s3] =	stream.indirect.scatter.add.f32 [tilespmem:s15], [sflag:$0x4], $0x80, s30, s20, $0xb8;
	[tilespmem:$0x1E100] =	vst v63  }
0x9f: {  	_ =	swait.ge [sflag:s16], $0x4000  }
0xa0: {  	[sflag:s16] =	ssyncset.done $0x0  }
0xa1: {  	[sflag:s16] =	ssyncadd.s32 $0xFFFFC000  }
.Ltmp6:
0xa2: {  	_ =	swait.ge [sflag:s24], $0x4000;
	(pc) =	sbr.rel @p1 .LBB2_10-.Ltmp6, $4  }
0xa3: {  	[sflag:s24] =	ssyncset.done $0x0  }
0xa4: {  	s30 =	sadd.s32 $0x14D80, s29;
	[sflag:s24] =	ssyncadd.s32 $0xFFFFC000  }
0xa5: {  	[tilespmem:s15], [sflag:$0x2] =	stream.indirect.gather [hbm4b:s1+s20], $0x80, s30, s20, $0xb8;
	[tilespmem:$0x1E100] =	vst v63  }
0xa6: {  	s29 =	sadd.s32 $0x16100, s29  }
0xa7: {  	[spmem:s3] =	stream.indirect.scatter.add.f32 [tilespmem:s21], [sflag:$0x3], $0x80, s29, s20, $0xb8;
	[tilespmem:$0x1E100] =	vst v63  }
0xa8: {  	_ =	swait.ge [sflag:s19], $0x4000  }
0xa9: {  	[sflag:s19] =	ssyncset.done $0x0  }
0xaa: {  	[sflag:s19] =	ssyncadd.s32 $0xFFFFC000  }
0xab: {  	_ =	swait.ge [sflag:s23], $0x4000  }
0xac: {  	[sflag:s23] =	ssyncset.done $0x0  }
0xad: {  	[sflag:s23] =	ssyncadd.s32 $0xFFFFC000  }
0xae: {  	[spmem:s3] =	stream.indirect.scatter.add.f32 [tilespmem:s15], [sflag:$0x4], $0x80, s25, s20, $0xb8;
	[tilespmem:$0x1E100] =	vst v63  }
0xaf: {  	s0 =	stileid.u32;
	_ =	swait.ge [sflag:s24], $0x4000  }
.Ltmp7:
0xb0: {  	s29 =	sshrl.u32 s14, $0x3;
	[sflag:s24] =	ssyncset.done $0x0;
	(pc) =	sbr.rel @!p0 .LBB2_13-.Ltmp7, $4  }
0xb1: {  	s30 =	sshrl.u32 s13, $0x3;
	s28 =	sshll.u32 s0, $0x6;
	[sflag:s24] =	ssyncadd.s32 $0xFFFFC000  }
0xb2: {  	s29 =	sadd.s32 s6, s29;
	s28 =	sor.u32 $0x1C01, s28;
	[bflag:$0x0] =	sbarrier.arrive $0xFFFF  }
0xb3: {  	[hbm:s29], [sflag:s28] =	dma.local [spmem:s30], $0x500  }
0xb4: {  	s31 =	smov.u32 s13;
	s29 =	sadd.s32 $0xFFFFFFFF, s7;
	s30 =	smov.u32 s14  }
.LBB2_12:
0xb5: {  	p1 =	sne.s32 s29, $0x1  }
.Ltmp8:
0xb6: {  	_ = 	snop;
	(pc) =	sbr.rel @p1 .LBB2_12-.Ltmp8, $4  }
0xb7: {  	s30 =	sadd.s32 $0x2800, s30  }
0xb8: {  	s31 =	sadd.s32 $0x2800, s31;
	s0 =	sshrl.u32 s30, $0x3  }
0xb9: {  	s29 =	sadd.s32 $0xFFFFFFFF, s29;
	s2 =	sshrl.u32 s31, $0x3;
	s0 =	sadd.s32 s6, s0  }
0xba: {  	[hbm:s0], [sflag:s28] =	dma.local [spmem:s2], $0x500  }
.LBB2_13:
.Ltmp9:
0xbb: {  	(pc) =	sbr.rel @!p0 .LBB2_15-.Ltmp9, $3  }
0xbc: {  	_ =	sdelay $0x1  }
0xbd: {  	_ =	swait.ge [sflag:s16], $0x500  }
0xbe: {  	s28 =	sadd.s32 $0xFFFFFFFF, s7;
	[sflag:s16] =	ssyncset.done $0x0  }
.LBB2_14:
0xbf: {  	p0 =	sne.s32 s28, $0x1;
	s28 =	sadd.s32 $0xFFFFFFFF, s28;
	[sflag:s16] =	ssyncadd.s32 $0xFFFFFB00  }
.Ltmp10:
0xc0: {  	(pc) =	sbr.rel @p0 .LBB2_14-.Ltmp10, $3  }
0xc1: {  	_ =	sdelay $0x1  }
0xc2: {  	_ =	swait.ge [sflag:s16], $0x500  }
0xc3: {  	[sflag:s16] =	ssyncset.done $0x0  }
.LBB2_15:
0xc4: {  	s26 =	sadd.s32 $0x1, s26  }
0xc5: {  	p0 =	sne.s32 s26, s12  }
.Ltmp11:
0xc6: {  	_ = 	snop;
	(pc) =	sbr.rel @p0 .LBB2_1-.Ltmp11, $2  }
0xc7: {  	_ =	sdelay $0x2  }
0xc8: {  	[sflag:s16] =	ssyncadd.s32 $0xFFFFFB00  }
0xc9: {  	_ =	sfence.sel $0x180000  }
0xca: {  	[bflag:$0x0] =	sbarrier.arrive $0xFFFF  }
0xcb: {  	_ =	strace $0x9000004D  }
0xcc: {  	s0 =	stileid.u32;
	[bflag:$0x2] =	sbarrier.arrive $0xFFFF  }
0xcd: {  	p0 =	sne.s32 s0, $0x0;
	s0 =	rddreg [dreg:$0x3]  }
0xce: {  	s0 =	sadd.s32 @!p0 $0x100000, s0  }
0xcf: {  	[sflag:s0] =	ssyncadd.tile.s32 @!p0 $0x1;
	_ =	shalt  }
.Lfunc_end2:
_tile_overlayer_lowered:
.L_overlay_start_2:
0xd0: {  	(tag) =	ssettag $0x2  }
0xd1: {  	s0 =	rddreg [dreg:$0x0];
	s2 =	stileid.u32  }
0xd2: {  	s1 =	rddreg [dreg:$0x1];
	p0 =	sne.s32 s2, $0x0  }
0xd3: {  	s3 =	rddreg [dreg:$0x2];
	[bflag:$0x3] =	sbarrier.arrive $0xFFFF;
	s2 =	simm.s32 @!p0 $0x1C05  }
0xd4: {  	[timem:s3], [sflag:s2] =	dma.local @!p0 [hbm:s0], s1  }
0xd5: {  	s0 =	simm.s32 @!p0 $0x5  }
0xd6: {  	_ =	swait.ge @!p0 [sflag:s0], s1  }
0xd7: {  	s1 =	ssub.s32 @!p0 $0x0, s1;
	[sflag:s0] =	ssyncset.done @!p0 $0x0  }
0xd8: {  	[sflag:s0] =	ssyncadd.s32 @!p0 s1  }
0xd9: {  	[bflag:$0x3] =	sbarrier.arrive $0xFFFF  }
0xda: {  	_ =	shalt  }

// kernel: kernel.8.cloned.1.call-start
scs
__scs_entry_jumppad:
0x0: {  	(pc) =	sbr.rel $0x88, $3  }
0x1: {  	(tag) =	ssettag $0x0;
	lr =	simm.s32 $0x1  }
0x2: {  	[smem:$0x3F99] =	sst lr;
	_ =	strace $0xD0000000  }
0x3: {  	_ = 	snop  }
0x4: {  	_ = 	snop  }
0x5: {  	_ = 	snop  }
0x6: {  	_ = 	snop  }
0x7: {  	_ = 	snop  }
__scs_overlays_trampoline_lowered:
0x8: {  	[smem:$0x3FA8] =	sst s0  }
0x9: {  	[smem:$0x3FA9] =	sst s1  }
0xa: {  	[smem:$0x3FAA] =	sst s2  }
0xb: {  	[smem:$0x3FAB] =	sst s3  }
0xc: {  	[smem:$0x3FAC] =	sst s4  }
0xd: {  	[smem:$0x3FAD] =	sst s5  }
0xe: {  	[smem:$0x3FAE] =	sst s6  }
0xf: {  	[smem:$0x3FAF] =	sst s7  }
0x10: {  	[smem:$0x3FB0] =	sst s8  }
0x11: {  	[smem:$0x3FB1] =	sst s9;
	s0 =	simm.s32 @!p0 $0x0  }
0x12: {  	s1 =	sld [smem:$0x3F97];
	s0 =	simm.s32 @p0 $0x1  }
0x13: {  	[smem:$0x3FB2] =	sst s0;
	s0 =	simm.s32 @!p1 $0x0  }
0x14: {  	s2 =	sld [smem:$0x3F96];
	s0 =	simm.s32 @p1 $0x1  }
0x15: {  	[smem:$0x3FB3] =	sst s0;
	s0 =	simm.s32 @!p2 $0x0  }
0x16: {  	s3 =	sld [smem:$0x3FDB];
	s0 =	simm.s32 @p2 $0x1  }
0x17: {  	s4 =	simm.s32 $0x1BF5;
	[smem:$0x3FB5] =	sst s0  }
0x18: {  	s0 =	sld [smem:$0x3F98];
	_ =	swait.ge [sflag:s4], $0x0  }
0x19: {  	s7 =	sld [smem:$0x3F99]  }
0x1a: {  	s8 =	sadd.s32 $0xFFFFE003, lr  }
0x1b: {  	s9 =	sadd.s32 $0xFFFFFEF7, lr;
	s5 =	simm.s32 $0xFFFFFFFF;
	p2 =	slt.u32 s8, $0xFFFFF086  }
0x1c: {  	p1 =	slt.u32 s9, $0xF7A;
	s5 =	simm.s32 @!p2 $0x0  }
0x1d: {  	s5 =	simm.s32 @p1 $0x1;
	p0 =	seq.s32 s7, s2  }
0x1e: {  	s7 =	smul.u32 @!p0 $0xF7A, s2;
	p2 =	seq.s32 @!p0 s5, $0x0  }
0x1f: {  	s9 =	smul.u32 $0xF7A, s1;
	s8 =	simm.s32 @!p0 $0x1BF5;
	p2 =	por !p2, p0  }
0x20: {  	[sflag:s8] =	ssyncset.s32 @!p0 $0xFFFFF086;
	s6 =	sadd.s32 @!p0 s3, s7;
	s7 =	simm.s32 @!p0 $0x108  }
0x21: {  	s3 =	sadd.s32 s3, s9;
	s6 =	sadd.s32 @!p0 $0x88, s6;
	s7 =	simm.s32 @p2 $0x1082  }
0x22: {  	[simem:s7], [sflag:s8] =	dma.local @!p0 [hbm:s6], $0xF7A  }
0x23: {  	s9 =	sor.u32 $0xD0000000, s2;
	s6 =	simm.s32 $0x108;
	_ =	swait.ge @!p0 [sflag:s8], $0x0  }
0x24: {  	s3 =	sadd.s32 $0x88, s3;
	s6 =	simm.s32 @!p1 $0x1082;
	[sflag:s4] =	ssyncset.s32 $0xFFFFF086  }
0x25: {  	[simem:s6], [sflag:s4] =	dma.local [hbm:s3], $0xF7A  }
0x26: {  	[smem:$0x3F99] =	sst s1;
	(tag) =	ssettag s2;
	_ =	strace s9  }
0x27: {  	s1 =	sld [smem:$0x3FA9]  }
0x28: {  	s2 =	sld [smem:$0x3FAA]  }
0x29: {  	s4 =	sld [smem:$0x3FAC]  }
0x2a: {  	p0 =	seq.s32 s5, $0x0;
	s5 =	sld [smem:$0x3FAD]  }
0x2b: {  	s6 =	sld [smem:$0x3FAE]  }
0x2c: {  	s7 =	sld [smem:$0x3FAF]  }
0x2d: {  	s3 =	simm.s32 $0x108;
	s8 =	sld [smem:$0x3FB0]  }
0x2e: {  	s3 =	simm.s32 @!p0 $0x1082;
	s9 =	sld [smem:$0x3FB1]  }
0x2f: {  	lr =	sadd.s32 s0, s3;
	s0 =	sld [smem:$0x3FA8]  }
0x30: {  	s3 =	sld [smem:$0x3FAB]  }
0x31: {  	[smem:$0x3FB4] =	sst s10  }
0x32: {  	s10 =	sld [smem:$0x3FB2];
	_ =	sdelay $0x3  }
0x33: {  	p0 =	seq.s32 s10, $0x1;
	s10 =	sld [smem:$0x3FB4];
	_ =	sdelay $0x3  }
0x34: {  	[smem:$0x3FB4] =	sst s10  }
0x35: {  	s10 =	sld [smem:$0x3FB3];
	_ =	sdelay $0x3  }
0x36: {  	p1 =	seq.s32 s10, $0x1;
	s10 =	sld [smem:$0x3FB4];
	_ =	sdelay $0x3  }
0x37: {  	[smem:$0x3FB4] =	sst s10  }
0x38: {  	s10 =	sld [smem:$0x3FB5]  }
0x39: {  	_ = 	snop;
	(pc) =	sbr.ind lr, $3  }
0x3a: {  	_ = 	snop  }
0x3b: {  	_ = 	snop  }
0x3c: {  	p2 =	seq.s32 s10, $0x1;
	s10 =	sld [smem:$0x3FB4]  }
0x3d: {  	_ =	shalt  }
0x3e: {  	_ =	shalt  }
0x3f: {  	_ =	shalt  }
0x40: {  	_ =	shalt  }
0x41: {  	_ =	shalt  }
0x42: {  	_ =	shalt  }
0x43: {  	_ =	shalt  }
0x44: {  	_ =	shalt  }
0x45: {  	_ =	shalt  }
0x46: {  	_ =	shalt  }
0x47: {  	_ =	shalt  }
0x48: {  	_ =	shalt  }
0x49: {  	_ =	shalt  }
0x4a: {  	_ =	shalt  }
0x4b: {  	_ =	shalt  }
0x4c: {  	_ =	shalt  }
0x4d: {  	_ =	shalt  }
0x4e: {  	_ =	shalt  }
0x4f: {  	_ =	shalt  }
0x50: {  	_ =	shalt  }
0x51: {  	_ =	shalt  }
0x52: {  	_ =	shalt  }
0x53: {  	_ =	shalt  }
0x54: {  	_ =	shalt  }
0x55: {  	_ =	shalt  }
0x56: {  	_ =	shalt  }
0x57: {  	_ =	shalt  }
0x58: {  	_ =	shalt  }
0x59: {  	_ =	shalt  }
0x5a: {  	_ =	shalt  }
0x5b: {  	_ =	shalt  }
0x5c: {  	_ =	shalt  }
0x5d: {  	_ =	shalt  }
0x5e: {  	_ =	shalt  }
0x5f: {  	_ =	shalt  }
0x60: {  	_ =	shalt  }
0x61: {  	_ =	shalt  }
0x62: {  	_ =	shalt  }
0x63: {  	_ =	shalt  }
0x64: {  	_ =	shalt  }
0x65: {  	_ =	shalt  }
0x66: {  	_ =	shalt  }
0x67: {  	_ =	shalt  }
0x68: {  	_ =	shalt  }
0x69: {  	_ =	shalt  }
0x6a: {  	_ =	shalt  }
0x6b: {  	_ =	shalt  }
0x6c: {  	_ =	shalt  }
0x6d: {  	_ =	shalt  }
0x6e: {  	_ =	shalt  }
0x6f: {  	_ =	shalt  }
0x70: {  	_ =	shalt  }
0x71: {  	_ =	shalt  }
0x72: {  	_ =	shalt  }
0x73: {  	_ =	shalt  }
0x74: {  	_ =	shalt  }
0x75: {  	_ =	shalt  }
0x76: {  	_ =	shalt  }
0x77: {  	_ =	shalt  }
0x78: {  	_ =	shalt  }
0x79: {  	_ =	shalt  }
0x7a: {  	_ =	shalt  }
0x7b: {  	_ =	shalt  }
0x7c: {  	_ =	shalt  }
0x7d: {  	_ =	shalt  }
0x7e: {  	_ =	shalt  }
0x7f: {  	_ =	shalt  }
0x80: {  	_ =	shalt  }
0x81: {  	_ =	shalt  }
0x82: {  	_ =	shalt  }
0x83: {  	_ =	shalt  }
0x84: {  	_ =	shalt  }
0x85: {  	_ =	shalt  }
0x86: {  	_ =	shalt  }
0x87: {  	_ =	shalt  }
.Lfunc_end0:
.L_simem_size_0:
called_computation_lowered:
.L_overlay_start_0:
0x88: {  	s2 =	sld [smem:$0x3FD9]  }
0x89: {  	s3 =	sld [smem:$0x3FFE];
	_ =	sdelay $0x1  }
0x8a: {  	s1 =	srdreg.scid  }
0x8b: {  	s0 =	sand.u32 $0x1, s1  }
0x8c: {  	s17 =	sshll.u32 s0, $0xA;
	s2 =	sadd.s32 s3, s2  }
0x8d: {  	s2 =	sadd.s32 s2, s17  }
0x8e: {  	[smem:$0x3FC0] =	sst s2  }
0x8f: {  	_ = 	snop  }
0x90: {  	s2 =	sld [smem:$0x3FD0];
	(tm) =	ssettm $0x1  }
0x91: {  	s18 =	sld [smem:$0x3FFB];
	_ =	sdelay $0x3  }
0x92: {  	_ =	strace s18  }
0x93: {  	s3 =	sld [smem:$0x3FFC];
	_ =	sdelay $0x3  }
0x94: {  	_ =	strace s3  }
0x95: {  	s3 =	sld [smem:$0x3FFD];
	_ =	sdelay $0x3  }
0x96: {  	_ =	strace s3  }
0x97: {  	_ =	strace $0x8FFFFFFF  }
0x98: {  	s19 =	sld [smem:$0x3FDB];
	_ =	sdelay $0x1  }
0x99: {  	s4 =	simm.s32 $_scs_section_size  }
0x9a: {  	s5 =	simm.s32 $_size__tile_overlayer_lowered;
	s6 =	simm.s32 $_tile_overlayer_lowered  }
0x9b: {  	s22 =	simm.s32 $0x1BFF;
	s21 =	sshll.u32 s6, $0x1;
	s3 =	sadd.s32 s4, s19  }
0x9c: {  	s7 =	simm.s32 $0x0;
	s20 =	sshll.u32 s5, $0x1;
	s5 =	sadd.s32 s21, s3  }
0x9d: {  	[timem:s7], [sflag:s22] =	dma.local [hbm:s5], s20  }
0x9e: {  	_ =	swait.ge [sflag:s22], s20  }
0x9f: {  	s4 =	ssub.s32 $0x0, s20;
	[sflag:s22] =	ssyncset.done $0x0  }
0xa0: {  	[sflag:s22] =	ssyncadd.s32 s4;
	_ =	sdelay $0x1  }
0xa1: {  	s23 =	simm.s32 $0x1B8B  }
0xa2: {  	_ =	swait.ge [sflag:s23], $0x1  }
0xa3: {  	[sflag:s23] =	ssyncset.done $0x0  }
0xa4: {  	s25 =	simm.s32 $0x1B8E;
	s24 =	sld [smem:$0x3FFE];
	[sflag:s23] =	ssyncadd.s32 $0xFFFFFFFF  }
0xa5: {  	s26 =	simm.s32 $execute0_lowered;
	[smem:$0x3FD2] =	sst s25  }
0xa6: {  	s5 =	sshll.u32 s26, $0x1;
	_ =	strace $0x80000046;
	[dreg:$0x1] =	wrdreg $0xFFFFFFFF  }
0xa7: {  	s28 =	simm.s32 $_size_execute0_lowered;
	s3 =	sadd.s32 s3, s5;
	[dreg:$0x0] =	wrdreg $0x0  }
0xa8: {  	s5 =	sshll.u32 s28, $0x1;
	[dreg:$0x2] =	wrdreg s3  }
0xa9: {  	[dreg:$0x3] =	wrdreg s5  }
0xaa: {  	[dreg:$0x4] =	wrdreg $0xC0  }
0xab: {  	_ =	task [dreg:s7], $0x5FFFF  }
0xac: {  	[dreg:$0x1] =	wrdreg $0xFFFFFFFF  }
0xad: {  	[dreg:$0x0] =	wrdreg $0x60  }
0xae: {  	[dreg:$0x2] =	wrdreg s24  }
0xaf: {  	[dreg:$0x3] =	wrdreg s2  }
0xb0: {  	[dreg:$0x4] =	wrdreg $0x0  }
0xb1: {  	[dreg:$0x5] =	wrdreg $0x9  }
0xb2: {  	_ =	task.clear_ibuf [dreg:s7], $0x6FFFF;
	_ =	strace $0x90000046  }
0xb3: {  	s29 =	simm.s32 $0x9;
	_ =	strace $0x80000048  }
0xb4: {  	_ =	swait.ge [sflag:s29], $0x1  }
0xb5: {  	[sflag:s29] =	ssyncadd.s32 $0xFFFFFFFF  }
0xb6: {  	_ =	strace $0x90000048  }
0xb7: {  	_ =	sfence  }
0xb8: {  	s30 =	sld [smem:$0x0];
	_ =	sdelay $0x2  }
0xb9: {  	s31 =	sshll.u32 s1, $0xD;
	s1 =	sshrl.u32 s1, $0x2  }
0xba: {  	s3 =	sand.u32 $0x4000, s31;
	s1 =	sadd.s32 s1, s30  }
0xbb: {  	s0 =	sor.u32 s3, s0;
	s1 =	sshll.u32 s1, $0x11  }
0xbc: {  	s0 =	sor.u32 s1, s0  }
0xbd: {  	s0 =	sadd.s32 $0x8F2B, s0  }
0xbe: {  	[sflag:s0] =	ssyncadd.remote.s32 $0x1  }
0xbf: {  	_ =	sfence.sel $0xFFFF  }
0xc0: {  	[dreg:$0x0] =	wrdreg $0xFFFFFFFF;
	(pc) =	sbr.abs _section_cstart, $3  }
0xc1: {  	[dreg:$0x1] =	wrdreg $0xFFFFFFFF  }
0xc2: {  	_ =	task.clear_ibuf [dreg:s7], $0x2FFFF;
	_ =	strace $0x9FFFFFFF  }
0xc3: {  	(tm) =	ssettm $0x7FFFFFFF  }
tec
execute0_lowered:
.L_overlay_start_1:
0x0: {  	(tag) =	ssettag $0x1  }
0x1: {  	s5 =	rddreg [dreg:$0x0]  }
0x2: {  	s6 =	rddreg [dreg:$0x1]  }
0x3: {  	s2 =	rddreg [dreg:$0x2]  }
0x4: {  	s0 =	rddreg [dreg:$0x3];
	s4 =	srdreg.scid  }
0x5: {  	s1 =	stileid.u32;
	s3 =	simm.s32 $0x0;
	s11 =	simm.s32 $0x80  }
0x6: {  	s12 =	simm.s32 $0x2A80;
	s13 =	simm.s32 $0x1;
	s16 =	simm.s32 $0x0  }
0x7: {  	s4 =	sand.u32 $0x1, s4;
	s7 =	smul.u32 $0x280, s1;
	[smem:$0x7FF] =	sst s3  }
0x8: {  	s29 =	sshll.u32 s1, $0x1;
	s31 =	sadd.s32 $0xCA00, s5;
	s8 =	ssub.s32 $0x2, s4  }
0x9: {  	s14 =	sshll.u32 s1, $0x6;
	s9 =	smul.u32 $0x2800, s4;
	s10 =	sshrl.u32 s8, $0x1  }
0xa: {  	_ =	strace $0x80000047;
	s14 =	sor.u32 $0x1C02, s14;
	s8 =	ssub.s32 s8, s10  }
0xb: {  	s9 =	sadd.s32 s7, s9;
	s10 =	sor.u32 s4, s29;
	s4 =	sadd.s32 s7, s2  }
0xc: {  	s7 =	simm.s32 $0x2B00;
	s30 =	sshrl.u32 s9, $0x3;
	s10 =	smul.u32 $0x500, s10  }
0xd: {  	s15 =	sshrl.u32 s4, $0x3;
	s5 =	sadd.s32 s6, s30;
	s6 =	smax.u32 s8, $0x1  }
0xe: {  	v0 =	vimm.f32 $1.000000000e+00;
	v1 =	vimm.f32 $0.0e+00;
	s8 =	simm.s32 $0x2;
	s9 =	sadd.s32 s10, s31;
	s10 =	simm.s32 $0x280  }
.LBB2_1:
0xf: {  	[tilespmem:$0x2A80] =	vst v0  }
0x10: {  	[tilespmem:$0x2A90] =	vst v0  }
0x11: {  	[tilespmem:$0x2AA0] =	vst v0  }
0x12: {  	[tilespmem:$0x2AB0] =	vst v0  }
0x13: {  	[tilespmem:$0x2AC0] =	vst v0  }
0x14: {  	[tilespmem:$0x2AD0] =	vst v0  }
0x15: {  	[tilespmem:$0x2AE0] =	vst v0  }
0x16: {  	[tilespmem:$0x2AF0] =	vst v0  }
0x17: {  	[tilespmem:$0x2B00] =	vst v1  }
0x18: {  	[tilespmem:$0x2B10] =	vst v1  }
0x19: {  	[tilespmem:$0x2B20] =	vst v1  }
0x1a: {  	[tilespmem:$0x2B30] =	vst v1  }
0x1b: {  	[tilespmem:$0x2B40] =	vst v1  }
0x1c: {  	[tilespmem:$0x2B50] =	vst v1  }
0x1d: {  	[tilespmem:$0x2B60] =	vst v1  }
0x1e: {  	[tilespmem:$0x2B70] =	vst v1  }
0x1f: {  	[tilespmem:$0x2B80] =	vst v1  }
0x20: {  	[tilespmem:$0x2B90] =	vst v1  }
0x21: {  	[tilespmem:$0x2BA0] =	vst v1  }
0x22: {  	[tilespmem:$0x2BB0] =	vst v1  }
0x23: {  	[tilespmem:$0x2BC0] =	vst v1  }
0x24: {  	[tilespmem:$0x2BD0] =	vst v1  }
0x25: {  	[tilespmem:$0x2BE0] =	vst v1  }
0x26: {  	[tilespmem:$0x2BF0] =	vst v1  }
0x27: {  	[tilespmem:$0x2C00] =	vst v1  }
0x28: {  	[tilespmem:$0x2C10] =	vst v1  }
0x29: {  	[tilespmem:$0x2C20] =	vst v1  }
0x2a: {  	[tilespmem:$0x2C30] =	vst v1  }
0x2b: {  	[tilespmem:$0x2C40] =	vst v1  }
0x2c: {  	[tilespmem:$0x2C50] =	vst v1  }
0x2d: {  	[tilespmem:$0x2C60] =	vst v1  }
0x2e: {  	[tilespmem:$0x2C70] =	vst v1  }
0x2f: {  	[tilespmem:$0x2C80] =	vst v1  }
0x30: {  	[tilespmem:$0x2C90] =	vst v1  }
0x31: {  	[tilespmem:$0x2CA0] =	vst v1  }
0x32: {  	[tilespmem:$0x2CB0] =	vst v1  }
0x33: {  	[tilespmem:$0x2CC0] =	vst v1  }
0x34: {  	[tilespmem:$0x2CD0] =	vst v1  }
0x35: {  	[tilespmem:$0x2CE0] =	vst v1  }
0x36: {  	[tilespmem:$0x2CF0] =	vst v1  }
0x37: {  	[tilespmem:$0x2D00] =	vst v1  }
0x38: {  	[tilespmem:$0x2D10] =	vst v1  }
0x39: {  	[tilespmem:$0x2D20] =	vst v1  }
0x3a: {  	[tilespmem:$0x2D30] =	vst v1  }
0x3b: {  	[tilespmem:$0x2D40] =	vst v1  }
0x3c: {  	[tilespmem:$0x2D50] =	vst v1  }
0x3d: {  	[tilespmem:$0x2D60] =	vst v1  }
0x3e: {  	[tilespmem:$0x2D70] =	vst v1  }
0x3f: {  	[spmem:s4] =	stream.linear.scatter [tilespmem:s7], [sflag:$0x2], $0x280, $0x38;
	[tilespmem:$0x2D80] =	vst v63  }
0x40: {  	_ =	swait.ge [sflag:s8], $0x280  }
0x41: {  	[sflag:s8] =	ssyncset.done $0x0  }
0x42: {  	[sflag:s8] =	ssyncadd.s32 $0xFFFFFD80  }
0x43: {  	[bflag:$0x0] =	sbarrier.arrive $0xFFFF  }
0x44: {  	[tilespmem:s10], [sflag:$0x2] =	stream.linear.gather [hbm4b:s9+s3], $0x2800, $0x38;
	[tilespmem:$0x2D80] =	vst v63  }
0x45: {  	_ =	swait.ge [sflag:s8], $0x2800  }
0x46: {  	[sflag:s8] =	ssyncset.done $0x0  }
0x47: {  	s17 =	simm.s32 $0x280;
	[sflag:s8] =	ssyncadd.s32 $0xFFFFD800  }
0x48: {  	[spmem:s2] =	stream.indirect.scatter.add.f32 [tilespmem:s12], [sflag:$0x1], $0x1, s17, s11, $0xb8;
	[tilespmem:$0x2D80] =	vst v63  }
0x49: {  	s24 =	simm.s32 $0x300  }
0x4a: {  	[spmem:s2] =	stream.indirect.scatter.add.f32 [tilespmem:s12], [sflag:$0x1], $0x1, s24, s11, $0xb8;
	[tilespmem:$0x2D80] =	vst v63  }
0x4b: {  	s25 =	simm.s32 $0x380  }
0x4c: {  	[spmem:s2] =	stream.indirect.scatter.add.f32 [tilespmem:s12], [sflag:$0x1], $0x1, s25, s11, $0xb8;
	[tilespmem:$0x2D80] =	vst v63  }
0x4d: {  	s26 =	simm.s32 $0x400  }
0x4e: {  	[spmem:s2] =	stream.indirect.scatter.add.f32 [tilespmem:s12], [sflag:$0x1], $0x1, s26, s11, $0xb8;
	[tilespmem:$0x2D80] =	vst v63  }
0x4f: {  	s28 =	simm.s32 $0x480  }
0x50: {  	[spmem:s2] =	stream.indirect.scatter.add.f32 [tilespmem:s12], [sflag:$0x1], $0x1, s28, s11, $0xb8;
	[tilespmem:$0x2D80] =	vst v63  }
0x51: {  	s29 =	simm.s32 $0x500  }
0x52: {  	[spmem:s2] =	stream.indirect.scatter.add.f32 [tilespmem:s12], [sflag:$0x1], $0x1, s29, s11, $0xb8;
	[tilespmem:$0x2D80] =	vst v63  }
0x53: {  	s30 =	simm.s32 $0x580  }
0x54: {  	[spmem:s2] =	stream.indirect.scatter.add.f32 [tilespmem:s12], [sflag:$0x1], $0x1, s30, s11, $0xb8;
	[tilespmem:$0x2D80] =	vst v63  }
0x55: {  	s31 =	simm.s32 $0x600  }
0x56: {  	[spmem:s2] =	stream.indirect.scatter.add.f32 [tilespmem:s12], [sflag:$0x1], $0x1, s31, s11, $0xb8;
	[tilespmem:$0x2D80] =	vst v63  }
0x57: {  	_ =	swait.ge [sflag:s13], $0x80  }
0x58: {  	[sflag:s13] =	ssyncset.done $0x0  }
0x59: {  	[sflag:s13] =	ssyncadd.s32 $0xFFFFFF80  }
0x5a: {  	_ =	swait.ge [sflag:s13], $0x80  }
0x5b: {  	[sflag:s13] =	ssyncset.done $0x0  }
0x5c: {  	[sflag:s13] =	ssyncadd.s32 $0xFFFFFF80  }
0x5d: {  	_ =	swait.ge [sflag:s13], $0x80  }
0x5e: {  	[sflag:s13] =	ssyncset.done $0x0  }
0x5f: {  	[sflag:s13] =	ssyncadd.s32 $0xFFFFFF80  }
0x60: {  	_ =	swait.ge [sflag:s13], $0x80  }
0x61: {  	[sflag:s13] =	ssyncset.done $0x0  }
0x62: {  	[sflag:s13] =	ssyncadd.s32 $0xFFFFFF80  }
0x63: {  	_ =	swait.ge [sflag:s13], $0x80  }
0x64: {  	[sflag:s13] =	ssyncset.done $0x0  }
0x65: {  	[sflag:s13] =	ssyncadd.s32 $0xFFFFFF80  }
0x66: {  	_ =	swait.ge [sflag:s13], $0x80  }
0x67: {  	[sflag:s13] =	ssyncset.done $0x0  }
0x68: {  	[sflag:s13] =	ssyncadd.s32 $0xFFFFFF80  }
0x69: {  	_ =	swait.ge [sflag:s13], $0x80  }
0x6a: {  	[sflag:s13] =	ssyncset.done $0x0  }
0x6b: {  	[sflag:s13] =	ssyncadd.s32 $0xFFFFFF80  }
0x6c: {  	_ =	swait.ge [sflag:s13], $0x80  }
0x6d: {  	s20 =	simm.s32 $0x2000;
	s19 =	simm.s32 $0x400;
	[sflag:s13] =	ssyncset.done $0x0  }
.LBB2_2:
0x6e: {  	s21 =	sadd.s32 $0x280, s19  }
0x6f: {  	[sflag:s13] =	ssyncadd.s32 $0xFFFFFF80;
	s18 =	smov.u32 s20;
	s17 =	sadd.s32 $0x1000, s20  }
0x70: {  	[spmem:s2] =	stream.indirect.scatter.add.f32 [tilespmem:s12], [sflag:$0x1], $0x1, s21, s11, $0xb8;
	[tilespmem:$0x2D80] =	vst v63  }
0x71: {  	p0 =	sne.s32 s20, $0x9000;
	s20 =	sadd.s32 $0x300, s19  }
0x72: {  	[spmem:s2] =	stream.indirect.scatter.add.f32 [tilespmem:s12], [sflag:$0x1], $0x1, s20, s11, $0xb8;
	[tilespmem:$0x2D80] =	vst v63  }
0x73: {  	s20 =	sadd.s32 $0x380, s19  }
0x74: {  	[spmem:s2] =	stream.indirect.scatter.add.f32 [tilespmem:s12], [sflag:$0x1], $0x1, s20, s11, $0xb8;
	[tilespmem:$0x2D80] =	vst v63  }
0x75: {  	s20 =	sadd.s32 $0x400, s19  }
0x76: {  	[spmem:s2] =	stream.indirect.scatter.add.f32 [tilespmem:s12], [sflag:$0x1], $0x1, s20, s11, $0xb8;
	[tilespmem:$0x2D80] =	vst v63  }
0x77: {  	s20 =	sadd.s32 $0x480, s19  }
0x78: {  	[spmem:s2] =	stream.indirect.scatter.add.f32 [tilespmem:s12], [sflag:$0x1], $0x1, s20, s11, $0xb8;
	[tilespmem:$0x2D80] =	vst v63  }
0x79: {  	s20 =	sadd.s32 $0x500, s19  }
0x7a: {  	[spmem:s2] =	stream.indirect.scatter.add.f32 [tilespmem:s12], [sflag:$0x1], $0x1, s20, s11, $0xb8;
	[tilespmem:$0x2D80] =	vst v63  }
0x7b: {  	s20 =	sadd.s32 $0x580, s19  }
0x7c: {  	[spmem:s2] =	stream.indirect.scatter.add.f32 [tilespmem:s12], [sflag:$0x1], $0x1, s20, s11, $0xb8;
	[tilespmem:$0x2D80] =	vst v63  }
0x7d: {  	s19 =	sadd.s32 $0x600, s19  }
0x7e: {  	[spmem:s2] =	stream.indirect.scatter.add.f32 [tilespmem:s12], [sflag:$0x1], $0x1, s19, s11, $0xb8;
	[tilespmem:$0x2D80] =	vst v63  }
0x7f: {  	_ =	swait.ge [sflag:s13], $0x80  }
0x80: {  	[sflag:s13] =	ssyncset.done $0x0  }
0x81: {  	[sflag:s13] =	ssyncadd.s32 $0xFFFFFF80  }
0x82: {  	_ =	swait.ge [sflag:s13], $0x80  }
0x83: {  	[sflag:s13] =	ssyncset.done $0x0  }
0x84: {  	[sflag:s13] =	ssyncadd.s32 $0xFFFFFF80  }
0x85: {  	_ =	swait.ge [sflag:s13], $0x80  }
0x86: {  	[sflag:s13] =	ssyncset.done $0x0  }
0x87: {  	[sflag:s13] =	ssyncadd.s32 $0xFFFFFF80  }
0x88: {  	_ =	swait.ge [sflag:s13], $0x80  }
0x89: {  	[sflag:s13] =	ssyncset.done $0x0  }
0x8a: {  	[sflag:s13] =	ssyncadd.s32 $0xFFFFFF80  }
0x8b: {  	_ =	swait.ge [sflag:s13], $0x80  }
0x8c: {  	[sflag:s13] =	ssyncset.done $0x0  }
0x8d: {  	[sflag:s13] =	ssyncadd.s32 $0xFFFFFF80  }
0x8e: {  	_ =	swait.ge [sflag:s13], $0x80  }
0x8f: {  	[sflag:s13] =	ssyncset.done $0x0  }
0x90: {  	[sflag:s13] =	ssyncadd.s32 $0xFFFFFF80  }
.Ltmp0:
0x91: {  	_ =	swait.ge [sflag:s13], $0x80;
	(pc) =	sbr.rel @p0 .LBB2_2-.Ltmp0, $4  }
0x92: {  	[sflag:s13] =	ssyncset.done $0x0  }
0x93: {  	[sflag:s13] =	ssyncadd.s32 $0xFFFFFF80  }
0x94: {  	_ =	swait.ge [sflag:s13], $0x80  }
0x95: {  	s20 =	smov.u32 s17;
	s19 =	sshra.s32 s18, $0x2;
	[sflag:s13] =	ssyncset.done $0x0  }
0x96: {  	s17 =	sadd.s32 $0x280, s19;
	[sflag:s13] =	ssyncadd.s32 $0xFFFFFF80  }
0x97: {  	[spmem:s2] =	stream.indirect.scatter.add.f32 [tilespmem:s12], [sflag:$0x1], $0x1, s17, s11, $0xb8;
	[tilespmem:$0x2D80] =	vst v63  }
0x98: {  	s24 =	sadd.s32 $0x300, s19  }
0x99: {  	[spmem:s2] =	stream.indirect.scatter.add.f32 [tilespmem:s12], [sflag:$0x1], $0x1, s24, s11, $0xb8;
	[tilespmem:$0x2D80] =	vst v63  }
0x9a: {  	s25 =	sadd.s32 $0x380, s19  }
0x9b: {  	[spmem:s2] =	stream.indirect.scatter.add.f32 [tilespmem:s12], [sflag:$0x1], $0x1, s25, s11, $0xb8;
	[tilespmem:$0x2D80] =	vst v63  }
0x9c: {  	s26 =	sadd.s32 $0x400, s19  }
0x9d: {  	[spmem:s2] =	stream.indirect.scatter.add.f32 [tilespmem:s12], [sflag:$0x1], $0x1, s26, s11, $0xb8;
	[tilespmem:$0x2D80] =	vst v63  }
0x9e: {  	s28 =	sadd.s32 $0x480, s19  }
0x9f: {  	[spmem:s2] =	stream.indirect.scatter.add.f32 [tilespmem:s12], [sflag:$0x1], $0x1, s28, s11, $0xb8;
	[tilespmem:$0x2D80] =	vst v63  }
0xa0: {  	s29 =	sadd.s32 $0x500, s19  }
0xa1: {  	[spmem:s2] =	stream.indirect.scatter.add.f32 [tilespmem:s12], [sflag:$0x1], $0x1, s29, s11, $0xb8;
	[tilespmem:$0x2D80] =	vst v63  }
0xa2: {  	s30 =	sadd.s32 $0x580, s19  }
0xa3: {  	[spmem:s2] =	stream.indirect.scatter.add.f32 [tilespmem:s12], [sflag:$0x1], $0x1, s30, s11, $0xb8;
	[tilespmem:$0x2D80] =	vst v63  }
0xa4: {  	s31 =	sadd.s32 $0x600, s19  }
0xa5: {  	[spmem:s2] =	stream.indirect.scatter.add.f32 [tilespmem:s12], [sflag:$0x1], $0x1, s31, s11, $0xb8;
	[tilespmem:$0x2D80] =	vst v63  }
0xa6: {  	_ =	swait.ge [sflag:s13], $0x80  }
0xa7: {  	[sflag:s13] =	ssyncset.done $0x0  }
0xa8: {  	[sflag:s13] =	ssyncadd.s32 $0xFFFFFF80  }
0xa9: {  	_ =	swait.ge [sflag:s13], $0x80  }
0xaa: {  	[sflag:s13] =	ssyncset.done $0x0  }
0xab: {  	[sflag:s13] =	ssyncadd.s32 $0xFFFFFF80  }
0xac: {  	_ =	swait.ge [sflag:s13], $0x80  }
0xad: {  	[sflag:s13] =	ssyncset.done $0x0  }
0xae: {  	[sflag:s13] =	ssyncadd.s32 $0xFFFFFF80  }
0xaf: {  	_ =	swait.ge [sflag:s13], $0x80  }
0xb0: {  	[sflag:s13] =	ssyncset.done $0x0  }
0xb1: {  	[sflag:s13] =	ssyncadd.s32 $0xFFFFFF80  }
0xb2: {  	_ =	swait.ge [sflag:s13], $0x80  }
0xb3: {  	[sflag:s13] =	ssyncset.done $0x0  }
0xb4: {  	[sflag:s13] =	ssyncadd.s32 $0xFFFFFF80  }
0xb5: {  	_ =	swait.ge [sflag:s13], $0x80  }
0xb6: {  	[sflag:s13] =	ssyncset.done $0x0  }
0xb7: {  	[sflag:s13] =	ssyncadd.s32 $0xFFFFFF80  }
0xb8: {  	_ =	swait.ge [sflag:s13], $0x80  }
0xb9: {  	[sflag:s13] =	ssyncset.done $0x0  }
0xba: {  	[sflag:s13] =	ssyncadd.s32 $0xFFFFFF80  }
0xbb: {  	_ =	swait.ge [sflag:s13], $0x80  }
0xbc: {  	s16 =	sadd.s32 $0x1, s16;
	[sflag:s13] =	ssyncset.done $0x0  }
0xbd: {  	p0 =	sne.s32 s16, s6;
	[sflag:s13] =	ssyncadd.s32 $0xFFFFFF80  }
.Ltmp1:
0xbe: {  	[bflag:$0x0] =	sbarrier.arrive $0xFFFF;
	(pc) =	sbr.rel @p0 .LBB2_1-.Ltmp1, $4  }
0xbf: {  	[hbm:s5], [sflag:s14] =	dma.local [spmem:s15], $0x50  }
0xc0: {  	_ =	swait.ge [sflag:s8], $0x50  }
0xc1: {  	[sflag:s8] =	ssyncset.done $0x0  }
0xc2: {  	[sflag:s8] =	ssyncadd.s32 $0xFFFFFFB0  }
0xc3: {  	_ =	sfence.sel $0x180000  }
0xc4: {  	[bflag:$0x0] =	sbarrier.arrive $0xFFFF  }
0xc5: {  	p0 =	sne.s32 s1, $0x0;
	_ =	strace $0x90000047  }
0xc6: {  	s0 =	sadd.s32 @!p0 $0x100000, s0;
	[bflag:$0x2] =	sbarrier.arrive $0xFFFF  }
0xc7: {  	[sflag:s0] =	ssyncadd.tile.s32 @!p0 $0x1;
	_ =	shalt  }
.Lfunc_end2:
_tile_overlayer_lowered:
.L_overlay_start_2:
0xc8: {  	(tag) =	ssettag $0x2  }
0xc9: {  	s0 =	rddreg [dreg:$0x0];
	s2 =	stileid.u32  }
0xca: {  	s1 =	rddreg [dreg:$0x1];
	p0 =	sne.s32 s2, $0x0  }
0xcb: {  	s3 =	rddreg [dreg:$0x2];
	[bflag:$0x3] =	sbarrier.arrive $0xFFFF;
	s2 =	simm.s32 @!p0 $0x1C02  }
0xcc: {  	[timem:s3], [sflag:s2] =	dma.local @!p0 [hbm:s0], s1  }
0xcd: {  	s0 =	simm.s32 @!p0 $0x2  }
0xce: {  	_ =	swait.ge @!p0 [sflag:s0], s1  }
0xcf: {  	s1 =	ssub.s32 @!p0 $0x0, s1;
	[sflag:s0] =	ssyncset.done @!p0 $0x0  }
0xd0: {  	[sflag:s0] =	ssyncadd.s32 @!p0 s1  }
0xd1: {  	[bflag:$0x3] =	sbarrier.arrive $0xFFFF  }
0xd2: {  	_ =	shalt  }

</sc_bundles>
